<compile_context>
chip_gen: v7x
topology: tpu7x:2x2x1
jax: 0.10.2.dev20260603
libtpu: 0.0.44.dev20260713+nightly
codegen_flags: <defaults>
</compile_context>

<pallas_src>
import functools

import jax
import jax.numpy as jnp
from jax import lax
from jax.experimental import pallas as pl
from jax.experimental.pallas import tpu as pltpu
from jax.experimental.pallas import tpu_sc as plsc

_N = 1000
_C = 81
_M = 28
_D = _M * _M
_NP = 1024
_DP = 896
_THRESH = 0.5
_F32 = jnp.float32
_HI = jax.lax.Precision.HIGHEST


@functools.lru_cache(maxsize=None)
def _make_sc_gather():
    info = plsc.get_sparse_core_info()
    nc, ns = info.num_cores, info.num_subcores
    nw = nc * ns
    b_per_w = _NP // nw
    mesh = plsc.VectorSubcoreMesh(core_axis_name="c", subcore_axis_name="s")

    @functools.partial(
        pl.kernel,
        mesh=mesh,
        out_type=jax.ShapeDtypeStruct((_NP, _M, _M), _F32),
        scratch_types=[
            pltpu.VMEM((b_per_w,), jnp.int32),
            pltpu.SemaphoreType.DMA,
        ],
    )
    def gather_k(x4_hbm, idx_hbm, out_hbm, idx_v, sem):
        wid = lax.axis_index("s") * nc + lax.axis_index("c")
        base = wid * b_per_w
        pltpu.sync_copy(idx_hbm.at[pl.ds(base, b_per_w)], idx_v)
        copies = []
        for k in range(b_per_w):
            f = idx_v[pl.ds(k, 1)][0]
            d = f // _C
            c = f - d * _C
            copies.append(
                pltpu.async_copy(x4_hbm.at[d, c], out_hbm.at[base + k], sem))
        for c in copies:
            c.wait()

    return gather_k


def _tc_body(g_ref, srow_ref, scol_ref, out_ref, s_scr):
    masks_un = jax.nn.sigmoid(g_ref[...])
    srow = srow_ref[...]
    scol = scol_ref[...]
    ia = lax.broadcasted_iota(jnp.int32, (_NP, _NP), 0)
    ij = lax.broadcasted_iota(jnp.int32, (_NP, _NP), 1)

    beats = (scol > srow) | ((scol == srow) & (ia < ij))
    rank_row = jnp.sum(beats.astype(_F32), axis=0, keepdims=True)

    rank_i = rank_row.astype(jnp.int32)
    perm = (jnp.broadcast_to(rank_i, (_NP, _NP)) == ia).astype(_F32)
    masks_s = lax.dot_general(
        perm, masks_un, (((1,), (0,)), ((), ())),
        precision=_HI, preferred_element_type=_F32)

    areas = jnp.sum(masks_s, axis=1, keepdims=True)
    inter = lax.dot_general(
        masks_s, masks_s, (((1,), (1,)), ((), ())),
        precision=_HI, preferred_element_type=_F32)
    iou = inter / (areas + 0.0001)
    s_scr[...] = ((iou >= _THRESH) & (ij > ia)).astype(_F32)

    def body(carry):
        keep, _ = carry
        sup = lax.dot_general(
            keep, s_scr[...], (((1,), (0,)), ((), ())),
            preferred_element_type=_F32)
        new = jnp.where(sup > 0.0, 0.0, 1.0)
        changed = jnp.sum(jnp.abs(new - keep)) > 0.0
        return new, changed

    keep0 = jnp.ones((1, _NP), _F32)
    keep, _ = lax.while_loop(lambda c: c[1], body, (keep0, jnp.bool_(True)))

    eye = (ia == ij).astype(_F32)
    keep_col = jnp.sum(jnp.broadcast_to(keep, (_NP, _NP)) * eye,
                       axis=1, keepdims=True)
    out_ref[...] = masks_s * keep_col


_tc_call = pl.pallas_call(
    _tc_body,
    out_shape=jax.ShapeDtypeStruct((_NP, _D), _F32),
    scratch_shapes=[pltpu.VMEM((_NP, _NP), _F32)],
)


def kernel(x, labels, scores):
    gidx = jnp.arange(_N, dtype=jnp.int32) * _C + labels.astype(jnp.int32)
    gidx = jnp.concatenate(
        [gidx, jnp.zeros((_NP - _N,), jnp.int32)])
    gathered = _make_sc_gather()(x, gidx)
    sp = jnp.concatenate(
        [scores.astype(_F32), jnp.full((_NP - _N,), -1.0, _F32)])
    out = _tc_call(gathered.reshape(_NP, _D),
                   sp.reshape(1, _NP), sp.reshape(_NP, 1))
    return out[:_N].reshape(_N, _M, _M)

# --- scband reference (transcript-rebuilt; emitter-appended) ---
"""Pipeline reference for scband-mask-post-processor-9045201125729 (READ-ONLY COPY).

The authoritative reference and input builder live on the scoring server;
editing this copy changes nothing except your own understanding.
"""

import jax, jax.numpy as jnp
import numpy as np

MASK_NMS_THRESH = 0.5
N = 1000
C = 81
M = 28

def setup_inputs(seed: int = 0):
    key = jax.random.key(seed)
    k1, k2, k3 = jax.random.split(key, 3)
    x = jax.random.normal(k1, (N, C, M, M), dtype=jnp.float32)
    labels = jax.random.randint(k2, (N,), 0, C, dtype=jnp.int32)
    scores = jax.random.uniform(k3, (N,), dtype=jnp.float32)
    return {"x": x, "labels": labels, "scores": scores}

def _greedy_mask_nms(masks, areas):
    # masks: [N, M, M] sorted by descending score. Greedy suppression:
    # suppress j > i if (masks[i]*masks[j]).sum() / (areas[i] + 1e-4) >= thresh
    n = masks.shape[0]
    idxs = jnp.arange(n)
    def body(i, keep):
        mi = masks[i]
        inter = (mi[None, :, :] * masks).sum(axis=(-1, -2))
        iou = inter / (areas[i] + 0.0001)
        suppress = (iou >= MASK_NMS_THRESH) & (idxs > i) & keep[i]
        return keep & (~suppress)
    return jax.lax.fori_loop(0, n, body, jnp.ones((n,), dtype=bool))

def reference(x, labels, scores):
    n = x.shape[0]
    # mask_prob = x.sigmoid(); select the mask channel of the predicted class
    prob = jax.nn.sigmoid(x)
    mask_prob = prob[jnp.arange(n), labels]  # [N, M, M]
    # filter_empty: sigmoid > 0 always, so all masks are valid (kept faithful)
    # mask NMS: rank by scores descending
    order = jnp.argsort(-scores)
    masks = jnp.take(mask_prob, order, axis=0)
    areas = masks.sum(axis=(-1, -2))
    keep = _greedy_mask_nms(jax.lax.stop_gradient(masks), jax.lax.stop_gradient(areas))
    keep = jax.lax.stop_gradient(keep)
    out = masks * keep.astype(masks.dtype)[:, None, None]
    return out

if __name__ == "__main__":
    import jax
    _d = setup_inputs()
    print(jax.jit(kernel)(*tuple(_d.values())))

</pallas_src>

<mosaic_0001>
#map = affine_map<(d0, d1) -> (0, 0, 0, 0)>
#map1 = affine_map<(d0, d1) -> (0)>
#map2 = affine_map<(d0, d1) -> (0, 0, 0)>
module attributes {stable_mosaic.version = 14 : i64} {
  func.func @gather_k(%arg0: i32, %arg1: i32, %arg2: memref<1000x81x28x28xf32, #tpu.memory_space<hbm>>, %arg3: memref<1024xi32, #tpu.memory_space<hbm>>, %arg4: memref<1024x28x28xf32, #tpu.memory_space<hbm>>, %arg5: memref<32xi32, #tpu.memory_space<vmem>>, %arg6: memref<!tpu.dma_semaphore, #tpu.memory_space<semaphore_mem>>) attributes {dimension_semantics = [#tpu.dimension_semantics<core_parallel>, #tpu.dimension_semantics<subcore_parallel>], iteration_bounds = array<i64: 2, 16>, scalar_prefetch = 0 : i64, scratch_operands = 2 : i64, tpu.core_type = #tpu.core_type<sc_vector_subcore>, window_params = [{transform_indices = #map}, {transform_indices = #map1}, {transform_indices = #map2}]} {
    %mul3A = arith.constant 2 : i32
    %mul3A_0 = arith.muli %arg1, %mul3A : i32
    %add3A = arith.addi %mul3A_0, %arg0 : i32
    %mul3A_1 = arith.constant 32 : i32
    %mul3A_2 = arith.muli %add3A, %mul3A_1 : i32
    "tpu.region"() ({
      %run_scoped3A = tpu.sem_alloc : memref<!tpu.dma_semaphore, #tpu.memory_space<semaphore_mem>>
      %dma_start3A_1559 = tpu.memref_slice %arg3[%mul3A_2] : memref<1024xi32, #tpu.memory_space<hbm>> -> memref<32xi32, #tpu.memory_space<hbm>>
      %dma_start3A_1560 = tpu.memref_slice %arg3[%mul3A_2] : memref<1024xi32, #tpu.memory_space<hbm>> -> memref<32xi32, #tpu.memory_space<hbm>>
      tpu.enqueue_dma source(%dma_start3A_1560 : memref<32xi32, #tpu.memory_space<hbm>>) target(%arg5 : memref<32xi32, #tpu.memory_space<vmem>>) target_semaphore(%run_scoped3A : memref<!tpu.dma_semaphore, #tpu.memory_space<semaphore_mem>>)
      %dma_wait3A_1561 = tpu.memref_slice %arg3[%mul3A_2] : memref<1024xi32, #tpu.memory_space<hbm>> -> memref<32xi32, #tpu.memory_space<hbm>>
      %dma_wait3A_1562 = tpu.memref_slice %arg3[%mul3A_2] : memref<1024xi32, #tpu.memory_space<hbm>> -> memref<32xi32, #tpu.memory_space<hbm>>
      tpu.wait_dma2 semaphore(%run_scoped3A : memref<!tpu.dma_semaphore, #tpu.memory_space<semaphore_mem>>) src(%dma_wait3A_1562 : memref<32xi32, #tpu.memory_space<hbm>>) dst(%arg5 : memref<32xi32, #tpu.memory_space<vmem>>)
      tpu.yield
    }) : () -> ()
    %get3A = arith.constant 0 : index
    %get3A_3 = tpu.vector_load %arg5[%get3A] {strides = array<i32>} : memref<32xi32, #tpu.memory_space<vmem>>, vector<1xi32>,
    %get3A_4 = vector.shape_cast %get3A_3 : vector<1xi32> to vector<1xi32>
    %squeeze3A = vector.extract %get3A_4[0] : i32 from vector<1xi32>
    %jit3A = arith.constant 81 : i32
    %div3A = arith.divsi %squeeze3A, %jit3A : i32
    %sign3A = arith.constant 0 : i32
    %sign3A_5 = arith.cmpi sgt, %squeeze3A, %sign3A : i32
    %sign3A_6 = arith.extui %sign3A_5 : i1 to i32
    %sign3A_7 = arith.constant 0 : i32
    %sign3A_8 = arith.cmpi slt, %squeeze3A, %sign3A_7 : i32
    %sign3A_9 = arith.extui %sign3A_8 : i1 to i32
    %sign3A_10 = arith.subi %sign3A_6, %sign3A_9 : i32
    %sign3A_11 = arith.constant 0 : i32
    %sign3A_12 = arith.cmpi sgt, %jit3A, %sign3A_11 : i32
    %sign3A_13 = arith.extui %sign3A_12 : i1 to i32
    %sign3A_14 = arith.constant 0 : i32
    %sign3A_15 = arith.cmpi slt, %jit3A, %sign3A_14 : i32
    %sign3A_16 = arith.extui %sign3A_15 : i1 to i32
    %sign3A_17 = arith.subi %sign3A_13, %sign3A_16 : i32
    %ne3A = arith.cmpi ne, %sign3A_10, %sign3A_17 : i32
    %rem3A = arith.remsi %squeeze3A, %jit3A : i32
    %ne3A_18 = arith.constant 0 : i32
    %ne3A_19 = arith.cmpi ne, %rem3A, %ne3A_18 : i32
    %and3A = arith.andi %ne3A, %ne3A_19 : i1
    %sub3A = arith.constant 1 : i32
    %sub3A_20 = arith.subi %div3A, %sub3A : i32
    %select_n3A = arith.select %and3A, %sub3A_20, %div3A : i32
    %mul3A_21 = arith.constant 81 : i32
    %mul3A_22 = arith.muli %select_n3A, %mul3A_21 : i32
    %sub3A_23 = arith.subi %squeeze3A, %mul3A_22 : i32
    %add3A_24 = arith.constant 0 : i32
    %add3A_25 = arith.addi %mul3A_2, %add3A_24 : i32
    %dma_start3A = arith.constant 0 : i32
    %dma_start3A_26 = arith.constant 0 : i32
    %dma_start3A_27 = tpu.memref_slice %arg4[%add3A_25, %dma_start3A, %dma_start3A_26] : memref<1024x28x28xf32, #tpu.memory_space<hbm>> -> memref<1x28x28xf32, #tpu.memory_space<hbm>>
    %dma_start3A_28 = tpu.memref_squeeze %dma_start3A_27 : memref<1x28x28xf32, #tpu.memory_space<hbm>> -> memref<28x28xf32, #tpu.memory_space<hbm>>
    %dma_start3A_29 = arith.constant 0 : i32
    %dma_start3A_30 = arith.constant 0 : i32
    %dma_start3A_31 = tpu.memref_slice %arg2[%select_n3A, %sub3A_23, %dma_start3A_29, %dma_start3A_30] : memref<1000x81x28x28xf32, #tpu.memory_space<hbm>> -> memref<1x1x28x28xf32, #tpu.memory_space<hbm>>
    %dma_start3A_32 = tpu.memref_squeeze %dma_start3A_31 : memref<1x1x28x28xf32, #tpu.memory_space<hbm>> -> memref<28x28xf32, #tpu.memory_space<hbm>>
    tpu.enqueue_dma source(%dma_start3A_32 : memref<28x28xf32, #tpu.memory_space<hbm>>) target(%dma_start3A_28 : memref<28x28xf32, #tpu.memory_space<hbm>>) target_semaphore(%arg6 : memref<!tpu.dma_semaphore, #tpu.memory_space<semaphore_mem>>)
    %get3A_33 = arith.constant 1 : index
    %get3A_34 = tpu.vector_load %arg5[%get3A_33] {strides = array<i32>} : memref<32xi32, #tpu.memory_space<vmem>>, vector<1xi32>,
    %get3A_35 = vector.shape_cast %get3A_34 : vector<1xi32> to vector<1xi32>
    %squeeze3A_36 = vector.extract %get3A_35[0] : i32 from vector<1xi32>
    %jit3A_37 = arith.constant 81 : i32
    %div3A_38 = arith.divsi %squeeze3A_36, %jit3A_37 : i32
    %sign3A_39 = arith.constant 0 : i32
    %sign3A_40 = arith.cmpi sgt, %squeeze3A_36, %sign3A_39 : i32
    %sign3A_41 = arith.extui %sign3A_40 : i1 to i32
    %sign3A_42 = arith.constant 0 : i32
    %sign3A_43 = arith.cmpi slt, %squeeze3A_36, %sign3A_42 : i32
    %sign3A_44 = arith.extui %sign3A_43 : i1 to i32
    %sign3A_45 = arith.subi %sign3A_41, %sign3A_44 : i32
    %sign3A_46 = arith.constant 0 : i32
    %sign3A_47 = arith.cmpi sgt, %jit3A_37, %sign3A_46 : i32
    %sign3A_48 = arith.extui %sign3A_47 : i1 to i32
    %sign3A_49 = arith.constant 0 : i32
    %sign3A_50 = arith.cmpi slt, %jit3A_37, %sign3A_49 : i32
    %sign3A_51 = arith.extui %sign3A_50 : i1 to i32
    %sign3A_52 = arith.subi %sign3A_48, %sign3A_51 : i32
    %ne3A_53 = arith.cmpi ne, %sign3A_45, %sign3A_52 : i32
    %rem3A_54 = arith.remsi %squeeze3A_36, %jit3A_37 : i32
    %ne3A_55 = arith.constant 0 : i32
    %ne3A_56 = arith.cmpi ne, %rem3A_54, %ne3A_55 : i32
    %and3A_57 = arith.andi %ne3A_53, %ne3A_56 : i1
    %sub3A_58 = arith.constant 1 : i32
    %sub3A_59 = arith.subi %div3A_38, %sub3A_58 : i32
    %select_n3A_60 = arith.select %and3A_57, %sub3A_59, %div3A_38 : i32
    %mul3A_61 = arith.constant 81 : i32
    %mul3A_62 = arith.muli %select_n3A_60, %mul3A_61 : i32
    %sub3A_63 = arith.subi %squeeze3A_36, %mul3A_62 : i32
    %add3A_64 = arith.constant 1 : i32
    %add3A_65 = arith.addi %mul3A_2, %add3A_64 : i32
    %dma_start3A_66 = arith.constant 0 : i32
    %dma_start3A_67 = arith.constant 0 : i32
    %dma_start3A_68 = tpu.memref_slice %arg4[%add3A_65, %dma_start3A_66, %dma_start3A_67] : memref<1024x28x28xf32, #tpu.memory_space<hbm>> -> memref<1x28x28xf32, #tpu.memory_space<hbm>>
    %dma_start3A_69 = tpu.memref_squeeze %dma_start3A_68 : memref<1x28x28xf32, #tpu.memory_space<hbm>> -> memref<28x28xf32, #tpu.memory_space<hbm>>
    %dma_start3A_70 = arith.constant 0 : i32
    %dma_start3A_71 = arith.constant 0 : i32
    %dma_start3A_72 = tpu.memref_slice %arg2[%select_n3A_60, %sub3A_63, %dma_start3A_70, %dma_start3A_71] : memref<1000x81x28x28xf32, #tpu.memory_space<hbm>> -> memref<1x1x28x28xf32, #tpu.memory_space<hbm>>
    %dma_start3A_73 = tpu.memref_squeeze %dma_start3A_72 : memref<1x1x28x28xf32, #tpu.memory_space<hbm>> -> memref<28x28xf32, #tpu.memory_space<hbm>>
    tpu.enqueue_dma source(%dma_start3A_73 : memref<28x28xf32, #tpu.memory_space<hbm>>) target(%dma_start3A_69 : memref<28x28xf32, #tpu.memory_space<hbm>>) target_semaphore(%arg6 : memref<!tpu.dma_semaphore, #tpu.memory_space<semaphore_mem>>)
    %get3A_74 = arith.constant 2 : index
    %get3A_75 = tpu.vector_load %arg5[%get3A_74] {strides = array<i32>} : memref<32xi32, #tpu.memory_space<vmem>>, vector<1xi32>,
    %get3A_76 = vector.shape_cast %get3A_75 : vector<1xi32> to vector<1xi32>
    %squeeze3A_77 = vector.extract %get3A_76[0] : i32 from vector<1xi32>
    %jit3A_78 = arith.constant 81 : i32
    %div3A_79 = arith.divsi %squeeze3A_77, %jit3A_78 : i32
    %sign3A_80 = arith.constant 0 : i32
    %sign3A_81 = arith.cmpi sgt, %squeeze3A_77, %sign3A_80 : i32
    %sign3A_82 = arith.extui %sign3A_81 : i1 to i32
    %sign3A_83 = arith.constant 0 : i32
    %sign3A_84 = arith.cmpi slt, %squeeze3A_77, %sign3A_83 : i32
    %sign3A_85 = arith.extui %sign3A_84 : i1 to i32
    %sign3A_86 = arith.subi %sign3A_82, %sign3A_85 : i32
    %sign3A_87 = arith.constant 0 : i32
    %sign3A_88 = arith.cmpi sgt, %jit3A_78, %sign3A_87 : i32
    %sign3A_89 = arith.extui %sign3A_88 : i1 to i32
    %sign3A_90 = arith.constant 0 : i32
    %sign3A_91 = arith.cmpi slt, %jit3A_78, %sign3A_90 : i32
    %sign3A_92 = arith.extui %sign3A_91 : i1 to i32
    %sign3A_93 = arith.subi %sign3A_89, %sign3A_92 : i32
    %ne3A_94 = arith.cmpi ne, %sign3A_86, %sign3A_93 : i32
    %rem3A_95 = arith.remsi %squeeze3A_77, %jit3A_78 : i32
    %ne3A_96 = arith.constant 0 : i32
    %ne3A_97 = arith.cmpi ne, %rem3A_95, %ne3A_96 : i32
    %and3A_98 = arith.andi %ne3A_94, %ne3A_97 : i1
    %sub3A_99 = arith.constant 1 : i32
    %sub3A_100 = arith.subi %div3A_79, %sub3A_99 : i32
    %select_n3A_101 = arith.select %and3A_98, %sub3A_100, %div3A_79 : i32
    %mul3A_102 = arith.constant 81 : i32
    %mul3A_103 = arith.muli %select_n3A_101, %mul3A_102 : i32
    %sub3A_104 = arith.subi %squeeze3A_77, %mul3A_103 : i32
    %add3A_105 = arith.constant 2 : i32
    %add3A_106 = arith.addi %mul3A_2, %add3A_105 : i32
    %dma_start3A_107 = arith.constant 0 : i32
    %dma_start3A_108 = arith.constant 0 : i32
    %dma_start3A_109 = tpu.memref_slice %arg4[%add3A_106, %dma_start3A_107, %dma_start3A_108] : memref<1024x28x28xf32, #tpu.memory_space<hbm>> -> memref<1x28x28xf32, #tpu.memory_space<hbm>>
    %dma_start3A_110 = tpu.memref_squeeze %dma_start3A_109 : memref<1x28x28xf32, #tpu.memory_space<hbm>> -> memref<28x28xf32, #tpu.memory_space<hbm>>
    %dma_start3A_111 = arith.constant 0 : i32
    %dma_start3A_112 = arith.constant 0 : i32
    %dma_start3A_113 = tpu.memref_slice %arg2[%select_n3A_101, %sub3A_104, %dma_start3A_111, %dma_start3A_112] : memref<1000x81x28x28xf32, #tpu.memory_space<hbm>> -> memref<1x1x28x28xf32, #tpu.memory_space<hbm>>
    %dma_start3A_114 = tpu.memref_squeeze %dma_start3A_113 : memref<1x1x28x28xf32, #tpu.memory_space<hbm>> -> memref<28x28xf32, #tpu.memory_space<hbm>>
    tpu.enqueue_dma source(%dma_start3A_114 : memref<28x28xf32, #tpu.memory_space<hbm>>) target(%dma_start3A_110 : memref<28x28xf32, #tpu.memory_space<hbm>>) target_semaphore(%arg6 : memref<!tpu.dma_semaphore, #tpu.memory_space<semaphore_mem>>)
    %get3A_115 = arith.constant 3 : index
    %get3A_116 = tpu.vector_load %arg5[%get3A_115] {strides = array<i32>} : memref<32xi32, #tpu.memory_space<vmem>>, vector<1xi32>,
    %get3A_117 = vector.shape_cast %get3A_116 : vector<1xi32> to vector<1xi32>
    %squeeze3A_118 = vector.extract %get3A_117[0] : i32 from vector<1xi32>
    %jit3A_119 = arith.constant 81 : i32
    %div3A_120 = arith.divsi %squeeze3A_118, %jit3A_119 : i32
    %sign3A_121 = arith.constant 0 : i32
    %sign3A_122 = arith.cmpi sgt, %squeeze3A_118, %sign3A_121 : i32
    %sign3A_123 = arith.extui %sign3A_122 : i1 to i32
    %sign3A_124 = arith.constant 0 : i32
    %sign3A_125 = arith.cmpi slt, %squeeze3A_118, %sign3A_124 : i32
    %sign3A_126 = arith.extui %sign3A_125 : i1 to i32
    %sign3A_127 = arith.subi %sign3A_123, %sign3A_126 : i32
    %sign3A_128 = arith.constant 0 : i32
    %sign3A_129 = arith.cmpi sgt, %jit3A_119, %sign3A_128 : i32
    %sign3A_130 = arith.extui %sign3A_129 : i1 to i32
    %sign3A_131 = arith.constant 0 : i32
    %sign3A_132 = arith.cmpi slt, %jit3A_119, %sign3A_131 : i32
    %sign3A_133 = arith.extui %sign3A_132 : i1 to i32
    %sign3A_134 = arith.subi %sign3A_130, %sign3A_133 : i32
    %ne3A_135 = arith.cmpi ne, %sign3A_127, %sign3A_134 : i32
    %rem3A_136 = arith.remsi %squeeze3A_118, %jit3A_119 : i32
    %ne3A_137 = arith.constant 0 : i32
    %ne3A_138 = arith.cmpi ne, %rem3A_136, %ne3A_137 : i32
    %and3A_139 = arith.andi %ne3A_135, %ne3A_138 : i1
    %sub3A_140 = arith.constant 1 : i32
    %sub3A_141 = arith.subi %div3A_120, %sub3A_140 : i32
    %select_n3A_142 = arith.select %and3A_139, %sub3A_141, %div3A_120 : i32
    %mul3A_143 = arith.constant 81 : i32
    %mul3A_144 = arith.muli %select_n3A_142, %mul3A_143 : i32
    %sub3A_145 = arith.subi %squeeze3A_118, %mul3A_144 : i32
    %add3A_146 = arith.constant 3 : i32
    %add3A_147 = arith.addi %mul3A_2, %add3A_146 : i32
    %dma_start3A_148 = arith.constant 0 : i32
    %dma_start3A_149 = arith.constant 0 : i32
    %dma_start3A_150 = tpu.memref_slice %arg4[%add3A_147, %dma_start3A_148, %dma_start3A_149] : memref<1024x28x28xf32, #tpu.memory_space<hbm>> -> memref<1x28x28xf32, #tpu.memory_space<hbm>>
    %dma_start3A_151 = tpu.memref_squeeze %dma_start3A_150 : memref<1x28x28xf32, #tpu.memory_space<hbm>> -> memref<28x28xf32, #tpu.memory_space<hbm>>
    %dma_start3A_152 = arith.constant 0 : i32
    %dma_start3A_153 = arith.constant 0 : i32
    %dma_start3A_154 = tpu.memref_slice %arg2[%select_n3A_142, %sub3A_145, %dma_start3A_152, %dma_start3A_153] : memref<1000x81x28x28xf32, #tpu.memory_space<hbm>> -> memref<1x1x28x28xf32, #tpu.memory_space<hbm>>
    %dma_start3A_155 = tpu.memref_squeeze %dma_start3A_154 : memref<1x1x28x28xf32, #tpu.memory_space<hbm>> -> memref<28x28xf32, #tpu.memory_space<hbm>>
    tpu.enqueue_dma source(%dma_start3A_155 : memref<28x28xf32, #tpu.memory_space<hbm>>) target(%dma_start3A_151 : memref<28x28xf32, #tpu.memory_space<hbm>>) target_semaphore(%arg6 : memref<!tpu.dma_semaphore, #tpu.memory_space<semaphore_mem>>)
    %get3A_156 = arith.constant 4 : index
    %get3A_157 = tpu.vector_load %arg5[%get3A_156] {strides = array<i32>} : memref<32xi32, #tpu.memory_space<vmem>>, vector<1xi32>,
    %get3A_158 = vector.shape_cast %get3A_157 : vector<1xi32> to vector<1xi32>
    %squeeze3A_159 = vector.extract %get3A_158[0] : i32 from vector<1xi32>
    %jit3A_160 = arith.constant 81 : i32
    %div3A_161 = arith.divsi %squeeze3A_159, %jit3A_160 : i32
    %sign3A_162 = arith.constant 0 : i32
    %sign3A_163 = arith.cmpi sgt, %squeeze3A_159, %sign3A_162 : i32
    %sign3A_164 = arith.extui %sign3A_163 : i1 to i32
    %sign3A_165 = arith.constant 0 : i32
    %sign3A_166 = arith.cmpi slt, %squeeze3A_159, %sign3A_165 : i32
    %sign3A_167 = arith.extui %sign3A_166 : i1 to i32
    %sign3A_168 = arith.subi %sign3A_164, %sign3A_167 : i32
    %sign3A_169 = arith.constant 0 : i32
    %sign3A_170 = arith.cmpi sgt, %jit3A_160, %sign3A_169 : i32
    %sign3A_171 = arith.extui %sign3A_170 : i1 to i32
    %sign3A_172 = arith.constant 0 : i32
    %sign3A_173 = arith.cmpi slt, %jit3A_160, %sign3A_172 : i32
    %sign3A_174 = arith.extui %sign3A_173 : i1 to i32
    %sign3A_175 = arith.subi %sign3A_171, %sign3A_174 : i32
    %ne3A_176 = arith.cmpi ne, %sign3A_168, %sign3A_175 : i32
    %rem3A_177 = arith.remsi %squeeze3A_159, %jit3A_160 : i32
    %ne3A_178 = arith.constant 0 : i32
    %ne3A_179 = arith.cmpi ne, %rem3A_177, %ne3A_178 : i32
    %and3A_180 = arith.andi %ne3A_176, %ne3A_179 : i1
    %sub3A_181 = arith.constant 1 : i32
    %sub3A_182 = arith.subi %div3A_161, %sub3A_181 : i32
    %select_n3A_183 = arith.select %and3A_180, %sub3A_182, %div3A_161 : i32
    %mul3A_184 = arith.constant 81 : i32
    %mul3A_185 = arith.muli %select_n3A_183, %mul3A_184 : i32
    %sub3A_186 = arith.subi %squeeze3A_159, %mul3A_185 : i32
    %add3A_187 = arith.constant 4 : i32
    %add3A_188 = arith.addi %mul3A_2, %add3A_187 : i32
    %dma_start3A_189 = arith.constant 0 : i32
    %dma_start3A_190 = arith.constant 0 : i32
    %dma_start3A_191 = tpu.memref_slice %arg4[%add3A_188, %dma_start3A_189, %dma_start3A_190] : memref<1024x28x28xf32, #tpu.memory_space<hbm>> -> memref<1x28x28xf32, #tpu.memory_space<hbm>>
    %dma_start3A_192 = tpu.memref_squeeze %dma_start3A_191 : memref<1x28x28xf32, #tpu.memory_space<hbm>> -> memref<28x28xf32, #tpu.memory_space<hbm>>
    %dma_start3A_193 = arith.constant 0 : i32
    %dma_start3A_194 = arith.constant 0 : i32
    %dma_start3A_195 = tpu.memref_slice %arg2[%select_n3A_183, %sub3A_186, %dma_start3A_193, %dma_start3A_194] : memref<1000x81x28x28xf32, #tpu.memory_space<hbm>> -> memref<1x1x28x28xf32, #tpu.memory_space<hbm>>
    %dma_start3A_196 = tpu.memref_squeeze %dma_start3A_195 : memref<1x1x28x28xf32, #tpu.memory_space<hbm>> -> memref<28x28xf32, #tpu.memory_space<hbm>>
    tpu.enqueue_dma source(%dma_start3A_196 : memref<28x28xf32, #tpu.memory_space<hbm>>) target(%dma_start3A_192 : memref<28x28xf32, #tpu.memory_space<hbm>>) target_semaphore(%arg6 : memref<!tpu.dma_semaphore, #tpu.memory_space<semaphore_mem>>)
    %get3A_197 = arith.constant 5 : index
    %get3A_198 = tpu.vector_load %arg5[%get3A_197] {strides = array<i32>} : memref<32xi32, #tpu.memory_space<vmem>>, vector<1xi32>,
    %get3A_199 = vector.shape_cast %get3A_198 : vector<1xi32> to vector<1xi32>
    %squeeze3A_200 = vector.extract %get3A_199[0] : i32 from vector<1xi32>
    %jit3A_201 = arith.constant 81 : i32
    %div3A_202 = arith.divsi %squeeze3A_200, %jit3A_201 : i32
    %sign3A_203 = arith.constant 0 : i32
    %sign3A_204 = arith.cmpi sgt, %squeeze3A_200, %sign3A_203 : i32
    %sign3A_205 = arith.extui %sign3A_204 : i1 to i32
    %sign3A_206 = arith.constant 0 : i32
    %sign3A_207 = arith.cmpi slt, %squeeze3A_200, %sign3A_206 : i32
    %sign3A_208 = arith.extui %sign3A_207 : i1 to i32
    %sign3A_209 = arith.subi %sign3A_205, %sign3A_208 : i32
    %sign3A_210 = arith.constant 0 : i32
    %sign3A_211 = arith.cmpi sgt, %jit3A_201, %sign3A_210 : i32
    %sign3A_212 = arith.extui %sign3A_211 : i1 to i32
    %sign3A_213 = arith.constant 0 : i32
    %sign3A_214 = arith.cmpi slt, %jit3A_201, %sign3A_213 : i32
    %sign3A_215 = arith.extui %sign3A_214 : i1 to i32
    %sign3A_216 = arith.subi %sign3A_212, %sign3A_215 : i32
    %ne3A_217 = arith.cmpi ne, %sign3A_209, %sign3A_216 : i32
    %rem3A_218 = arith.remsi %squeeze3A_200, %jit3A_201 : i32
    %ne3A_219 = arith.constant 0 : i32
    %ne3A_220 = arith.cmpi ne, %rem3A_218, %ne3A_219 : i32
    %and3A_221 = arith.andi %ne3A_217, %ne3A_220 : i1
    %sub3A_222 = arith.constant 1 : i32
    %sub3A_223 = arith.subi %div3A_202, %sub3A_222 : i32
    %select_n3A_224 = arith.select %and3A_221, %sub3A_223, %div3A_202 : i32
    %mul3A_225 = arith.constant 81 : i32
    %mul3A_226 = arith.muli %select_n3A_224, %mul3A_225 : i32
    %sub3A_227 = arith.subi %squeeze3A_200, %mul3A_226 : i32
    %add3A_228 = arith.constant 5 : i32
    %add3A_229 = arith.addi %mul3A_2, %add3A_228 : i32
    %dma_start3A_230 = arith.constant 0 : i32
    %dma_start3A_231 = arith.constant 0 : i32
    %dma_start3A_232 = tpu.memref_slice %arg4[%add3A_229, %dma_start3A_230, %dma_start3A_231] : memref<1024x28x28xf32, #tpu.memory_space<hbm>> -> memref<1x28x28xf32, #tpu.memory_space<hbm>>
    %dma_start3A_233 = tpu.memref_squeeze %dma_start3A_232 : memref<1x28x28xf32, #tpu.memory_space<hbm>> -> memref<28x28xf32, #tpu.memory_space<hbm>>
    %dma_start3A_234 = arith.constant 0 : i32
    %dma_start3A_235 = arith.constant 0 : i32
    %dma_start3A_236 = tpu.memref_slice %arg2[%select_n3A_224, %sub3A_227, %dma_start3A_234, %dma_start3A_235] : memref<1000x81x28x28xf32, #tpu.memory_space<hbm>> -> memref<1x1x28x28xf32, #tpu.memory_space<hbm>>
    %dma_start3A_237 = tpu.memref_squeeze %dma_start3A_236 : memref<1x1x28x28xf32, #tpu.memory_space<hbm>> -> memref<28x28xf32, #tpu.memory_space<hbm>>
    tpu.enqueue_dma source(%dma_start3A_237 : memref<28x28xf32, #tpu.memory_space<hbm>>) target(%dma_start3A_233 : memref<28x28xf32, #tpu.memory_space<hbm>>) target_semaphore(%arg6 : memref<!tpu.dma_semaphore, #tpu.memory_space<semaphore_mem>>)
    %get3A_238 = arith.constant 6 : index
    %get3A_239 = tpu.vector_load %arg5[%get3A_238] {strides = array<i32>} : memref<32xi32, #tpu.memory_space<vmem>>, vector<1xi32>,
    %get3A_240 = vector.shape_cast %get3A_239 : vector<1xi32> to vector<1xi32>
    %squeeze3A_241 = vector.extract %get3A_240[0] : i32 from vector<1xi32>
    %jit3A_242 = arith.constant 81 : i32
    %div3A_243 = arith.divsi %squeeze3A_241, %jit3A_242 : i32
    %sign3A_244 = arith.constant 0 : i32
    %sign3A_245 = arith.cmpi sgt, %squeeze3A_241, %sign3A_244 : i32
    %sign3A_246 = arith.extui %sign3A_245 : i1 to i32
    %sign3A_247 = arith.constant 0 : i32
    %sign3A_248 = arith.cmpi slt, %squeeze3A_241, %sign3A_247 : i32
    %sign3A_249 = arith.extui %sign3A_248 : i1 to i32
    %sign3A_250 = arith.subi %sign3A_246, %sign3A_249 : i32
    %sign3A_251 = arith.constant 0 : i32
    %sign3A_252 = arith.cmpi sgt, %jit3A_242, %sign3A_251 : i32
    %sign3A_253 = arith.extui %sign3A_252 : i1 to i32
    %sign3A_254 = arith.constant 0 : i32
    %sign3A_255 = arith.cmpi slt, %jit3A_242, %sign3A_254 : i32
    %sign3A_256 = arith.extui %sign3A_255 : i1 to i32
    %sign3A_257 = arith.subi %sign3A_253, %sign3A_256 : i32
    %ne3A_258 = arith.cmpi ne, %sign3A_250, %sign3A_257 : i32
    %rem3A_259 = arith.remsi %squeeze3A_241, %jit3A_242 : i32
    %ne3A_260 = arith.constant 0 : i32
    %ne3A_261 = arith.cmpi ne, %rem3A_259, %ne3A_260 : i32
    %and3A_262 = arith.andi %ne3A_258, %ne3A_261 : i1
    %sub3A_263 = arith.constant 1 : i32
    %sub3A_264 = arith.subi %div3A_243, %sub3A_263 : i32
    %select_n3A_265 = arith.select %and3A_262, %sub3A_264, %div3A_243 : i32
    %mul3A_266 = arith.constant 81 : i32
    %mul3A_267 = arith.muli %select_n3A_265, %mul3A_266 : i32
    %sub3A_268 = arith.subi %squeeze3A_241, %mul3A_267 : i32
    %add3A_269 = arith.constant 6 : i32
    %add3A_270 = arith.addi %mul3A_2, %add3A_269 : i32
    %dma_start3A_271 = arith.constant 0 : i32
    %dma_start3A_272 = arith.constant 0 : i32
    %dma_start3A_273 = tpu.memref_slice %arg4[%add3A_270, %dma_start3A_271, %dma_start3A_272] : memref<1024x28x28xf32, #tpu.memory_space<hbm>> -> memref<1x28x28xf32, #tpu.memory_space<hbm>>
    %dma_start3A_274 = tpu.memref_squeeze %dma_start3A_273 : memref<1x28x28xf32, #tpu.memory_space<hbm>> -> memref<28x28xf32, #tpu.memory_space<hbm>>
    %dma_start3A_275 = arith.constant 0 : i32
    %dma_start3A_276 = arith.constant 0 : i32
    %dma_start3A_277 = tpu.memref_slice %arg2[%select_n3A_265, %sub3A_268, %dma_start3A_275, %dma_start3A_276] : memref<1000x81x28x28xf32, #tpu.memory_space<hbm>> -> memref<1x1x28x28xf32, #tpu.memory_space<hbm>>
    %dma_start3A_278 = tpu.memref_squeeze %dma_start3A_277 : memref<1x1x28x28xf32, #tpu.memory_space<hbm>> -> memref<28x28xf32, #tpu.memory_space<hbm>>
    tpu.enqueue_dma source(%dma_start3A_278 : memref<28x28xf32, #tpu.memory_space<hbm>>) target(%dma_start3A_274 : memref<28x28xf32, #tpu.memory_space<hbm>>) target_semaphore(%arg6 : memref<!tpu.dma_semaphore, #tpu.memory_space<semaphore_mem>>)
    %get3A_279 = arith.constant 7 : index
    %get3A_280 = tpu.vector_load %arg5[%get3A_279] {strides = array<i32>} : memref<32xi32, #tpu.memory_space<vmem>>, vector<1xi32>,
    %get3A_281 = vector.shape_cast %get3A_280 : vector<1xi32> to vector<1xi32>
    %squeeze3A_282 = vector.extract %get3A_281[0] : i32 from vector<1xi32>
    %jit3A_283 = arith.constant 81 : i32
    %div3A_284 = arith.divsi %squeeze3A_282, %jit3A_283 : i32
    %sign3A_285 = arith.constant 0 : i32
    %sign3A_286 = arith.cmpi sgt, %squeeze3A_282, %sign3A_285 : i32
    %sign3A_287 = arith.extui %sign3A_286 : i1 to i32
    %sign3A_288 = arith.constant 0 : i32
    %sign3A_289 = arith.cmpi slt, %squeeze3A_282, %sign3A_288 : i32
    %sign3A_290 = arith.extui %sign3A_289 : i1 to i32
    %sign3A_291 = arith.subi %sign3A_287, %sign3A_290 : i32
    %sign3A_292 = arith.constant 0 : i32
    %sign3A_293 = arith.cmpi sgt, %jit3A_283, %sign3A_292 : i32
    %sign3A_294 = arith.extui %sign3A_293 : i1 to i32
    %sign3A_295 = arith.constant 0 : i32
    %sign3A_296 = arith.cmpi slt, %jit3A_283, %sign3A_295 : i32
    %sign3A_297 = arith.extui %sign3A_296 : i1 to i32
    %sign3A_298 = arith.subi %sign3A_294, %sign3A_297 : i32
    %ne3A_299 = arith.cmpi ne, %sign3A_291, %sign3A_298 : i32
    %rem3A_300 = arith.remsi %squeeze3A_282, %jit3A_283 : i32
    %ne3A_301 = arith.constant 0 : i32
    %ne3A_302 = arith.cmpi ne, %rem3A_300, %ne3A_301 : i32
    %and3A_303 = arith.andi %ne3A_299, %ne3A_302 : i1
    %sub3A_304 = arith.constant 1 : i32
    %sub3A_305 = arith.subi %div3A_284, %sub3A_304 : i32
    %select_n3A_306 = arith.select %and3A_303, %sub3A_305, %div3A_284 : i32
    %mul3A_307 = arith.constant 81 : i32
    %mul3A_308 = arith.muli %select_n3A_306, %mul3A_307 : i32
    %sub3A_309 = arith.subi %squeeze3A_282, %mul3A_308 : i32
    %add3A_310 = arith.constant 7 : i32
    %add3A_311 = arith.addi %mul3A_2, %add3A_310 : i32
    %dma_start3A_312 = arith.constant 0 : i32
    %dma_start3A_313 = arith.constant 0 : i32
    %dma_start3A_314 = tpu.memref_slice %arg4[%add3A_311, %dma_start3A_312, %dma_start3A_313] : memref<1024x28x28xf32, #tpu.memory_space<hbm>> -> memref<1x28x28xf32, #tpu.memory_space<hbm>>
    %dma_start3A_315 = tpu.memref_squeeze %dma_start3A_314 : memref<1x28x28xf32, #tpu.memory_space<hbm>> -> memref<28x28xf32, #tpu.memory_space<hbm>>
    %dma_start3A_316 = arith.constant 0 : i32
    %dma_start3A_317 = arith.constant 0 : i32
    %dma_start3A_318 = tpu.memref_slice %arg2[%select_n3A_306, %sub3A_309, %dma_start3A_316, %dma_start3A_317] : memref<1000x81x28x28xf32, #tpu.memory_space<hbm>> -> memref<1x1x28x28xf32, #tpu.memory_space<hbm>>
    %dma_start3A_319 = tpu.memref_squeeze %dma_start3A_318 : memref<1x1x28x28xf32, #tpu.memory_space<hbm>> -> memref<28x28xf32, #tpu.memory_space<hbm>>
    tpu.enqueue_dma source(%dma_start3A_319 : memref<28x28xf32, #tpu.memory_space<hbm>>) target(%dma_start3A_315 : memref<28x28xf32, #tpu.memory_space<hbm>>) target_semaphore(%arg6 : memref<!tpu.dma_semaphore, #tpu.memory_space<semaphore_mem>>)
    %get3A_320 = arith.constant 8 : index
    %get3A_321 = tpu.vector_load %arg5[%get3A_320] {strides = array<i32>} : memref<32xi32, #tpu.memory_space<vmem>>, vector<1xi32>,
    %get3A_322 = vector.shape_cast %get3A_321 : vector<1xi32> to vector<1xi32>
    %squeeze3A_323 = vector.extract %get3A_322[0] : i32 from vector<1xi32>
    %jit3A_324 = arith.constant 81 : i32
    %div3A_325 = arith.divsi %squeeze3A_323, %jit3A_324 : i32
    %sign3A_326 = arith.constant 0 : i32
    %sign3A_327 = arith.cmpi sgt, %squeeze3A_323, %sign3A_326 : i32
    %sign3A_328 = arith.extui %sign3A_327 : i1 to i32
    %sign3A_329 = arith.constant 0 : i32
    %sign3A_330 = arith.cmpi slt, %squeeze3A_323, %sign3A_329 : i32
    %sign3A_331 = arith.extui %sign3A_330 : i1 to i32
    %sign3A_332 = arith.subi %sign3A_328, %sign3A_331 : i32
    %sign3A_333 = arith.constant 0 : i32
    %sign3A_334 = arith.cmpi sgt, %jit3A_324, %sign3A_333 : i32
    %sign3A_335 = arith.extui %sign3A_334 : i1 to i32
    %sign3A_336 = arith.constant 0 : i32
    %sign3A_337 = arith.cmpi slt, %jit3A_324, %sign3A_336 : i32
    %sign3A_338 = arith.extui %sign3A_337 : i1 to i32
    %sign3A_339 = arith.subi %sign3A_335, %sign3A_338 : i32
    %ne3A_340 = arith.cmpi ne, %sign3A_332, %sign3A_339 : i32
    %rem3A_341 = arith.remsi %squeeze3A_323, %jit3A_324 : i32
    %ne3A_342 = arith.constant 0 : i32
    %ne3A_343 = arith.cmpi ne, %rem3A_341, %ne3A_342 : i32
    %and3A_344 = arith.andi %ne3A_340, %ne3A_343 : i1
    %sub3A_345 = arith.constant 1 : i32
    %sub3A_346 = arith.subi %div3A_325, %sub3A_345 : i32
    %select_n3A_347 = arith.select %and3A_344, %sub3A_346, %div3A_325 : i32
    %mul3A_348 = arith.constant 81 : i32
    %mul3A_349 = arith.muli %select_n3A_347, %mul3A_348 : i32
    %sub3A_350 = arith.subi %squeeze3A_323, %mul3A_349 : i32
    %add3A_351 = arith.constant 8 : i32
    %add3A_352 = arith.addi %mul3A_2, %add3A_351 : i32
    %dma_start3A_353 = arith.constant 0 : i32
    %dma_start3A_354 = arith.constant 0 : i32
    %dma_start3A_355 = tpu.memref_slice %arg4[%add3A_352, %dma_start3A_353, %dma_start3A_354] : memref<1024x28x28xf32, #tpu.memory_space<hbm>> -> memref<1x28x28xf32, #tpu.memory_space<hbm>>
    %dma_start3A_356 = tpu.memref_squeeze %dma_start3A_355 : memref<1x28x28xf32, #tpu.memory_space<hbm>> -> memref<28x28xf32, #tpu.memory_space<hbm>>
    %dma_start3A_357 = arith.constant 0 : i32
    %dma_start3A_358 = arith.constant 0 : i32
    %dma_start3A_359 = tpu.memref_slice %arg2[%select_n3A_347, %sub3A_350, %dma_start3A_357, %dma_start3A_358] : memref<1000x81x28x28xf32, #tpu.memory_space<hbm>> -> memref<1x1x28x28xf32, #tpu.memory_space<hbm>>
    %dma_start3A_360 = tpu.memref_squeeze %dma_start3A_359 : memref<1x1x28x28xf32, #tpu.memory_space<hbm>> -> memref<28x28xf32, #tpu.memory_space<hbm>>
    tpu.enqueue_dma source(%dma_start3A_360 : memref<28x28xf32, #tpu.memory_space<hbm>>) target(%dma_start3A_356 : memref<28x28xf32, #tpu.memory_space<hbm>>) target_semaphore(%arg6 : memref<!tpu.dma_semaphore, #tpu.memory_space<semaphore_mem>>)
    %get3A_361 = arith.constant 9 : index
    %get3A_362 = tpu.vector_load %arg5[%get3A_361] {strides = array<i32>} : memref<32xi32, #tpu.memory_space<vmem>>, vector<1xi32>,
    %get3A_363 = vector.shape_cast %get3A_362 : vector<1xi32> to vector<1xi32>
    %squeeze3A_364 = vector.extract %get3A_363[0] : i32 from vector<1xi32>
    %jit3A_365 = arith.constant 81 : i32
    %div3A_366 = arith.divsi %squeeze3A_364, %jit3A_365 : i32
    %sign3A_367 = arith.constant 0 : i32
    %sign3A_368 = arith.cmpi sgt, %squeeze3A_364, %sign3A_367 : i32
    %sign3A_369 = arith.extui %sign3A_368 : i1 to i32
    %sign3A_370 = arith.constant 0 : i32
    %sign3A_371 = arith.cmpi slt, %squeeze3A_364, %sign3A_370 : i32
    %sign3A_372 = arith.extui %sign3A_371 : i1 to i32
    %sign3A_373 = arith.subi %sign3A_369, %sign3A_372 : i32
    %sign3A_374 = arith.constant 0 : i32
    %sign3A_375 = arith.cmpi sgt, %jit3A_365, %sign3A_374 : i32
    %sign3A_376 = arith.extui %sign3A_375 : i1 to i32
    %sign3A_377 = arith.constant 0 : i32
    %sign3A_378 = arith.cmpi slt, %jit3A_365, %sign3A_377 : i32
    %sign3A_379 = arith.extui %sign3A_378 : i1 to i32
    %sign3A_380 = arith.subi %sign3A_376, %sign3A_379 : i32
    %ne3A_381 = arith.cmpi ne, %sign3A_373, %sign3A_380 : i32
    %rem3A_382 = arith.remsi %squeeze3A_364, %jit3A_365 : i32
    %ne3A_383 = arith.constant 0 : i32
    %ne3A_384 = arith.cmpi ne, %rem3A_382, %ne3A_383 : i32
    %and3A_385 = arith.andi %ne3A_381, %ne3A_384 : i1
    %sub3A_386 = arith.constant 1 : i32
    %sub3A_387 = arith.subi %div3A_366, %sub3A_386 : i32
    %select_n3A_388 = arith.select %and3A_385, %sub3A_387, %div3A_366 : i32
    %mul3A_389 = arith.constant 81 : i32
    %mul3A_390 = arith.muli %select_n3A_388, %mul3A_389 : i32
    %sub3A_391 = arith.subi %squeeze3A_364, %mul3A_390 : i32
    %add3A_392 = arith.constant 9 : i32
    %add3A_393 = arith.addi %mul3A_2, %add3A_392 : i32
    %dma_start3A_394 = arith.constant 0 : i32
    %dma_start3A_395 = arith.constant 0 : i32
    %dma_start3A_396 = tpu.memref_slice %arg4[%add3A_393, %dma_start3A_394, %dma_start3A_395] : memref<1024x28x28xf32, #tpu.memory_space<hbm>> -> memref<1x28x28xf32, #tpu.memory_space<hbm>>
    %dma_start3A_397 = tpu.memref_squeeze %dma_start3A_396 : memref<1x28x28xf32, #tpu.memory_space<hbm>> -> memref<28x28xf32, #tpu.memory_space<hbm>>
    %dma_start3A_398 = arith.constant 0 : i32
    %dma_start3A_399 = arith.constant 0 : i32
    %dma_start3A_400 = tpu.memref_slice %arg2[%select_n3A_388, %sub3A_391, %dma_start3A_398, %dma_start3A_399] : memref<1000x81x28x28xf32, #tpu.memory_space<hbm>> -> memref<1x1x28x28xf32, #tpu.memory_space<hbm>>
    %dma_start3A_401 = tpu.memref_squeeze %dma_start3A_400 : memref<1x1x28x28xf32, #tpu.memory_space<hbm>> -> memref<28x28xf32, #tpu.memory_space<hbm>>
    tpu.enqueue_dma source(%dma_start3A_401 : memref<28x28xf32, #tpu.memory_space<hbm>>) target(%dma_start3A_397 : memref<28x28xf32, #tpu.memory_space<hbm>>) target_semaphore(%arg6 : memref<!tpu.dma_semaphore, #tpu.memory_space<semaphore_mem>>)
    %get3A_402 = arith.constant 10 : index
    %get3A_403 = tpu.vector_load %arg5[%get3A_402] {strides = array<i32>} : memref<32xi32, #tpu.memory_space<vmem>>, vector<1xi32>,
    %get3A_404 = vector.shape_cast %get3A_403 : vector<1xi32> to vector<1xi32>
    %squeeze3A_405 = vector.extract %get3A_404[0] : i32 from vector<1xi32>
    %jit3A_406 = arith.constant 81 : i32
    %div3A_407 = arith.divsi %squeeze3A_405, %jit3A_406 : i32
    %sign3A_408 = arith.constant 0 : i32
    %sign3A_409 = arith.cmpi sgt, %squeeze3A_405, %sign3A_408 : i32
    %sign3A_410 = arith.extui %sign3A_409 : i1 to i32
    %sign3A_411 = arith.constant 0 : i32
    %sign3A_412 = arith.cmpi slt, %squeeze3A_405, %sign3A_411 : i32
    %sign3A_413 = arith.extui %sign3A_412 : i1 to i32
    %sign3A_414 = arith.subi %sign3A_410, %sign3A_413 : i32
    %sign3A_415 = arith.constant 0 : i32
    %sign3A_416 = arith.cmpi sgt, %jit3A_406, %sign3A_415 : i32
    %sign3A_417 = arith.extui %sign3A_416 : i1 to i32
    %sign3A_418 = arith.constant 0 : i32
    %sign3A_419 = arith.cmpi slt, %jit3A_406, %sign3A_418 : i32
    %sign3A_420 = arith.extui %sign3A_419 : i1 to i32
    %sign3A_421 = arith.subi %sign3A_417, %sign3A_420 : i32
    %ne3A_422 = arith.cmpi ne, %sign3A_414, %sign3A_421 : i32
    %rem3A_423 = arith.remsi %squeeze3A_405, %jit3A_406 : i32
    %ne3A_424 = arith.constant 0 : i32
    %ne3A_425 = arith.cmpi ne, %rem3A_423, %ne3A_424 : i32
    %and3A_426 = arith.andi %ne3A_422, %ne3A_425 : i1
    %sub3A_427 = arith.constant 1 : i32
    %sub3A_428 = arith.subi %div3A_407, %sub3A_427 : i32
    %select_n3A_429 = arith.select %and3A_426, %sub3A_428, %div3A_407 : i32
    %mul3A_430 = arith.constant 81 : i32
    %mul3A_431 = arith.muli %select_n3A_429, %mul3A_430 : i32
    %sub3A_432 = arith.subi %squeeze3A_405, %mul3A_431 : i32
    %add3A_433 = arith.constant 10 : i32
    %add3A_434 = arith.addi %mul3A_2, %add3A_433 : i32
    %dma_start3A_435 = arith.constant 0 : i32
    %dma_start3A_436 = arith.constant 0 : i32
    %dma_start3A_437 = tpu.memref_slice %arg4[%add3A_434, %dma_start3A_435, %dma_start3A_436] : memref<1024x28x28xf32, #tpu.memory_space<hbm>> -> memref<1x28x28xf32, #tpu.memory_space<hbm>>
    %dma_start3A_438 = tpu.memref_squeeze %dma_start3A_437 : memref<1x28x28xf32, #tpu.memory_space<hbm>> -> memref<28x28xf32, #tpu.memory_space<hbm>>
    %dma_start3A_439 = arith.constant 0 : i32
    %dma_start3A_440 = arith.constant 0 : i32
    %dma_start3A_441 = tpu.memref_slice %arg2[%select_n3A_429, %sub3A_432, %dma_start3A_439, %dma_start3A_440] : memref<1000x81x28x28xf32, #tpu.memory_space<hbm>> -> memref<1x1x28x28xf32, #tpu.memory_space<hbm>>
    %dma_start3A_442 = tpu.memref_squeeze %dma_start3A_441 : memref<1x1x28x28xf32, #tpu.memory_space<hbm>> -> memref<28x28xf32, #tpu.memory_space<hbm>>
    tpu.enqueue_dma source(%dma_start3A_442 : memref<28x28xf32, #tpu.memory_space<hbm>>) target(%dma_start3A_438 : memref<28x28xf32, #tpu.memory_space<hbm>>) target_semaphore(%arg6 : memref<!tpu.dma_semaphore, #tpu.memory_space<semaphore_mem>>)
    %get3A_443 = arith.constant 11 : index
    %get3A_444 = tpu.vector_load %arg5[%get3A_443] {strides = array<i32>} : memref<32xi32, #tpu.memory_space<vmem>>, vector<1xi32>,
    %get3A_445 = vector.shape_cast %get3A_444 : vector<1xi32> to vector<1xi32>
    %squeeze3A_446 = vector.extract %get3A_445[0] : i32 from vector<1xi32>
    %jit3A_447 = arith.constant 81 : i32
    %div3A_448 = arith.divsi %squeeze3A_446, %jit3A_447 : i32
    %sign3A_449 = arith.constant 0 : i32
    %sign3A_450 = arith.cmpi sgt, %squeeze3A_446, %sign3A_449 : i32
    %sign3A_451 = arith.extui %sign3A_450 : i1 to i32
    %sign3A_452 = arith.constant 0 : i32
    %sign3A_453 = arith.cmpi slt, %squeeze3A_446, %sign3A_452 : i32
    %sign3A_454 = arith.extui %sign3A_453 : i1 to i32
    %sign3A_455 = arith.subi %sign3A_451, %sign3A_454 : i32
    %sign3A_456 = arith.constant 0 : i32
    %sign3A_457 = arith.cmpi sgt, %jit3A_447, %sign3A_456 : i32
    %sign3A_458 = arith.extui %sign3A_457 : i1 to i32
    %sign3A_459 = arith.constant 0 : i32
    %sign3A_460 = arith.cmpi slt, %jit3A_447, %sign3A_459 : i32
    %sign3A_461 = arith.extui %sign3A_460 : i1 to i32
    %sign3A_462 = arith.subi %sign3A_458, %sign3A_461 : i32
    %ne3A_463 = arith.cmpi ne, %sign3A_455, %sign3A_462 : i32
    %rem3A_464 = arith.remsi %squeeze3A_446, %jit3A_447 : i32
    %ne3A_465 = arith.constant 0 : i32
    %ne3A_466 = arith.cmpi ne, %rem3A_464, %ne3A_465 : i32
    %and3A_467 = arith.andi %ne3A_463, %ne3A_466 : i1
    %sub3A_468 = arith.constant 1 : i32
    %sub3A_469 = arith.subi %div3A_448, %sub3A_468 : i32
    %select_n3A_470 = arith.select %and3A_467, %sub3A_469, %div3A_448 : i32
    %mul3A_471 = arith.constant 81 : i32
    %mul3A_472 = arith.muli %select_n3A_470, %mul3A_471 : i32
    %sub3A_473 = arith.subi %squeeze3A_446, %mul3A_472 : i32
    %add3A_474 = arith.constant 11 : i32
    %add3A_475 = arith.addi %mul3A_2, %add3A_474 : i32
    %dma_start3A_476 = arith.constant 0 : i32
    %dma_start3A_477 = arith.constant 0 : i32
    %dma_start3A_478 = tpu.memref_slice %arg4[%add3A_475, %dma_start3A_476, %dma_start3A_477] : memref<1024x28x28xf32, #tpu.memory_space<hbm>> -> memref<1x28x28xf32, #tpu.memory_space<hbm>>
    %dma_start3A_479 = tpu.memref_squeeze %dma_start3A_478 : memref<1x28x28xf32, #tpu.memory_space<hbm>> -> memref<28x28xf32, #tpu.memory_space<hbm>>
    %dma_start3A_480 = arith.constant 0 : i32
    %dma_start3A_481 = arith.constant 0 : i32
    %dma_start3A_482 = tpu.memref_slice %arg2[%select_n3A_470, %sub3A_473, %dma_start3A_480, %dma_start3A_481] : memref<1000x81x28x28xf32, #tpu.memory_space<hbm>> -> memref<1x1x28x28xf32, #tpu.memory_space<hbm>>
    %dma_start3A_483 = tpu.memref_squeeze %dma_start3A_482 : memref<1x1x28x28xf32, #tpu.memory_space<hbm>> -> memref<28x28xf32, #tpu.memory_space<hbm>>
    tpu.enqueue_dma source(%dma_start3A_483 : memref<28x28xf32, #tpu.memory_space<hbm>>) target(%dma_start3A_479 : memref<28x28xf32, #tpu.memory_space<hbm>>) target_semaphore(%arg6 : memref<!tpu.dma_semaphore, #tpu.memory_space<semaphore_mem>>)
    %get3A_484 = arith.constant 12 : index
    %get3A_485 = tpu.vector_load %arg5[%get3A_484] {strides = array<i32>} : memref<32xi32, #tpu.memory_space<vmem>>, vector<1xi32>,
    %get3A_486 = vector.shape_cast %get3A_485 : vector<1xi32> to vector<1xi32>
    %squeeze3A_487 = vector.extract %get3A_486[0] : i32 from vector<1xi32>
    %jit3A_488 = arith.constant 81 : i32
    %div3A_489 = arith.divsi %squeeze3A_487, %jit3A_488 : i32
    %sign3A_490 = arith.constant 0 : i32
    %sign3A_491 = arith.cmpi sgt, %squeeze3A_487, %sign3A_490 : i32
    %sign3A_492 = arith.extui %sign3A_491 : i1 to i32
    %sign3A_493 = arith.constant 0 : i32
    %sign3A_494 = arith.cmpi slt, %squeeze3A_487, %sign3A_493 : i32
    %sign3A_495 = arith.extui %sign3A_494 : i1 to i32
    %sign3A_496 = arith.subi %sign3A_492, %sign3A_495 : i32
    %sign3A_497 = arith.constant 0 : i32
    %sign3A_498 = arith.cmpi sgt, %jit3A_488, %sign3A_497 : i32
    %sign3A_499 = arith.extui %sign3A_498 : i1 to i32
    %sign3A_500 = arith.constant 0 : i32
    %sign3A_501 = arith.cmpi slt, %jit3A_488, %sign3A_500 : i32
    %sign3A_502 = arith.extui %sign3A_501 : i1 to i32
    %sign3A_503 = arith.subi %sign3A_499, %sign3A_502 : i32
    %ne3A_504 = arith.cmpi ne, %sign3A_496, %sign3A_503 : i32
    %rem3A_505 = arith.remsi %squeeze3A_487, %jit3A_488 : i32
    %ne3A_506 = arith.constant 0 : i32
    %ne3A_507 = arith.cmpi ne, %rem3A_505, %ne3A_506 : i32
    %and3A_508 = arith.andi %ne3A_504, %ne3A_507 : i1
    %sub3A_509 = arith.constant 1 : i32
    %sub3A_510 = arith.subi %div3A_489, %sub3A_509 : i32
    %select_n3A_511 = arith.select %and3A_508, %sub3A_510, %div3A_489 : i32
    %mul3A_512 = arith.constant 81 : i32
    %mul3A_513 = arith.muli %select_n3A_511, %mul3A_512 : i32
    %sub3A_514 = arith.subi %squeeze3A_487, %mul3A_513 : i32
    %add3A_515 = arith.constant 12 : i32
    %add3A_516 = arith.addi %mul3A_2, %add3A_515 : i32
    %dma_start3A_517 = arith.constant 0 : i32
    %dma_start3A_518 = arith.constant 0 : i32
    %dma_start3A_519 = tpu.memref_slice %arg4[%add3A_516, %dma_start3A_517, %dma_start3A_518] : memref<1024x28x28xf32, #tpu.memory_space<hbm>> -> memref<1x28x28xf32, #tpu.memory_space<hbm>>
    %dma_start3A_520 = tpu.memref_squeeze %dma_start3A_519 : memref<1x28x28xf32, #tpu.memory_space<hbm>> -> memref<28x28xf32, #tpu.memory_space<hbm>>
    %dma_start3A_521 = arith.constant 0 : i32
    %dma_start3A_522 = arith.constant 0 : i32
    %dma_start3A_523 = tpu.memref_slice %arg2[%select_n3A_511, %sub3A_514, %dma_start3A_521, %dma_start3A_522] : memref<1000x81x28x28xf32, #tpu.memory_space<hbm>> -> memref<1x1x28x28xf32, #tpu.memory_space<hbm>>
    %dma_start3A_524 = tpu.memref_squeeze %dma_start3A_523 : memref<1x1x28x28xf32, #tpu.memory_space<hbm>> -> memref<28x28xf32, #tpu.memory_space<hbm>>
    tpu.enqueue_dma source(%dma_start3A_524 : memref<28x28xf32, #tpu.memory_space<hbm>>) target(%dma_start3A_520 : memref<28x28xf32, #tpu.memory_space<hbm>>) target_semaphore(%arg6 : memref<!tpu.dma_semaphore, #tpu.memory_space<semaphore_mem>>)
    %get3A_525 = arith.constant 13 : index
    %get3A_526 = tpu.vector_load %arg5[%get3A_525] {strides = array<i32>} : memref<32xi32, #tpu.memory_space<vmem>>, vector<1xi32>,
    %get3A_527 = vector.shape_cast %get3A_526 : vector<1xi32> to vector<1xi32>
    %squeeze3A_528 = vector.extract %get3A_527[0] : i32 from vector<1xi32>
    %jit3A_529 = arith.constant 81 : i32
    %div3A_530 = arith.divsi %squeeze3A_528, %jit3A_529 : i32
    %sign3A_531 = arith.constant 0 : i32
    %sign3A_532 = arith.cmpi sgt, %squeeze3A_528, %sign3A_531 : i32
    %sign3A_533 = arith.extui %sign3A_532 : i1 to i32
    %sign3A_534 = arith.constant 0 : i32
    %sign3A_535 = arith.cmpi slt, %squeeze3A_528, %sign3A_534 : i32
    %sign3A_536 = arith.extui %sign3A_535 : i1 to i32
    %sign3A_537 = arith.subi %sign3A_533, %sign3A_536 : i32
    %sign3A_538 = arith.constant 0 : i32
    %sign3A_539 = arith.cmpi sgt, %jit3A_529, %sign3A_538 : i32
    %sign3A_540 = arith.extui %sign3A_539 : i1 to i32
    %sign3A_541 = arith.constant 0 : i32
    %sign3A_542 = arith.cmpi slt, %jit3A_529, %sign3A_541 : i32
    %sign3A_543 = arith.extui %sign3A_542 : i1 to i32
    %sign3A_544 = arith.subi %sign3A_540, %sign3A_543 : i32
    %ne3A_545 = arith.cmpi ne, %sign3A_537, %sign3A_544 : i32
    %rem3A_546 = arith.remsi %squeeze3A_528, %jit3A_529 : i32
    %ne3A_547 = arith.constant 0 : i32
    %ne3A_548 = arith.cmpi ne, %rem3A_546, %ne3A_547 : i32
    %and3A_549 = arith.andi %ne3A_545, %ne3A_548 : i1
    %sub3A_550 = arith.constant 1 : i32
    %sub3A_551 = arith.subi %div3A_530, %sub3A_550 : i32
    %select_n3A_552 = arith.select %and3A_549, %sub3A_551, %div3A_530 : i32
    %mul3A_553 = arith.constant 81 : i32
    %mul3A_554 = arith.muli %select_n3A_552, %mul3A_553 : i32
    %sub3A_555 = arith.subi %squeeze3A_528, %mul3A_554 : i32
    %add3A_556 = arith.constant 13 : i32
    %add3A_557 = arith.addi %mul3A_2, %add3A_556 : i32
    %dma_start3A_558 = arith.constant 0 : i32
    %dma_start3A_559 = arith.constant 0 : i32
    %dma_start3A_560 = tpu.memref_slice %arg4[%add3A_557, %dma_start3A_558, %dma_start3A_559] : memref<1024x28x28xf32, #tpu.memory_space<hbm>> -> memref<1x28x28xf32, #tpu.memory_space<hbm>>
    %dma_start3A_561 = tpu.memref_squeeze %dma_start3A_560 : memref<1x28x28xf32, #tpu.memory_space<hbm>> -> memref<28x28xf32, #tpu.memory_space<hbm>>
    %dma_start3A_562 = arith.constant 0 : i32
    %dma_start3A_563 = arith.constant 0 : i32
    %dma_start3A_564 = tpu.memref_slice %arg2[%select_n3A_552, %sub3A_555, %dma_start3A_562, %dma_start3A_563] : memref<1000x81x28x28xf32, #tpu.memory_space<hbm>> -> memref<1x1x28x28xf32, #tpu.memory_space<hbm>>
    %dma_start3A_565 = tpu.memref_squeeze %dma_start3A_564 : memref<1x1x28x28xf32, #tpu.memory_space<hbm>> -> memref<28x28xf32, #tpu.memory_space<hbm>>
    tpu.enqueue_dma source(%dma_start3A_565 : memref<28x28xf32, #tpu.memory_space<hbm>>) target(%dma_start3A_561 : memref<28x28xf32, #tpu.memory_space<hbm>>) target_semaphore(%arg6 : memref<!tpu.dma_semaphore, #tpu.memory_space<semaphore_mem>>)
    %get3A_566 = arith.constant 14 : index
    %get3A_567 = tpu.vector_load %arg5[%get3A_566] {strides = array<i32>} : memref<32xi32, #tpu.memory_space<vmem>>, vector<1xi32>,
    %get3A_568 = vector.shape_cast %get3A_567 : vector<1xi32> to vector<1xi32>
    %squeeze3A_569 = vector.extract %get3A_568[0] : i32 from vector<1xi32>
    %jit3A_570 = arith.constant 81 : i32
    %div3A_571 = arith.divsi %squeeze3A_569, %jit3A_570 : i32
    %sign3A_572 = arith.constant 0 : i32
    %sign3A_573 = arith.cmpi sgt, %squeeze3A_569, %sign3A_572 : i32
    %sign3A_574 = arith.extui %sign3A_573 : i1 to i32
    %sign3A_575 = arith.constant 0 : i32
    %sign3A_576 = arith.cmpi slt, %squeeze3A_569, %sign3A_575 : i32
    %sign3A_577 = arith.extui %sign3A_576 : i1 to i32
    %sign3A_578 = arith.subi %sign3A_574, %sign3A_577 : i32
    %sign3A_579 = arith.constant 0 : i32
    %sign3A_580 = arith.cmpi sgt, %jit3A_570, %sign3A_579 : i32
    %sign3A_581 = arith.extui %sign3A_580 : i1 to i32
    %sign3A_582 = arith.constant 0 : i32
    %sign3A_583 = arith.cmpi slt, %jit3A_570, %sign3A_582 : i32
    %sign3A_584 = arith.extui %sign3A_583 : i1 to i32
    %sign3A_585 = arith.subi %sign3A_581, %sign3A_584 : i32
    %ne3A_586 = arith.cmpi ne, %sign3A_578, %sign3A_585 : i32
    %rem3A_587 = arith.remsi %squeeze3A_569, %jit3A_570 : i32
    %ne3A_588 = arith.constant 0 : i32
    %ne3A_589 = arith.cmpi ne, %rem3A_587, %ne3A_588 : i32
    %and3A_590 = arith.andi %ne3A_586, %ne3A_589 : i1
    %sub3A_591 = arith.constant 1 : i32
    %sub3A_592 = arith.subi %div3A_571, %sub3A_591 : i32
    %select_n3A_593 = arith.select %and3A_590, %sub3A_592, %div3A_571 : i32
    %mul3A_594 = arith.constant 81 : i32
    %mul3A_595 = arith.muli %select_n3A_593, %mul3A_594 : i32
    %sub3A_596 = arith.subi %squeeze3A_569, %mul3A_595 : i32
    %add3A_597 = arith.constant 14 : i32
    %add3A_598 = arith.addi %mul3A_2, %add3A_597 : i32
    %dma_start3A_599 = arith.constant 0 : i32
    %dma_start3A_600 = arith.constant 0 : i32
    %dma_start3A_601 = tpu.memref_slice %arg4[%add3A_598, %dma_start3A_599, %dma_start3A_600] : memref<1024x28x28xf32, #tpu.memory_space<hbm>> -> memref<1x28x28xf32, #tpu.memory_space<hbm>>
    %dma_start3A_602 = tpu.memref_squeeze %dma_start3A_601 : memref<1x28x28xf32, #tpu.memory_space<hbm>> -> memref<28x28xf32, #tpu.memory_space<hbm>>
    %dma_start3A_603 = arith.constant 0 : i32
    %dma_start3A_604 = arith.constant 0 : i32
    %dma_start3A_605 = tpu.memref_slice %arg2[%select_n3A_593, %sub3A_596, %dma_start3A_603, %dma_start3A_604] : memref<1000x81x28x28xf32, #tpu.memory_space<hbm>> -> memref<1x1x28x28xf32, #tpu.memory_space<hbm>>
    %dma_start3A_606 = tpu.memref_squeeze %dma_start3A_605 : memref<1x1x28x28xf32, #tpu.memory_space<hbm>> -> memref<28x28xf32, #tpu.memory_space<hbm>>
    tpu.enqueue_dma source(%dma_start3A_606 : memref<28x28xf32, #tpu.memory_space<hbm>>) target(%dma_start3A_602 : memref<28x28xf32, #tpu.memory_space<hbm>>) target_semaphore(%arg6 : memref<!tpu.dma_semaphore, #tpu.memory_space<semaphore_mem>>)
    %get3A_607 = arith.constant 15 : index
    %get3A_608 = tpu.vector_load %arg5[%get3A_607] {strides = array<i32>} : memref<32xi32, #tpu.memory_space<vmem>>, vector<1xi32>,
    %get3A_609 = vector.shape_cast %get3A_608 : vector<1xi32> to vector<1xi32>
    %squeeze3A_610 = vector.extract %get3A_609[0] : i32 from vector<1xi32>
    %jit3A_611 = arith.constant 81 : i32
    %div3A_612 = arith.divsi %squeeze3A_610, %jit3A_611 : i32
    %sign3A_613 = arith.constant 0 : i32
    %sign3A_614 = arith.cmpi sgt, %squeeze3A_610, %sign3A_613 : i32
    %sign3A_615 = arith.extui %sign3A_614 : i1 to i32
    %sign3A_616 = arith.constant 0 : i32
    %sign3A_617 = arith.cmpi slt, %squeeze3A_610, %sign3A_616 : i32
    %sign3A_618 = arith.extui %sign3A_617 : i1 to i32
    %sign3A_619 = arith.subi %sign3A_615, %sign3A_618 : i32
    %sign3A_620 = arith.constant 0 : i32
    %sign3A_621 = arith.cmpi sgt, %jit3A_611, %sign3A_620 : i32
    %sign3A_622 = arith.extui %sign3A_621 : i1 to i32
    %sign3A_623 = arith.constant 0 : i32
    %sign3A_624 = arith.cmpi slt, %jit3A_611, %sign3A_623 : i32
    %sign3A_625 = arith.extui %sign3A_624 : i1 to i32
    %sign3A_626 = arith.subi %sign3A_622, %sign3A_625 : i32
    %ne3A_627 = arith.cmpi ne, %sign3A_619, %sign3A_626 : i32
    %rem3A_628 = arith.remsi %squeeze3A_610, %jit3A_611 : i32
    %ne3A_629 = arith.constant 0 : i32
    %ne3A_630 = arith.cmpi ne, %rem3A_628, %ne3A_629 : i32
    %and3A_631 = arith.andi %ne3A_627, %ne3A_630 : i1
    %sub3A_632 = arith.constant 1 : i32
    %sub3A_633 = arith.subi %div3A_612, %sub3A_632 : i32
    %select_n3A_634 = arith.select %and3A_631, %sub3A_633, %div3A_612 : i32
    %mul3A_635 = arith.constant 81 : i32
    %mul3A_636 = arith.muli %select_n3A_634, %mul3A_635 : i32
    %sub3A_637 = arith.subi %squeeze3A_610, %mul3A_636 : i32
    %add3A_638 = arith.constant 15 : i32
    %add3A_639 = arith.addi %mul3A_2, %add3A_638 : i32
    %dma_start3A_640 = arith.constant 0 : i32
    %dma_start3A_641 = arith.constant 0 : i32
    %dma_start3A_642 = tpu.memref_slice %arg4[%add3A_639, %dma_start3A_640, %dma_start3A_641] : memref<1024x28x28xf32, #tpu.memory_space<hbm>> -> memref<1x28x28xf32, #tpu.memory_space<hbm>>
    %dma_start3A_643 = tpu.memref_squeeze %dma_start3A_642 : memref<1x28x28xf32, #tpu.memory_space<hbm>> -> memref<28x28xf32, #tpu.memory_space<hbm>>
    %dma_start3A_644 = arith.constant 0 : i32
    %dma_start3A_645 = arith.constant 0 : i32
    %dma_start3A_646 = tpu.memref_slice %arg2[%select_n3A_634, %sub3A_637, %dma_start3A_644, %dma_start3A_645] : memref<1000x81x28x28xf32, #tpu.memory_space<hbm>> -> memref<1x1x28x28xf32, #tpu.memory_space<hbm>>
    %dma_start3A_647 = tpu.memref_squeeze %dma_start3A_646 : memref<1x1x28x28xf32, #tpu.memory_space<hbm>> -> memref<28x28xf32, #tpu.memory_space<hbm>>
    tpu.enqueue_dma source(%dma_start3A_647 : memref<28x28xf32, #tpu.memory_space<hbm>>) target(%dma_start3A_643 : memref<28x28xf32, #tpu.memory_space<hbm>>) target_semaphore(%arg6 : memref<!tpu.dma_semaphore, #tpu.memory_space<semaphore_mem>>)
    %get3A_648 = arith.constant 16 : index
    %get3A_649 = tpu.vector_load %arg5[%get3A_648] {strides = array<i32>} : memref<32xi32, #tpu.memory_space<vmem>>, vector<1xi32>,
    %get3A_650 = vector.shape_cast %get3A_649 : vector<1xi32> to vector<1xi32>
    %squeeze3A_651 = vector.extract %get3A_650[0] : i32 from vector<1xi32>
    %jit3A_652 = arith.constant 81 : i32
    %div3A_653 = arith.divsi %squeeze3A_651, %jit3A_652 : i32
    %sign3A_654 = arith.constant 0 : i32
    %sign3A_655 = arith.cmpi sgt, %squeeze3A_651, %sign3A_654 : i32
    %sign3A_656 = arith.extui %sign3A_655 : i1 to i32
    %sign3A_657 = arith.constant 0 : i32
    %sign3A_658 = arith.cmpi slt, %squeeze3A_651, %sign3A_657 : i32
    %sign3A_659 = arith.extui %sign3A_658 : i1 to i32
    %sign3A_660 = arith.subi %sign3A_656, %sign3A_659 : i32
    %sign3A_661 = arith.constant 0 : i32
    %sign3A_662 = arith.cmpi sgt, %jit3A_652, %sign3A_661 : i32
    %sign3A_663 = arith.extui %sign3A_662 : i1 to i32
    %sign3A_664 = arith.constant 0 : i32
    %sign3A_665 = arith.cmpi slt, %jit3A_652, %sign3A_664 : i32
    %sign3A_666 = arith.extui %sign3A_665 : i1 to i32
    %sign3A_667 = arith.subi %sign3A_663, %sign3A_666 : i32
    %ne3A_668 = arith.cmpi ne, %sign3A_660, %sign3A_667 : i32
    %rem3A_669 = arith.remsi %squeeze3A_651, %jit3A_652 : i32
    %ne3A_670 = arith.constant 0 : i32
    %ne3A_671 = arith.cmpi ne, %rem3A_669, %ne3A_670 : i32
    %and3A_672 = arith.andi %ne3A_668, %ne3A_671 : i1
    %sub3A_673 = arith.constant 1 : i32
    %sub3A_674 = arith.subi %div3A_653, %sub3A_673 : i32
    %select_n3A_675 = arith.select %and3A_672, %sub3A_674, %div3A_653 : i32
    %mul3A_676 = arith.constant 81 : i32
    %mul3A_677 = arith.muli %select_n3A_675, %mul3A_676 : i32
    %sub3A_678 = arith.subi %squeeze3A_651, %mul3A_677 : i32
    %add3A_679 = arith.constant 16 : i32
    %add3A_680 = arith.addi %mul3A_2, %add3A_679 : i32
    %dma_start3A_681 = arith.constant 0 : i32
    %dma_start3A_682 = arith.constant 0 : i32
    %dma_start3A_683 = tpu.memref_slice %arg4[%add3A_680, %dma_start3A_681, %dma_start3A_682] : memref<1024x28x28xf32, #tpu.memory_space<hbm>> -> memref<1x28x28xf32, #tpu.memory_space<hbm>>
    %dma_start3A_684 = tpu.memref_squeeze %dma_start3A_683 : memref<1x28x28xf32, #tpu.memory_space<hbm>> -> memref<28x28xf32, #tpu.memory_space<hbm>>
    %dma_start3A_685 = arith.constant 0 : i32
    %dma_start3A_686 = arith.constant 0 : i32
    %dma_start3A_687 = tpu.memref_slice %arg2[%select_n3A_675, %sub3A_678, %dma_start3A_685, %dma_start3A_686] : memref<1000x81x28x28xf32, #tpu.memory_space<hbm>> -> memref<1x1x28x28xf32, #tpu.memory_space<hbm>>
    %dma_start3A_688 = tpu.memref_squeeze %dma_start3A_687 : memref<1x1x28x28xf32, #tpu.memory_space<hbm>> -> memref<28x28xf32, #tpu.memory_space<hbm>>
    tpu.enqueue_dma source(%dma_start3A_688 : memref<28x28xf32, #tpu.memory_space<hbm>>) target(%dma_start3A_684 : memref<28x28xf32, #tpu.memory_space<hbm>>) target_semaphore(%arg6 : memref<!tpu.dma_semaphore, #tpu.memory_space<semaphore_mem>>)
    %get3A_689 = arith.constant 17 : index
    %get3A_690 = tpu.vector_load %arg5[%get3A_689] {strides = array<i32>} : memref<32xi32, #tpu.memory_space<vmem>>, vector<1xi32>,
    %get3A_691 = vector.shape_cast %get3A_690 : vector<1xi32> to vector<1xi32>
    %squeeze3A_692 = vector.extract %get3A_691[0] : i32 from vector<1xi32>
    %jit3A_693 = arith.constant 81 : i32
    %div3A_694 = arith.divsi %squeeze3A_692, %jit3A_693 : i32
    %sign3A_695 = arith.constant 0 : i32
    %sign3A_696 = arith.cmpi sgt, %squeeze3A_692, %sign3A_695 : i32
    %sign3A_697 = arith.extui %sign3A_696 : i1 to i32
    %sign3A_698 = arith.constant 0 : i32
    %sign3A_699 = arith.cmpi slt, %squeeze3A_692, %sign3A_698 : i32
    %sign3A_700 = arith.extui %sign3A_699 : i1 to i32
    %sign3A_701 = arith.subi %sign3A_697, %sign3A_700 : i32
    %sign3A_702 = arith.constant 0 : i32
    %sign3A_703 = arith.cmpi sgt, %jit3A_693, %sign3A_702 : i32
    %sign3A_704 = arith.extui %sign3A_703 : i1 to i32
    %sign3A_705 = arith.constant 0 : i32
    %sign3A_706 = arith.cmpi slt, %jit3A_693, %sign3A_705 : i32
    %sign3A_707 = arith.extui %sign3A_706 : i1 to i32
    %sign3A_708 = arith.subi %sign3A_704, %sign3A_707 : i32
    %ne3A_709 = arith.cmpi ne, %sign3A_701, %sign3A_708 : i32
    %rem3A_710 = arith.remsi %squeeze3A_692, %jit3A_693 : i32
    %ne3A_711 = arith.constant 0 : i32
    %ne3A_712 = arith.cmpi ne, %rem3A_710, %ne3A_711 : i32
    %and3A_713 = arith.andi %ne3A_709, %ne3A_712 : i1
    %sub3A_714 = arith.constant 1 : i32
    %sub3A_715 = arith.subi %div3A_694, %sub3A_714 : i32
    %select_n3A_716 = arith.select %and3A_713, %sub3A_715, %div3A_694 : i32
    %mul3A_717 = arith.constant 81 : i32
    %mul3A_718 = arith.muli %select_n3A_716, %mul3A_717 : i32
    %sub3A_719 = arith.subi %squeeze3A_692, %mul3A_718 : i32
    %add3A_720 = arith.constant 17 : i32
    %add3A_721 = arith.addi %mul3A_2, %add3A_720 : i32
    %dma_start3A_722 = arith.constant 0 : i32
    %dma_start3A_723 = arith.constant 0 : i32
    %dma_start3A_724 = tpu.memref_slice %arg4[%add3A_721, %dma_start3A_722, %dma_start3A_723] : memref<1024x28x28xf32, #tpu.memory_space<hbm>> -> memref<1x28x28xf32, #tpu.memory_space<hbm>>
    %dma_start3A_725 = tpu.memref_squeeze %dma_start3A_724 : memref<1x28x28xf32, #tpu.memory_space<hbm>> -> memref<28x28xf32, #tpu.memory_space<hbm>>
    %dma_start3A_726 = arith.constant 0 : i32
    %dma_start3A_727 = arith.constant 0 : i32
    %dma_start3A_728 = tpu.memref_slice %arg2[%select_n3A_716, %sub3A_719, %dma_start3A_726, %dma_start3A_727] : memref<1000x81x28x28xf32, #tpu.memory_space<hbm>> -> memref<1x1x28x28xf32, #tpu.memory_space<hbm>>
    %dma_start3A_729 = tpu.memref_squeeze %dma_start3A_728 : memref<1x1x28x28xf32, #tpu.memory_space<hbm>> -> memref<28x28xf32, #tpu.memory_space<hbm>>
    tpu.enqueue_dma source(%dma_start3A_729 : memref<28x28xf32, #tpu.memory_space<hbm>>) target(%dma_start3A_725 : memref<28x28xf32, #tpu.memory_space<hbm>>) target_semaphore(%arg6 : memref<!tpu.dma_semaphore, #tpu.memory_space<semaphore_mem>>)
    %get3A_730 = arith.constant 18 : index
    %get3A_731 = tpu.vector_load %arg5[%get3A_730] {strides = array<i32>} : memref<32xi32, #tpu.memory_space<vmem>>, vector<1xi32>,
    %get3A_732 = vector.shape_cast %get3A_731 : vector<1xi32> to vector<1xi32>
    %squeeze3A_733 = vector.extract %get3A_732[0] : i32 from vector<1xi32>
    %jit3A_734 = arith.constant 81 : i32
    %div3A_735 = arith.divsi %squeeze3A_733, %jit3A_734 : i32
    %sign3A_736 = arith.constant 0 : i32
    %sign3A_737 = arith.cmpi sgt, %squeeze3A_733, %sign3A_736 : i32
    %sign3A_738 = arith.extui %sign3A_737 : i1 to i32
    %sign3A_739 = arith.constant 0 : i32
    %sign3A_740 = arith.cmpi slt, %squeeze3A_733, %sign3A_739 : i32
    %sign3A_741 = arith.extui %sign3A_740 : i1 to i32
    %sign3A_742 = arith.subi %sign3A_738, %sign3A_741 : i32
    %sign3A_743 = arith.constant 0 : i32
    %sign3A_744 = arith.cmpi sgt, %jit3A_734, %sign3A_743 : i32
    %sign3A_745 = arith.extui %sign3A_744 : i1 to i32
    %sign3A_746 = arith.constant 0 : i32
    %sign3A_747 = arith.cmpi slt, %jit3A_734, %sign3A_746 : i32
    %sign3A_748 = arith.extui %sign3A_747 : i1 to i32
    %sign3A_749 = arith.subi %sign3A_745, %sign3A_748 : i32
    %ne3A_750 = arith.cmpi ne, %sign3A_742, %sign3A_749 : i32
    %rem3A_751 = arith.remsi %squeeze3A_733, %jit3A_734 : i32
    %ne3A_752 = arith.constant 0 : i32
    %ne3A_753 = arith.cmpi ne, %rem3A_751, %ne3A_752 : i32
    %and3A_754 = arith.andi %ne3A_750, %ne3A_753 : i1
    %sub3A_755 = arith.constant 1 : i32
    %sub3A_756 = arith.subi %div3A_735, %sub3A_755 : i32
    %select_n3A_757 = arith.select %and3A_754, %sub3A_756, %div3A_735 : i32
    %mul3A_758 = arith.constant 81 : i32
    %mul3A_759 = arith.muli %select_n3A_757, %mul3A_758 : i32
    %sub3A_760 = arith.subi %squeeze3A_733, %mul3A_759 : i32
    %add3A_761 = arith.constant 18 : i32
    %add3A_762 = arith.addi %mul3A_2, %add3A_761 : i32
    %dma_start3A_763 = arith.constant 0 : i32
    %dma_start3A_764 = arith.constant 0 : i32
    %dma_start3A_765 = tpu.memref_slice %arg4[%add3A_762, %dma_start3A_763, %dma_start3A_764] : memref<1024x28x28xf32, #tpu.memory_space<hbm>> -> memref<1x28x28xf32, #tpu.memory_space<hbm>>
    %dma_start3A_766 = tpu.memref_squeeze %dma_start3A_765 : memref<1x28x28xf32, #tpu.memory_space<hbm>> -> memref<28x28xf32, #tpu.memory_space<hbm>>
    %dma_start3A_767 = arith.constant 0 : i32
    %dma_start3A_768 = arith.constant 0 : i32
    %dma_start3A_769 = tpu.memref_slice %arg2[%select_n3A_757, %sub3A_760, %dma_start3A_767, %dma_start3A_768] : memref<1000x81x28x28xf32, #tpu.memory_space<hbm>> -> memref<1x1x28x28xf32, #tpu.memory_space<hbm>>
    %dma_start3A_770 = tpu.memref_squeeze %dma_start3A_769 : memref<1x1x28x28xf32, #tpu.memory_space<hbm>> -> memref<28x28xf32, #tpu.memory_space<hbm>>
    tpu.enqueue_dma source(%dma_start3A_770 : memref<28x28xf32, #tpu.memory_space<hbm>>) target(%dma_start3A_766 : memref<28x28xf32, #tpu.memory_space<hbm>>) target_semaphore(%arg6 : memref<!tpu.dma_semaphore, #tpu.memory_space<semaphore_mem>>)
    %get3A_771 = arith.constant 19 : index
    %get3A_772 = tpu.vector_load %arg5[%get3A_771] {strides = array<i32>} : memref<32xi32, #tpu.memory_space<vmem>>, vector<1xi32>,
    %get3A_773 = vector.shape_cast %get3A_772 : vector<1xi32> to vector<1xi32>
    %squeeze3A_774 = vector.extract %get3A_773[0] : i32 from vector<1xi32>
    %jit3A_775 = arith.constant 81 : i32
    %div3A_776 = arith.divsi %squeeze3A_774, %jit3A_775 : i32
    %sign3A_777 = arith.constant 0 : i32
    %sign3A_778 = arith.cmpi sgt, %squeeze3A_774, %sign3A_777 : i32
    %sign3A_779 = arith.extui %sign3A_778 : i1 to i32
    %sign3A_780 = arith.constant 0 : i32
    %sign3A_781 = arith.cmpi slt, %squeeze3A_774, %sign3A_780 : i32
    %sign3A_782 = arith.extui %sign3A_781 : i1 to i32
    %sign3A_783 = arith.subi %sign3A_779, %sign3A_782 : i32
    %sign3A_784 = arith.constant 0 : i32
    %sign3A_785 = arith.cmpi sgt, %jit3A_775, %sign3A_784 : i32
    %sign3A_786 = arith.extui %sign3A_785 : i1 to i32
    %sign3A_787 = arith.constant 0 : i32
    %sign3A_788 = arith.cmpi slt, %jit3A_775, %sign3A_787 : i32
    %sign3A_789 = arith.extui %sign3A_788 : i1 to i32
    %sign3A_790 = arith.subi %sign3A_786, %sign3A_789 : i32
    %ne3A_791 = arith.cmpi ne, %sign3A_783, %sign3A_790 : i32
    %rem3A_792 = arith.remsi %squeeze3A_774, %jit3A_775 : i32
    %ne3A_793 = arith.constant 0 : i32
    %ne3A_794 = arith.cmpi ne, %rem3A_792, %ne3A_793 : i32
    %and3A_795 = arith.andi %ne3A_791, %ne3A_794 : i1
    %sub3A_796 = arith.constant 1 : i32
    %sub3A_797 = arith.subi %div3A_776, %sub3A_796 : i32
    %select_n3A_798 = arith.select %and3A_795, %sub3A_797, %div3A_776 : i32
    %mul3A_799 = arith.constant 81 : i32
    %mul3A_800 = arith.muli %select_n3A_798, %mul3A_799 : i32
    %sub3A_801 = arith.subi %squeeze3A_774, %mul3A_800 : i32
    %add3A_802 = arith.constant 19 : i32
    %add3A_803 = arith.addi %mul3A_2, %add3A_802 : i32
    %dma_start3A_804 = arith.constant 0 : i32
    %dma_start3A_805 = arith.constant 0 : i32
    %dma_start3A_806 = tpu.memref_slice %arg4[%add3A_803, %dma_start3A_804, %dma_start3A_805] : memref<1024x28x28xf32, #tpu.memory_space<hbm>> -> memref<1x28x28xf32, #tpu.memory_space<hbm>>
    %dma_start3A_807 = tpu.memref_squeeze %dma_start3A_806 : memref<1x28x28xf32, #tpu.memory_space<hbm>> -> memref<28x28xf32, #tpu.memory_space<hbm>>
    %dma_start3A_808 = arith.constant 0 : i32
    %dma_start3A_809 = arith.constant 0 : i32
    %dma_start3A_810 = tpu.memref_slice %arg2[%select_n3A_798, %sub3A_801, %dma_start3A_808, %dma_start3A_809] : memref<1000x81x28x28xf32, #tpu.memory_space<hbm>> -> memref<1x1x28x28xf32, #tpu.memory_space<hbm>>
    %dma_start3A_811 = tpu.memref_squeeze %dma_start3A_810 : memref<1x1x28x28xf32, #tpu.memory_space<hbm>> -> memref<28x28xf32, #tpu.memory_space<hbm>>
    tpu.enqueue_dma source(%dma_start3A_811 : memref<28x28xf32, #tpu.memory_space<hbm>>) target(%dma_start3A_807 : memref<28x28xf32, #tpu.memory_space<hbm>>) target_semaphore(%arg6 : memref<!tpu.dma_semaphore, #tpu.memory_space<semaphore_mem>>)
    %get3A_812 = arith.constant 20 : index
    %get3A_813 = tpu.vector_load %arg5[%get3A_812] {strides = array<i32>} : memref<32xi32, #tpu.memory_space<vmem>>, vector<1xi32>,
    %get3A_814 = vector.shape_cast %get3A_813 : vector<1xi32> to vector<1xi32>
    %squeeze3A_815 = vector.extract %get3A_814[0] : i32 from vector<1xi32>
    %jit3A_816 = arith.constant 81 : i32
    %div3A_817 = arith.divsi %squeeze3A_815, %jit3A_816 : i32
    %sign3A_818 = arith.constant 0 : i32
    %sign3A_819 = arith.cmpi sgt, %squeeze3A_815, %sign3A_818 : i32
    %sign3A_820 = arith.extui %sign3A_819 : i1 to i32
    %sign3A_821 = arith.constant 0 : i32
    %sign3A_822 = arith.cmpi slt, %squeeze3A_815, %sign3A_821 : i32
    %sign3A_823 = arith.extui %sign3A_822 : i1 to i32
    %sign3A_824 = arith.subi %sign3A_820, %sign3A_823 : i32
    %sign3A_825 = arith.constant 0 : i32
    %sign3A_826 = arith.cmpi sgt, %jit3A_816, %sign3A_825 : i32
    %sign3A_827 = arith.extui %sign3A_826 : i1 to i32
    %sign3A_828 = arith.constant 0 : i32
    %sign3A_829 = arith.cmpi slt, %jit3A_816, %sign3A_828 : i32
    %sign3A_830 = arith.extui %sign3A_829 : i1 to i32
    %sign3A_831 = arith.subi %sign3A_827, %sign3A_830 : i32
    %ne3A_832 = arith.cmpi ne, %sign3A_824, %sign3A_831 : i32
    %rem3A_833 = arith.remsi %squeeze3A_815, %jit3A_816 : i32
    %ne3A_834 = arith.constant 0 : i32
    %ne3A_835 = arith.cmpi ne, %rem3A_833, %ne3A_834 : i32
    %and3A_836 = arith.andi %ne3A_832, %ne3A_835 : i1
    %sub3A_837 = arith.constant 1 : i32
    %sub3A_838 = arith.subi %div3A_817, %sub3A_837 : i32
    %select_n3A_839 = arith.select %and3A_836, %sub3A_838, %div3A_817 : i32
    %mul3A_840 = arith.constant 81 : i32
    %mul3A_841 = arith.muli %select_n3A_839, %mul3A_840 : i32
    %sub3A_842 = arith.subi %squeeze3A_815, %mul3A_841 : i32
    %add3A_843 = arith.constant 20 : i32
    %add3A_844 = arith.addi %mul3A_2, %add3A_843 : i32
    %dma_start3A_845 = arith.constant 0 : i32
    %dma_start3A_846 = arith.constant 0 : i32
    %dma_start3A_847 = tpu.memref_slice %arg4[%add3A_844, %dma_start3A_845, %dma_start3A_846] : memref<1024x28x28xf32, #tpu.memory_space<hbm>> -> memref<1x28x28xf32, #tpu.memory_space<hbm>>
    %dma_start3A_848 = tpu.memref_squeeze %dma_start3A_847 : memref<1x28x28xf32, #tpu.memory_space<hbm>> -> memref<28x28xf32, #tpu.memory_space<hbm>>
    %dma_start3A_849 = arith.constant 0 : i32
    %dma_start3A_850 = arith.constant 0 : i32
    %dma_start3A_851 = tpu.memref_slice %arg2[%select_n3A_839, %sub3A_842, %dma_start3A_849, %dma_start3A_850] : memref<1000x81x28x28xf32, #tpu.memory_space<hbm>> -> memref<1x1x28x28xf32, #tpu.memory_space<hbm>>
    %dma_start3A_852 = tpu.memref_squeeze %dma_start3A_851 : memref<1x1x28x28xf32, #tpu.memory_space<hbm>> -> memref<28x28xf32, #tpu.memory_space<hbm>>
    tpu.enqueue_dma source(%dma_start3A_852 : memref<28x28xf32, #tpu.memory_space<hbm>>) target(%dma_start3A_848 : memref<28x28xf32, #tpu.memory_space<hbm>>) target_semaphore(%arg6 : memref<!tpu.dma_semaphore, #tpu.memory_space<semaphore_mem>>)
    %get3A_853 = arith.constant 21 : index
    %get3A_854 = tpu.vector_load %arg5[%get3A_853] {strides = array<i32>} : memref<32xi32, #tpu.memory_space<vmem>>, vector<1xi32>,
    %get3A_855 = vector.shape_cast %get3A_854 : vector<1xi32> to vector<1xi32>
    %squeeze3A_856 = vector.extract %get3A_855[0] : i32 from vector<1xi32>
    %jit3A_857 = arith.constant 81 : i32
    %div3A_858 = arith.divsi %squeeze3A_856, %jit3A_857 : i32
    %sign3A_859 = arith.constant 0 : i32
    %sign3A_860 = arith.cmpi sgt, %squeeze3A_856, %sign3A_859 : i32
    %sign3A_861 = arith.extui %sign3A_860 : i1 to i32
    %sign3A_862 = arith.constant 0 : i32
    %sign3A_863 = arith.cmpi slt, %squeeze3A_856, %sign3A_862 : i32
    %sign3A_864 = arith.extui %sign3A_863 : i1 to i32
    %sign3A_865 = arith.subi %sign3A_861, %sign3A_864 : i32
    %sign3A_866 = arith.constant 0 : i32
    %sign3A_867 = arith.cmpi sgt, %jit3A_857, %sign3A_866 : i32
    %sign3A_868 = arith.extui %sign3A_867 : i1 to i32
    %sign3A_869 = arith.constant 0 : i32
    %sign3A_870 = arith.cmpi slt, %jit3A_857, %sign3A_869 : i32
    %sign3A_871 = arith.extui %sign3A_870 : i1 to i32
    %sign3A_872 = arith.subi %sign3A_868, %sign3A_871 : i32
    %ne3A_873 = arith.cmpi ne, %sign3A_865, %sign3A_872 : i32
    %rem3A_874 = arith.remsi %squeeze3A_856, %jit3A_857 : i32
    %ne3A_875 = arith.constant 0 : i32
    %ne3A_876 = arith.cmpi ne, %rem3A_874, %ne3A_875 : i32
    %and3A_877 = arith.andi %ne3A_873, %ne3A_876 : i1
    %sub3A_878 = arith.constant 1 : i32
    %sub3A_879 = arith.subi %div3A_858, %sub3A_878 : i32
    %select_n3A_880 = arith.select %and3A_877, %sub3A_879, %div3A_858 : i32
    %mul3A_881 = arith.constant 81 : i32
    %mul3A_882 = arith.muli %select_n3A_880, %mul3A_881 : i32
    %sub3A_883 = arith.subi %squeeze3A_856, %mul3A_882 : i32
    %add3A_884 = arith.constant 21 : i32
    %add3A_885 = arith.addi %mul3A_2, %add3A_884 : i32
    %dma_start3A_886 = arith.constant 0 : i32
    %dma_start3A_887 = arith.constant 0 : i32
    %dma_start3A_888 = tpu.memref_slice %arg4[%add3A_885, %dma_start3A_886, %dma_start3A_887] : memref<1024x28x28xf32, #tpu.memory_space<hbm>> -> memref<1x28x28xf32, #tpu.memory_space<hbm>>
    %dma_start3A_889 = tpu.memref_squeeze %dma_start3A_888 : memref<1x28x28xf32, #tpu.memory_space<hbm>> -> memref<28x28xf32, #tpu.memory_space<hbm>>
    %dma_start3A_890 = arith.constant 0 : i32
    %dma_start3A_891 = arith.constant 0 : i32
    %dma_start3A_892 = tpu.memref_slice %arg2[%select_n3A_880, %sub3A_883, %dma_start3A_890, %dma_start3A_891] : memref<1000x81x28x28xf32, #tpu.memory_space<hbm>> -> memref<1x1x28x28xf32, #tpu.memory_space<hbm>>
    %dma_start3A_893 = tpu.memref_squeeze %dma_start3A_892 : memref<1x1x28x28xf32, #tpu.memory_space<hbm>> -> memref<28x28xf32, #tpu.memory_space<hbm>>
    tpu.enqueue_dma source(%dma_start3A_893 : memref<28x28xf32, #tpu.memory_space<hbm>>) target(%dma_start3A_889 : memref<28x28xf32, #tpu.memory_space<hbm>>) target_semaphore(%arg6 : memref<!tpu.dma_semaphore, #tpu.memory_space<semaphore_mem>>)
    %get3A_894 = arith.constant 22 : index
    %get3A_895 = tpu.vector_load %arg5[%get3A_894] {strides = array<i32>} : memref<32xi32, #tpu.memory_space<vmem>>, vector<1xi32>,
    %get3A_896 = vector.shape_cast %get3A_895 : vector<1xi32> to vector<1xi32>
    %squeeze3A_897 = vector.extract %get3A_896[0] : i32 from vector<1xi32>
    %jit3A_898 = arith.constant 81 : i32
    %div3A_899 = arith.divsi %squeeze3A_897, %jit3A_898 : i32
    %sign3A_900 = arith.constant 0 : i32
    %sign3A_901 = arith.cmpi sgt, %squeeze3A_897, %sign3A_900 : i32
    %sign3A_902 = arith.extui %sign3A_901 : i1 to i32
    %sign3A_903 = arith.constant 0 : i32
    %sign3A_904 = arith.cmpi slt, %squeeze3A_897, %sign3A_903 : i32
    %sign3A_905 = arith.extui %sign3A_904 : i1 to i32
    %sign3A_906 = arith.subi %sign3A_902, %sign3A_905 : i32
    %sign3A_907 = arith.constant 0 : i32
    %sign3A_908 = arith.cmpi sgt, %jit3A_898, %sign3A_907 : i32
    %sign3A_909 = arith.extui %sign3A_908 : i1 to i32
    %sign3A_910 = arith.constant 0 : i32
    %sign3A_911 = arith.cmpi slt, %jit3A_898, %sign3A_910 : i32
    %sign3A_912 = arith.extui %sign3A_911 : i1 to i32
    %sign3A_913 = arith.subi %sign3A_909, %sign3A_912 : i32
    %ne3A_914 = arith.cmpi ne, %sign3A_906, %sign3A_913 : i32
    %rem3A_915 = arith.remsi %squeeze3A_897, %jit3A_898 : i32
    %ne3A_916 = arith.constant 0 : i32
    %ne3A_917 = arith.cmpi ne, %rem3A_915, %ne3A_916 : i32
    %and3A_918 = arith.andi %ne3A_914, %ne3A_917 : i1
    %sub3A_919 = arith.constant 1 : i32
    %sub3A_920 = arith.subi %div3A_899, %sub3A_919 : i32
    %select_n3A_921 = arith.select %and3A_918, %sub3A_920, %div3A_899 : i32
    %mul3A_922 = arith.constant 81 : i32
    %mul3A_923 = arith.muli %select_n3A_921, %mul3A_922 : i32
    %sub3A_924 = arith.subi %squeeze3A_897, %mul3A_923 : i32
    %add3A_925 = arith.constant 22 : i32
    %add3A_926 = arith.addi %mul3A_2, %add3A_925 : i32
    %dma_start3A_927 = arith.constant 0 : i32
    %dma_start3A_928 = arith.constant 0 : i32
    %dma_start3A_929 = tpu.memref_slice %arg4[%add3A_926, %dma_start3A_927, %dma_start3A_928] : memref<1024x28x28xf32, #tpu.memory_space<hbm>> -> memref<1x28x28xf32, #tpu.memory_space<hbm>>
    %dma_start3A_930 = tpu.memref_squeeze %dma_start3A_929 : memref<1x28x28xf32, #tpu.memory_space<hbm>> -> memref<28x28xf32, #tpu.memory_space<hbm>>
    %dma_start3A_931 = arith.constant 0 : i32
    %dma_start3A_932 = arith.constant 0 : i32
    %dma_start3A_933 = tpu.memref_slice %arg2[%select_n3A_921, %sub3A_924, %dma_start3A_931, %dma_start3A_932] : memref<1000x81x28x28xf32, #tpu.memory_space<hbm>> -> memref<1x1x28x28xf32, #tpu.memory_space<hbm>>
    %dma_start3A_934 = tpu.memref_squeeze %dma_start3A_933 : memref<1x1x28x28xf32, #tpu.memory_space<hbm>> -> memref<28x28xf32, #tpu.memory_space<hbm>>
    tpu.enqueue_dma source(%dma_start3A_934 : memref<28x28xf32, #tpu.memory_space<hbm>>) target(%dma_start3A_930 : memref<28x28xf32, #tpu.memory_space<hbm>>) target_semaphore(%arg6 : memref<!tpu.dma_semaphore, #tpu.memory_space<semaphore_mem>>)
    %get3A_935 = arith.constant 23 : index
    %get3A_936 = tpu.vector_load %arg5[%get3A_935] {strides = array<i32>} : memref<32xi32, #tpu.memory_space<vmem>>, vector<1xi32>,
    %get3A_937 = vector.shape_cast %get3A_936 : vector<1xi32> to vector<1xi32>
    %squeeze3A_938 = vector.extract %get3A_937[0] : i32 from vector<1xi32>
    %jit3A_939 = arith.constant 81 : i32
    %div3A_940 = arith.divsi %squeeze3A_938, %jit3A_939 : i32
    %sign3A_941 = arith.constant 0 : i32
    %sign3A_942 = arith.cmpi sgt, %squeeze3A_938, %sign3A_941 : i32
    %sign3A_943 = arith.extui %sign3A_942 : i1 to i32
    %sign3A_944 = arith.constant 0 : i32
    %sign3A_945 = arith.cmpi slt, %squeeze3A_938, %sign3A_944 : i32
    %sign3A_946 = arith.extui %sign3A_945 : i1 to i32
    %sign3A_947 = arith.subi %sign3A_943, %sign3A_946 : i32
    %sign3A_948 = arith.constant 0 : i32
    %sign3A_949 = arith.cmpi sgt, %jit3A_939, %sign3A_948 : i32
    %sign3A_950 = arith.extui %sign3A_949 : i1 to i32
    %sign3A_951 = arith.constant 0 : i32
    %sign3A_952 = arith.cmpi slt, %jit3A_939, %sign3A_951 : i32
    %sign3A_953 = arith.extui %sign3A_952 : i1 to i32
    %sign3A_954 = arith.subi %sign3A_950, %sign3A_953 : i32
    %ne3A_955 = arith.cmpi ne, %sign3A_947, %sign3A_954 : i32
    %rem3A_956 = arith.remsi %squeeze3A_938, %jit3A_939 : i32
    %ne3A_957 = arith.constant 0 : i32
    %ne3A_958 = arith.cmpi ne, %rem3A_956, %ne3A_957 : i32
    %and3A_959 = arith.andi %ne3A_955, %ne3A_958 : i1
    %sub3A_960 = arith.constant 1 : i32
    %sub3A_961 = arith.subi %div3A_940, %sub3A_960 : i32
    %select_n3A_962 = arith.select %and3A_959, %sub3A_961, %div3A_940 : i32
    %mul3A_963 = arith.constant 81 : i32
    %mul3A_964 = arith.muli %select_n3A_962, %mul3A_963 : i32
    %sub3A_965 = arith.subi %squeeze3A_938, %mul3A_964 : i32
    %add3A_966 = arith.constant 23 : i32
    %add3A_967 = arith.addi %mul3A_2, %add3A_966 : i32
    %dma_start3A_968 = arith.constant 0 : i32
    %dma_start3A_969 = arith.constant 0 : i32
    %dma_start3A_970 = tpu.memref_slice %arg4[%add3A_967, %dma_start3A_968, %dma_start3A_969] : memref<1024x28x28xf32, #tpu.memory_space<hbm>> -> memref<1x28x28xf32, #tpu.memory_space<hbm>>
    %dma_start3A_971 = tpu.memref_squeeze %dma_start3A_970 : memref<1x28x28xf32, #tpu.memory_space<hbm>> -> memref<28x28xf32, #tpu.memory_space<hbm>>
    %dma_start3A_972 = arith.constant 0 : i32
    %dma_start3A_973 = arith.constant 0 : i32
    %dma_start3A_974 = tpu.memref_slice %arg2[%select_n3A_962, %sub3A_965, %dma_start3A_972, %dma_start3A_973] : memref<1000x81x28x28xf32, #tpu.memory_space<hbm>> -> memref<1x1x28x28xf32, #tpu.memory_space<hbm>>
    %dma_start3A_975 = tpu.memref_squeeze %dma_start3A_974 : memref<1x1x28x28xf32, #tpu.memory_space<hbm>> -> memref<28x28xf32, #tpu.memory_space<hbm>>
    tpu.enqueue_dma source(%dma_start3A_975 : memref<28x28xf32, #tpu.memory_space<hbm>>) target(%dma_start3A_971 : memref<28x28xf32, #tpu.memory_space<hbm>>) target_semaphore(%arg6 : memref<!tpu.dma_semaphore, #tpu.memory_space<semaphore_mem>>)
    %get3A_976 = arith.constant 24 : index
    %get3A_977 = tpu.vector_load %arg5[%get3A_976] {strides = array<i32>} : memref<32xi32, #tpu.memory_space<vmem>>, vector<1xi32>,
    %get3A_978 = vector.shape_cast %get3A_977 : vector<1xi32> to vector<1xi32>
    %squeeze3A_979 = vector.extract %get3A_978[0] : i32 from vector<1xi32>
    %jit3A_980 = arith.constant 81 : i32
    %div3A_981 = arith.divsi %squeeze3A_979, %jit3A_980 : i32
    %sign3A_982 = arith.constant 0 : i32
    %sign3A_983 = arith.cmpi sgt, %squeeze3A_979, %sign3A_982 : i32
    %sign3A_984 = arith.extui %sign3A_983 : i1 to i32
    %sign3A_985 = arith.constant 0 : i32
    %sign3A_986 = arith.cmpi slt, %squeeze3A_979, %sign3A_985 : i32
    %sign3A_987 = arith.extui %sign3A_986 : i1 to i32
    %sign3A_988 = arith.subi %sign3A_984, %sign3A_987 : i32
    %sign3A_989 = arith.constant 0 : i32
    %sign3A_990 = arith.cmpi sgt, %jit3A_980, %sign3A_989 : i32
    %sign3A_991 = arith.extui %sign3A_990 : i1 to i32
    %sign3A_992 = arith.constant 0 : i32
    %sign3A_993 = arith.cmpi slt, %jit3A_980, %sign3A_992 : i32
    %sign3A_994 = arith.extui %sign3A_993 : i1 to i32
    %sign3A_995 = arith.subi %sign3A_991, %sign3A_994 : i32
    %ne3A_996 = arith.cmpi ne, %sign3A_988, %sign3A_995 : i32
    %rem3A_997 = arith.remsi %squeeze3A_979, %jit3A_980 : i32
    %ne3A_998 = arith.constant 0 : i32
    %ne3A_999 = arith.cmpi ne, %rem3A_997, %ne3A_998 : i32
    %and3A_1000 = arith.andi %ne3A_996, %ne3A_999 : i1
    %sub3A_1001 = arith.constant 1 : i32
    %sub3A_1002 = arith.subi %div3A_981, %sub3A_1001 : i32
    %select_n3A_1003 = arith.select %and3A_1000, %sub3A_1002, %div3A_981 : i32
    %mul3A_1004 = arith.constant 81 : i32
    %mul3A_1005 = arith.muli %select_n3A_1003, %mul3A_1004 : i32
    %sub3A_1006 = arith.subi %squeeze3A_979, %mul3A_1005 : i32
    %add3A_1007 = arith.constant 24 : i32
    %add3A_1008 = arith.addi %mul3A_2, %add3A_1007 : i32
    %dma_start3A_1009 = arith.constant 0 : i32
    %dma_start3A_1010 = arith.constant 0 : i32
    %dma_start3A_1011 = tpu.memref_slice %arg4[%add3A_1008, %dma_start3A_1009, %dma_start3A_1010] : memref<1024x28x28xf32, #tpu.memory_space<hbm>> -> memref<1x28x28xf32, #tpu.memory_space<hbm>>
    %dma_start3A_1012 = tpu.memref_squeeze %dma_start3A_1011 : memref<1x28x28xf32, #tpu.memory_space<hbm>> -> memref<28x28xf32, #tpu.memory_space<hbm>>
    %dma_start3A_1013 = arith.constant 0 : i32
    %dma_start3A_1014 = arith.constant 0 : i32
    %dma_start3A_1015 = tpu.memref_slice %arg2[%select_n3A_1003, %sub3A_1006, %dma_start3A_1013, %dma_start3A_1014] : memref<1000x81x28x28xf32, #tpu.memory_space<hbm>> -> memref<1x1x28x28xf32, #tpu.memory_space<hbm>>
    %dma_start3A_1016 = tpu.memref_squeeze %dma_start3A_1015 : memref<1x1x28x28xf32, #tpu.memory_space<hbm>> -> memref<28x28xf32, #tpu.memory_space<hbm>>
    tpu.enqueue_dma source(%dma_start3A_1016 : memref<28x28xf32, #tpu.memory_space<hbm>>) target(%dma_start3A_1012 : memref<28x28xf32, #tpu.memory_space<hbm>>) target_semaphore(%arg6 : memref<!tpu.dma_semaphore, #tpu.memory_space<semaphore_mem>>)
    %get3A_1017 = arith.constant 25 : index
    %get3A_1018 = tpu.vector_load %arg5[%get3A_1017] {strides = array<i32>} : memref<32xi32, #tpu.memory_space<vmem>>, vector<1xi32>,
    %get3A_1019 = vector.shape_cast %get3A_1018 : vector<1xi32> to vector<1xi32>
    %squeeze3A_1020 = vector.extract %get3A_1019[0] : i32 from vector<1xi32>
    %jit3A_1021 = arith.constant 81 : i32
    %div3A_1022 = arith.divsi %squeeze3A_1020, %jit3A_1021 : i32
    %sign3A_1023 = arith.constant 0 : i32
    %sign3A_1024 = arith.cmpi sgt, %squeeze3A_1020, %sign3A_1023 : i32
    %sign3A_1025 = arith.extui %sign3A_1024 : i1 to i32
    %sign3A_1026 = arith.constant 0 : i32
    %sign3A_1027 = arith.cmpi slt, %squeeze3A_1020, %sign3A_1026 : i32
    %sign3A_1028 = arith.extui %sign3A_1027 : i1 to i32
    %sign3A_1029 = arith.subi %sign3A_1025, %sign3A_1028 : i32
    %sign3A_1030 = arith.constant 0 : i32
    %sign3A_1031 = arith.cmpi sgt, %jit3A_1021, %sign3A_1030 : i32
    %sign3A_1032 = arith.extui %sign3A_1031 : i1 to i32
    %sign3A_1033 = arith.constant 0 : i32
    %sign3A_1034 = arith.cmpi slt, %jit3A_1021, %sign3A_1033 : i32
    %sign3A_1035 = arith.extui %sign3A_1034 : i1 to i32
    %sign3A_1036 = arith.subi %sign3A_1032, %sign3A_1035 : i32
    %ne3A_1037 = arith.cmpi ne, %sign3A_1029, %sign3A_1036 : i32
    %rem3A_1038 = arith.remsi %squeeze3A_1020, %jit3A_1021 : i32
    %ne3A_1039 = arith.constant 0 : i32
    %ne3A_1040 = arith.cmpi ne, %rem3A_1038, %ne3A_1039 : i32
    %and3A_1041 = arith.andi %ne3A_1037, %ne3A_1040 : i1
    %sub3A_1042 = arith.constant 1 : i32
    %sub3A_1043 = arith.subi %div3A_1022, %sub3A_1042 : i32
    %select_n3A_1044 = arith.select %and3A_1041, %sub3A_1043, %div3A_1022 : i32
    %mul3A_1045 = arith.constant 81 : i32
    %mul3A_1046 = arith.muli %select_n3A_1044, %mul3A_1045 : i32
    %sub3A_1047 = arith.subi %squeeze3A_1020, %mul3A_1046 : i32
    %add3A_1048 = arith.constant 25 : i32
    %add3A_1049 = arith.addi %mul3A_2, %add3A_1048 : i32
    %dma_start3A_1050 = arith.constant 0 : i32
    %dma_start3A_1051 = arith.constant 0 : i32
    %dma_start3A_1052 = tpu.memref_slice %arg4[%add3A_1049, %dma_start3A_1050, %dma_start3A_1051] : memref<1024x28x28xf32, #tpu.memory_space<hbm>> -> memref<1x28x28xf32, #tpu.memory_space<hbm>>
    %dma_start3A_1053 = tpu.memref_squeeze %dma_start3A_1052 : memref<1x28x28xf32, #tpu.memory_space<hbm>> -> memref<28x28xf32, #tpu.memory_space<hbm>>
    %dma_start3A_1054 = arith.constant 0 : i32
    %dma_start3A_1055 = arith.constant 0 : i32
    %dma_start3A_1056 = tpu.memref_slice %arg2[%select_n3A_1044, %sub3A_1047, %dma_start3A_1054, %dma_start3A_1055] : memref<1000x81x28x28xf32, #tpu.memory_space<hbm>> -> memref<1x1x28x28xf32, #tpu.memory_space<hbm>>
    %dma_start3A_1057 = tpu.memref_squeeze %dma_start3A_1056 : memref<1x1x28x28xf32, #tpu.memory_space<hbm>> -> memref<28x28xf32, #tpu.memory_space<hbm>>
    tpu.enqueue_dma source(%dma_start3A_1057 : memref<28x28xf32, #tpu.memory_space<hbm>>) target(%dma_start3A_1053 : memref<28x28xf32, #tpu.memory_space<hbm>>) target_semaphore(%arg6 : memref<!tpu.dma_semaphore, #tpu.memory_space<semaphore_mem>>)
    %get3A_1058 = arith.constant 26 : index
    %get3A_1059 = tpu.vector_load %arg5[%get3A_1058] {strides = array<i32>} : memref<32xi32, #tpu.memory_space<vmem>>, vector<1xi32>,
    %get3A_1060 = vector.shape_cast %get3A_1059 : vector<1xi32> to vector<1xi32>
    %squeeze3A_1061 = vector.extract %get3A_1060[0] : i32 from vector<1xi32>
    %jit3A_1062 = arith.constant 81 : i32
    %div3A_1063 = arith.divsi %squeeze3A_1061, %jit3A_1062 : i32
    %sign3A_1064 = arith.constant 0 : i32
    %sign3A_1065 = arith.cmpi sgt, %squeeze3A_1061, %sign3A_1064 : i32
    %sign3A_1066 = arith.extui %sign3A_1065 : i1 to i32
    %sign3A_1067 = arith.constant 0 : i32
    %sign3A_1068 = arith.cmpi slt, %squeeze3A_1061, %sign3A_1067 : i32
    %sign3A_1069 = arith.extui %sign3A_1068 : i1 to i32
    %sign3A_1070 = arith.subi %sign3A_1066, %sign3A_1069 : i32
    %sign3A_1071 = arith.constant 0 : i32
    %sign3A_1072 = arith.cmpi sgt, %jit3A_1062, %sign3A_1071 : i32
    %sign3A_1073 = arith.extui %sign3A_1072 : i1 to i32
    %sign3A_1074 = arith.constant 0 : i32
    %sign3A_1075 = arith.cmpi slt, %jit3A_1062, %sign3A_1074 : i32
    %sign3A_1076 = arith.extui %sign3A_1075 : i1 to i32
    %sign3A_1077 = arith.subi %sign3A_1073, %sign3A_1076 : i32
    %ne3A_1078 = arith.cmpi ne, %sign3A_1070, %sign3A_1077 : i32
    %rem3A_1079 = arith.remsi %squeeze3A_1061, %jit3A_1062 : i32
    %ne3A_1080 = arith.constant 0 : i32
    %ne3A_1081 = arith.cmpi ne, %rem3A_1079, %ne3A_1080 : i32
    %and3A_1082 = arith.andi %ne3A_1078, %ne3A_1081 : i1
    %sub3A_1083 = arith.constant 1 : i32
    %sub3A_1084 = arith.subi %div3A_1063, %sub3A_1083 : i32
    %select_n3A_1085 = arith.select %and3A_1082, %sub3A_1084, %div3A_1063 : i32
    %mul3A_1086 = arith.constant 81 : i32
    %mul3A_1087 = arith.muli %select_n3A_1085, %mul3A_1086 : i32
    %sub3A_1088 = arith.subi %squeeze3A_1061, %mul3A_1087 : i32
    %add3A_1089 = arith.constant 26 : i32
    %add3A_1090 = arith.addi %mul3A_2, %add3A_1089 : i32
    %dma_start3A_1091 = arith.constant 0 : i32
    %dma_start3A_1092 = arith.constant 0 : i32
    %dma_start3A_1093 = tpu.memref_slice %arg4[%add3A_1090, %dma_start3A_1091, %dma_start3A_1092] : memref<1024x28x28xf32, #tpu.memory_space<hbm>> -> memref<1x28x28xf32, #tpu.memory_space<hbm>>
    %dma_start3A_1094 = tpu.memref_squeeze %dma_start3A_1093 : memref<1x28x28xf32, #tpu.memory_space<hbm>> -> memref<28x28xf32, #tpu.memory_space<hbm>>
    %dma_start3A_1095 = arith.constant 0 : i32
    %dma_start3A_1096 = arith.constant 0 : i32
    %dma_start3A_1097 = tpu.memref_slice %arg2[%select_n3A_1085, %sub3A_1088, %dma_start3A_1095, %dma_start3A_1096] : memref<1000x81x28x28xf32, #tpu.memory_space<hbm>> -> memref<1x1x28x28xf32, #tpu.memory_space<hbm>>
    %dma_start3A_1098 = tpu.memref_squeeze %dma_start3A_1097 : memref<1x1x28x28xf32, #tpu.memory_space<hbm>> -> memref<28x28xf32, #tpu.memory_space<hbm>>
    tpu.enqueue_dma source(%dma_start3A_1098 : memref<28x28xf32, #tpu.memory_space<hbm>>) target(%dma_start3A_1094 : memref<28x28xf32, #tpu.memory_space<hbm>>) target_semaphore(%arg6 : memref<!tpu.dma_semaphore, #tpu.memory_space<semaphore_mem>>)
    %get3A_1099 = arith.constant 27 : index
    %get3A_1100 = tpu.vector_load %arg5[%get3A_1099] {strides = array<i32>} : memref<32xi32, #tpu.memory_space<vmem>>, vector<1xi32>,
    %get3A_1101 = vector.shape_cast %get3A_1100 : vector<1xi32> to vector<1xi32>
    %squeeze3A_1102 = vector.extract %get3A_1101[0] : i32 from vector<1xi32>
    %jit3A_1103 = arith.constant 81 : i32
    %div3A_1104 = arith.divsi %squeeze3A_1102, %jit3A_1103 : i32
    %sign3A_1105 = arith.constant 0 : i32
    %sign3A_1106 = arith.cmpi sgt, %squeeze3A_1102, %sign3A_1105 : i32
    %sign3A_1107 = arith.extui %sign3A_1106 : i1 to i32
    %sign3A_1108 = arith.constant 0 : i32
    %sign3A_1109 = arith.cmpi slt, %squeeze3A_1102, %sign3A_1108 : i32
    %sign3A_1110 = arith.extui %sign3A_1109 : i1 to i32
    %sign3A_1111 = arith.subi %sign3A_1107, %sign3A_1110 : i32
    %sign3A_1112 = arith.constant 0 : i32
    %sign3A_1113 = arith.cmpi sgt, %jit3A_1103, %sign3A_1112 : i32
    %sign3A_1114 = arith.extui %sign3A_1113 : i1 to i32
    %sign3A_1115 = arith.constant 0 : i32
    %sign3A_1116 = arith.cmpi slt, %jit3A_1103, %sign3A_1115 : i32
    %sign3A_1117 = arith.extui %sign3A_1116 : i1 to i32
    %sign3A_1118 = arith.subi %sign3A_1114, %sign3A_1117 : i32
    %ne3A_1119 = arith.cmpi ne, %sign3A_1111, %sign3A_1118 : i32
    %rem3A_1120 = arith.remsi %squeeze3A_1102, %jit3A_1103 : i32
    %ne3A_1121 = arith.constant 0 : i32
    %ne3A_1122 = arith.cmpi ne, %rem3A_1120, %ne3A_1121 : i32
    %and3A_1123 = arith.andi %ne3A_1119, %ne3A_1122 : i1
    %sub3A_1124 = arith.constant 1 : i32
    %sub3A_1125 = arith.subi %div3A_1104, %sub3A_1124 : i32
    %select_n3A_1126 = arith.select %and3A_1123, %sub3A_1125, %div3A_1104 : i32
    %mul3A_1127 = arith.constant 81 : i32
    %mul3A_1128 = arith.muli %select_n3A_1126, %mul3A_1127 : i32
    %sub3A_1129 = arith.subi %squeeze3A_1102, %mul3A_1128 : i32
    %add3A_1130 = arith.constant 27 : i32
    %add3A_1131 = arith.addi %mul3A_2, %add3A_1130 : i32
    %dma_start3A_1132 = arith.constant 0 : i32
    %dma_start3A_1133 = arith.constant 0 : i32
    %dma_start3A_1134 = tpu.memref_slice %arg4[%add3A_1131, %dma_start3A_1132, %dma_start3A_1133] : memref<1024x28x28xf32, #tpu.memory_space<hbm>> -> memref<1x28x28xf32, #tpu.memory_space<hbm>>
    %dma_start3A_1135 = tpu.memref_squeeze %dma_start3A_1134 : memref<1x28x28xf32, #tpu.memory_space<hbm>> -> memref<28x28xf32, #tpu.memory_space<hbm>>
    %dma_start3A_1136 = arith.constant 0 : i32
    %dma_start3A_1137 = arith.constant 0 : i32
    %dma_start3A_1138 = tpu.memref_slice %arg2[%select_n3A_1126, %sub3A_1129, %dma_start3A_1136, %dma_start3A_1137] : memref<1000x81x28x28xf32, #tpu.memory_space<hbm>> -> memref<1x1x28x28xf32, #tpu.memory_space<hbm>>
    %dma_start3A_1139 = tpu.memref_squeeze %dma_start3A_1138 : memref<1x1x28x28xf32, #tpu.memory_space<hbm>> -> memref<28x28xf32, #tpu.memory_space<hbm>>
    tpu.enqueue_dma source(%dma_start3A_1139 : memref<28x28xf32, #tpu.memory_space<hbm>>) target(%dma_start3A_1135 : memref<28x28xf32, #tpu.memory_space<hbm>>) target_semaphore(%arg6 : memref<!tpu.dma_semaphore, #tpu.memory_space<semaphore_mem>>)
    %get3A_1140 = arith.constant 28 : index
    %get3A_1141 = tpu.vector_load %arg5[%get3A_1140] {strides = array<i32>} : memref<32xi32, #tpu.memory_space<vmem>>, vector<1xi32>,
    %get3A_1142 = vector.shape_cast %get3A_1141 : vector<1xi32> to vector<1xi32>
    %squeeze3A_1143 = vector.extract %get3A_1142[0] : i32 from vector<1xi32>
    %jit3A_1144 = arith.constant 81 : i32
    %div3A_1145 = arith.divsi %squeeze3A_1143, %jit3A_1144 : i32
    %sign3A_1146 = arith.constant 0 : i32
    %sign3A_1147 = arith.cmpi sgt, %squeeze3A_1143, %sign3A_1146 : i32
    %sign3A_1148 = arith.extui %sign3A_1147 : i1 to i32
    %sign3A_1149 = arith.constant 0 : i32
    %sign3A_1150 = arith.cmpi slt, %squeeze3A_1143, %sign3A_1149 : i32
    %sign3A_1151 = arith.extui %sign3A_1150 : i1 to i32
    %sign3A_1152 = arith.subi %sign3A_1148, %sign3A_1151 : i32
    %sign3A_1153 = arith.constant 0 : i32
    %sign3A_1154 = arith.cmpi sgt, %jit3A_1144, %sign3A_1153 : i32
    %sign3A_1155 = arith.extui %sign3A_1154 : i1 to i32
    %sign3A_1156 = arith.constant 0 : i32
    %sign3A_1157 = arith.cmpi slt, %jit3A_1144, %sign3A_1156 : i32
    %sign3A_1158 = arith.extui %sign3A_1157 : i1 to i32
    %sign3A_1159 = arith.subi %sign3A_1155, %sign3A_1158 : i32
    %ne3A_1160 = arith.cmpi ne, %sign3A_1152, %sign3A_1159 : i32
    %rem3A_1161 = arith.remsi %squeeze3A_1143, %jit3A_1144 : i32
    %ne3A_1162 = arith.constant 0 : i32
    %ne3A_1163 = arith.cmpi ne, %rem3A_1161, %ne3A_1162 : i32
    %and3A_1164 = arith.andi %ne3A_1160, %ne3A_1163 : i1
    %sub3A_1165 = arith.constant 1 : i32
    %sub3A_1166 = arith.subi %div3A_1145, %sub3A_1165 : i32
    %select_n3A_1167 = arith.select %and3A_1164, %sub3A_1166, %div3A_1145 : i32
    %mul3A_1168 = arith.constant 81 : i32
    %mul3A_1169 = arith.muli %select_n3A_1167, %mul3A_1168 : i32
    %sub3A_1170 = arith.subi %squeeze3A_1143, %mul3A_1169 : i32
    %add3A_1171 = arith.constant 28 : i32
    %add3A_1172 = arith.addi %mul3A_2, %add3A_1171 : i32
    %dma_start3A_1173 = arith.constant 0 : i32
    %dma_start3A_1174 = arith.constant 0 : i32
    %dma_start3A_1175 = tpu.memref_slice %arg4[%add3A_1172, %dma_start3A_1173, %dma_start3A_1174] : memref<1024x28x28xf32, #tpu.memory_space<hbm>> -> memref<1x28x28xf32, #tpu.memory_space<hbm>>
    %dma_start3A_1176 = tpu.memref_squeeze %dma_start3A_1175 : memref<1x28x28xf32, #tpu.memory_space<hbm>> -> memref<28x28xf32, #tpu.memory_space<hbm>>
    %dma_start3A_1177 = arith.constant 0 : i32
    %dma_start3A_1178 = arith.constant 0 : i32
    %dma_start3A_1179 = tpu.memref_slice %arg2[%select_n3A_1167, %sub3A_1170, %dma_start3A_1177, %dma_start3A_1178] : memref<1000x81x28x28xf32, #tpu.memory_space<hbm>> -> memref<1x1x28x28xf32, #tpu.memory_space<hbm>>
    %dma_start3A_1180 = tpu.memref_squeeze %dma_start3A_1179 : memref<1x1x28x28xf32, #tpu.memory_space<hbm>> -> memref<28x28xf32, #tpu.memory_space<hbm>>
    tpu.enqueue_dma source(%dma_start3A_1180 : memref<28x28xf32, #tpu.memory_space<hbm>>) target(%dma_start3A_1176 : memref<28x28xf32, #tpu.memory_space<hbm>>) target_semaphore(%arg6 : memref<!tpu.dma_semaphore, #tpu.memory_space<semaphore_mem>>)
    %get3A_1181 = arith.constant 29 : index
    %get3A_1182 = tpu.vector_load %arg5[%get3A_1181] {strides = array<i32>} : memref<32xi32, #tpu.memory_space<vmem>>, vector<1xi32>,
    %get3A_1183 = vector.shape_cast %get3A_1182 : vector<1xi32> to vector<1xi32>
    %squeeze3A_1184 = vector.extract %get3A_1183[0] : i32 from vector<1xi32>
    %jit3A_1185 = arith.constant 81 : i32
    %div3A_1186 = arith.divsi %squeeze3A_1184, %jit3A_1185 : i32
    %sign3A_1187 = arith.constant 0 : i32
    %sign3A_1188 = arith.cmpi sgt, %squeeze3A_1184, %sign3A_1187 : i32
    %sign3A_1189 = arith.extui %sign3A_1188 : i1 to i32
    %sign3A_1190 = arith.constant 0 : i32
    %sign3A_1191 = arith.cmpi slt, %squeeze3A_1184, %sign3A_1190 : i32
    %sign3A_1192 = arith.extui %sign3A_1191 : i1 to i32
    %sign3A_1193 = arith.subi %sign3A_1189, %sign3A_1192 : i32
    %sign3A_1194 = arith.constant 0 : i32
    %sign3A_1195 = arith.cmpi sgt, %jit3A_1185, %sign3A_1194 : i32
    %sign3A_1196 = arith.extui %sign3A_1195 : i1 to i32
    %sign3A_1197 = arith.constant 0 : i32
    %sign3A_1198 = arith.cmpi slt, %jit3A_1185, %sign3A_1197 : i32
    %sign3A_1199 = arith.extui %sign3A_1198 : i1 to i32
    %sign3A_1200 = arith.subi %sign3A_1196, %sign3A_1199 : i32
    %ne3A_1201 = arith.cmpi ne, %sign3A_1193, %sign3A_1200 : i32
    %rem3A_1202 = arith.remsi %squeeze3A_1184, %jit3A_1185 : i32
    %ne3A_1203 = arith.constant 0 : i32
    %ne3A_1204 = arith.cmpi ne, %rem3A_1202, %ne3A_1203 : i32
    %and3A_1205 = arith.andi %ne3A_1201, %ne3A_1204 : i1
    %sub3A_1206 = arith.constant 1 : i32
    %sub3A_1207 = arith.subi %div3A_1186, %sub3A_1206 : i32
    %select_n3A_1208 = arith.select %and3A_1205, %sub3A_1207, %div3A_1186 : i32
    %mul3A_1209 = arith.constant 81 : i32
    %mul3A_1210 = arith.muli %select_n3A_1208, %mul3A_1209 : i32
    %sub3A_1211 = arith.subi %squeeze3A_1184, %mul3A_1210 : i32
    %add3A_1212 = arith.constant 29 : i32
    %add3A_1213 = arith.addi %mul3A_2, %add3A_1212 : i32
    %dma_start3A_1214 = arith.constant 0 : i32
    %dma_start3A_1215 = arith.constant 0 : i32
    %dma_start3A_1216 = tpu.memref_slice %arg4[%add3A_1213, %dma_start3A_1214, %dma_start3A_1215] : memref<1024x28x28xf32, #tpu.memory_space<hbm>> -> memref<1x28x28xf32, #tpu.memory_space<hbm>>
    %dma_start3A_1217 = tpu.memref_squeeze %dma_start3A_1216 : memref<1x28x28xf32, #tpu.memory_space<hbm>> -> memref<28x28xf32, #tpu.memory_space<hbm>>
    %dma_start3A_1218 = arith.constant 0 : i32
    %dma_start3A_1219 = arith.constant 0 : i32
    %dma_start3A_1220 = tpu.memref_slice %arg2[%select_n3A_1208, %sub3A_1211, %dma_start3A_1218, %dma_start3A_1219] : memref<1000x81x28x28xf32, #tpu.memory_space<hbm>> -> memref<1x1x28x28xf32, #tpu.memory_space<hbm>>
    %dma_start3A_1221 = tpu.memref_squeeze %dma_start3A_1220 : memref<1x1x28x28xf32, #tpu.memory_space<hbm>> -> memref<28x28xf32, #tpu.memory_space<hbm>>
    tpu.enqueue_dma source(%dma_start3A_1221 : memref<28x28xf32, #tpu.memory_space<hbm>>) target(%dma_start3A_1217 : memref<28x28xf32, #tpu.memory_space<hbm>>) target_semaphore(%arg6 : memref<!tpu.dma_semaphore, #tpu.memory_space<semaphore_mem>>)
    %get3A_1222 = arith.constant 30 : index
    %get3A_1223 = tpu.vector_load %arg5[%get3A_1222] {strides = array<i32>} : memref<32xi32, #tpu.memory_space<vmem>>, vector<1xi32>,
    %get3A_1224 = vector.shape_cast %get3A_1223 : vector<1xi32> to vector<1xi32>
    %squeeze3A_1225 = vector.extract %get3A_1224[0] : i32 from vector<1xi32>
    %jit3A_1226 = arith.constant 81 : i32
    %div3A_1227 = arith.divsi %squeeze3A_1225, %jit3A_1226 : i32
    %sign3A_1228 = arith.constant 0 : i32
    %sign3A_1229 = arith.cmpi sgt, %squeeze3A_1225, %sign3A_1228 : i32
    %sign3A_1230 = arith.extui %sign3A_1229 : i1 to i32
    %sign3A_1231 = arith.constant 0 : i32
    %sign3A_1232 = arith.cmpi slt, %squeeze3A_1225, %sign3A_1231 : i32
    %sign3A_1233 = arith.extui %sign3A_1232 : i1 to i32
    %sign3A_1234 = arith.subi %sign3A_1230, %sign3A_1233 : i32
    %sign3A_1235 = arith.constant 0 : i32
    %sign3A_1236 = arith.cmpi sgt, %jit3A_1226, %sign3A_1235 : i32
    %sign3A_1237 = arith.extui %sign3A_1236 : i1 to i32
    %sign3A_1238 = arith.constant 0 : i32
    %sign3A_1239 = arith.cmpi slt, %jit3A_1226, %sign3A_1238 : i32
    %sign3A_1240 = arith.extui %sign3A_1239 : i1 to i32
    %sign3A_1241 = arith.subi %sign3A_1237, %sign3A_1240 : i32
    %ne3A_1242 = arith.cmpi ne, %sign3A_1234, %sign3A_1241 : i32
    %rem3A_1243 = arith.remsi %squeeze3A_1225, %jit3A_1226 : i32
    %ne3A_1244 = arith.constant 0 : i32
    %ne3A_1245 = arith.cmpi ne, %rem3A_1243, %ne3A_1244 : i32
    %and3A_1246 = arith.andi %ne3A_1242, %ne3A_1245 : i1
    %sub3A_1247 = arith.constant 1 : i32
    %sub3A_1248 = arith.subi %div3A_1227, %sub3A_1247 : i32
    %select_n3A_1249 = arith.select %and3A_1246, %sub3A_1248, %div3A_1227 : i32
    %mul3A_1250 = arith.constant 81 : i32
    %mul3A_1251 = arith.muli %select_n3A_1249, %mul3A_1250 : i32
    %sub3A_1252 = arith.subi %squeeze3A_1225, %mul3A_1251 : i32
    %add3A_1253 = arith.constant 30 : i32
    %add3A_1254 = arith.addi %mul3A_2, %add3A_1253 : i32
    %dma_start3A_1255 = arith.constant 0 : i32
    %dma_start3A_1256 = arith.constant 0 : i32
    %dma_start3A_1257 = tpu.memref_slice %arg4[%add3A_1254, %dma_start3A_1255, %dma_start3A_1256] : memref<1024x28x28xf32, #tpu.memory_space<hbm>> -> memref<1x28x28xf32, #tpu.memory_space<hbm>>
    %dma_start3A_1258 = tpu.memref_squeeze %dma_start3A_1257 : memref<1x28x28xf32, #tpu.memory_space<hbm>> -> memref<28x28xf32, #tpu.memory_space<hbm>>
    %dma_start3A_1259 = arith.constant 0 : i32
    %dma_start3A_1260 = arith.constant 0 : i32
    %dma_start3A_1261 = tpu.memref_slice %arg2[%select_n3A_1249, %sub3A_1252, %dma_start3A_1259, %dma_start3A_1260] : memref<1000x81x28x28xf32, #tpu.memory_space<hbm>> -> memref<1x1x28x28xf32, #tpu.memory_space<hbm>>
    %dma_start3A_1262 = tpu.memref_squeeze %dma_start3A_1261 : memref<1x1x28x28xf32, #tpu.memory_space<hbm>> -> memref<28x28xf32, #tpu.memory_space<hbm>>
    tpu.enqueue_dma source(%dma_start3A_1262 : memref<28x28xf32, #tpu.memory_space<hbm>>) target(%dma_start3A_1258 : memref<28x28xf32, #tpu.memory_space<hbm>>) target_semaphore(%arg6 : memref<!tpu.dma_semaphore, #tpu.memory_space<semaphore_mem>>)
    %get3A_1263 = arith.constant 31 : index
    %get3A_1264 = tpu.vector_load %arg5[%get3A_1263] {strides = array<i32>} : memref<32xi32, #tpu.memory_space<vmem>>, vector<1xi32>,
    %get3A_1265 = vector.shape_cast %get3A_1264 : vector<1xi32> to vector<1xi32>
    %squeeze3A_1266 = vector.extract %get3A_1265[0] : i32 from vector<1xi32>
    %jit3A_1267 = arith.constant 81 : i32
    %div3A_1268 = arith.divsi %squeeze3A_1266, %jit3A_1267 : i32
    %sign3A_1269 = arith.constant 0 : i32
    %sign3A_1270 = arith.cmpi sgt, %squeeze3A_1266, %sign3A_1269 : i32
    %sign3A_1271 = arith.extui %sign3A_1270 : i1 to i32
    %sign3A_1272 = arith.constant 0 : i32
    %sign3A_1273 = arith.cmpi slt, %squeeze3A_1266, %sign3A_1272 : i32
    %sign3A_1274 = arith.extui %sign3A_1273 : i1 to i32
    %sign3A_1275 = arith.subi %sign3A_1271, %sign3A_1274 : i32
    %sign3A_1276 = arith.constant 0 : i32
    %sign3A_1277 = arith.cmpi sgt, %jit3A_1267, %sign3A_1276 : i32
    %sign3A_1278 = arith.extui %sign3A_1277 : i1 to i32
    %sign3A_1279 = arith.constant 0 : i32
    %sign3A_1280 = arith.cmpi slt, %jit3A_1267, %sign3A_1279 : i32
    %sign3A_1281 = arith.extui %sign3A_1280 : i1 to i32
    %sign3A_1282 = arith.subi %sign3A_1278, %sign3A_1281 : i32
    %ne3A_1283 = arith.cmpi ne, %sign3A_1275, %sign3A_1282 : i32
    %rem3A_1284 = arith.remsi %squeeze3A_1266, %jit3A_1267 : i32
    %ne3A_1285 = arith.constant 0 : i32
    %ne3A_1286 = arith.cmpi ne, %rem3A_1284, %ne3A_1285 : i32
    %and3A_1287 = arith.andi %ne3A_1283, %ne3A_1286 : i1
    %sub3A_1288 = arith.constant 1 : i32
    %sub3A_1289 = arith.subi %div3A_1268, %sub3A_1288 : i32
    %select_n3A_1290 = arith.select %and3A_1287, %sub3A_1289, %div3A_1268 : i32
    %mul3A_1291 = arith.constant 81 : i32
    %mul3A_1292 = arith.muli %select_n3A_1290, %mul3A_1291 : i32
    %sub3A_1293 = arith.subi %squeeze3A_1266, %mul3A_1292 : i32
    %add3A_1294 = arith.constant 31 : i32
    %add3A_1295 = arith.addi %mul3A_2, %add3A_1294 : i32
    %dma_start3A_1296 = arith.constant 0 : i32
    %dma_start3A_1297 = arith.constant 0 : i32
    %dma_start3A_1298 = tpu.memref_slice %arg4[%add3A_1295, %dma_start3A_1296, %dma_start3A_1297] : memref<1024x28x28xf32, #tpu.memory_space<hbm>> -> memref<1x28x28xf32, #tpu.memory_space<hbm>>
    %dma_start3A_1299 = tpu.memref_squeeze %dma_start3A_1298 : memref<1x28x28xf32, #tpu.memory_space<hbm>> -> memref<28x28xf32, #tpu.memory_space<hbm>>
    %dma_start3A_1300 = arith.constant 0 : i32
    %dma_start3A_1301 = arith.constant 0 : i32
    %dma_start3A_1302 = tpu.memref_slice %arg2[%select_n3A_1290, %sub3A_1293, %dma_start3A_1300, %dma_start3A_1301] : memref<1000x81x28x28xf32, #tpu.memory_space<hbm>> -> memref<1x1x28x28xf32, #tpu.memory_space<hbm>>
    %dma_start3A_1303 = tpu.memref_squeeze %dma_start3A_1302 : memref<1x1x28x28xf32, #tpu.memory_space<hbm>> -> memref<28x28xf32, #tpu.memory_space<hbm>>
    tpu.enqueue_dma source(%dma_start3A_1303 : memref<28x28xf32, #tpu.memory_space<hbm>>) target(%dma_start3A_1299 : memref<28x28xf32, #tpu.memory_space<hbm>>) target_semaphore(%arg6 : memref<!tpu.dma_semaphore, #tpu.memory_space<semaphore_mem>>)
    %dma_wait3A = arith.constant 0 : i32
    %dma_wait3A_1304 = arith.constant 0 : i32
    %dma_wait3A_1305 = tpu.memref_slice %arg4[%add3A_25, %dma_wait3A, %dma_wait3A_1304] : memref<1024x28x28xf32, #tpu.memory_space<hbm>> -> memref<1x28x28xf32, #tpu.memory_space<hbm>>
    %dma_wait3A_1306 = tpu.memref_squeeze %dma_wait3A_1305 : memref<1x28x28xf32, #tpu.memory_space<hbm>> -> memref<28x28xf32, #tpu.memory_space<hbm>>
    %dma_wait3A_1307 = arith.constant 0 : i32
    %dma_wait3A_1308 = arith.constant 0 : i32
    %dma_wait3A_1309 = tpu.memref_slice %arg2[%select_n3A, %sub3A_23, %dma_wait3A_1307, %dma_wait3A_1308] : memref<1000x81x28x28xf32, #tpu.memory_space<hbm>> -> memref<1x1x28x28xf32, #tpu.memory_space<hbm>>
    %dma_wait3A_1310 = tpu.memref_squeeze %dma_wait3A_1309 : memref<1x1x28x28xf32, #tpu.memory_space<hbm>> -> memref<28x28xf32, #tpu.memory_space<hbm>>
    tpu.wait_dma2 semaphore(%arg6 : memref<!tpu.dma_semaphore, #tpu.memory_space<semaphore_mem>>) src(%dma_wait3A_1310 : memref<28x28xf32, #tpu.memory_space<hbm>>) dst(%dma_wait3A_1306 : memref<28x28xf32, #tpu.memory_space<hbm>>)
    %dma_wait3A_1311 = arith.constant 0 : i32
    %dma_wait3A_1312 = arith.constant 0 : i32
    %dma_wait3A_1313 = tpu.memref_slice %arg4[%add3A_65, %dma_wait3A_1311, %dma_wait3A_1312] : memref<1024x28x28xf32, #tpu.memory_space<hbm>> -> memref<1x28x28xf32, #tpu.memory_space<hbm>>
    %dma_wait3A_1314 = tpu.memref_squeeze %dma_wait3A_1313 : memref<1x28x28xf32, #tpu.memory_space<hbm>> -> memref<28x28xf32, #tpu.memory_space<hbm>>
    %dma_wait3A_1315 = arith.constant 0 : i32
    %dma_wait3A_1316 = arith.constant 0 : i32
    %dma_wait3A_1317 = tpu.memref_slice %arg2[%select_n3A_60, %sub3A_63, %dma_wait3A_1315, %dma_wait3A_1316] : memref<1000x81x28x28xf32, #tpu.memory_space<hbm>> -> memref<1x1x28x28xf32, #tpu.memory_space<hbm>>
    %dma_wait3A_1318 = tpu.memref_squeeze %dma_wait3A_1317 : memref<1x1x28x28xf32, #tpu.memory_space<hbm>> -> memref<28x28xf32, #tpu.memory_space<hbm>>
    tpu.wait_dma2 semaphore(%arg6 : memref<!tpu.dma_semaphore, #tpu.memory_space<semaphore_mem>>) src(%dma_wait3A_1318 : memref<28x28xf32, #tpu.memory_space<hbm>>) dst(%dma_wait3A_1314 : memref<28x28xf32, #tpu.memory_space<hbm>>)
    %dma_wait3A_1319 = arith.constant 0 : i32
    %dma_wait3A_1320 = arith.constant 0 : i32
    %dma_wait3A_1321 = tpu.memref_slice %arg4[%add3A_106, %dma_wait3A_1319, %dma_wait3A_1320] : memref<1024x28x28xf32, #tpu.memory_space<hbm>> -> memref<1x28x28xf32, #tpu.memory_space<hbm>>
    %dma_wait3A_1322 = tpu.memref_squeeze %dma_wait3A_1321 : memref<1x28x28xf32, #tpu.memory_space<hbm>> -> memref<28x28xf32, #tpu.memory_space<hbm>>
    %dma_wait3A_1323 = arith.constant 0 : i32
    %dma_wait3A_1324 = arith.constant 0 : i32
    %dma_wait3A_1325 = tpu.memref_slice %arg2[%select_n3A_101, %sub3A_104, %dma_wait3A_1323, %dma_wait3A_1324] : memref<1000x81x28x28xf32, #tpu.memory_space<hbm>> -> memref<1x1x28x28xf32, #tpu.memory_space<hbm>>
    %dma_wait3A_1326 = tpu.memref_squeeze %dma_wait3A_1325 : memref<1x1x28x28xf32, #tpu.memory_space<hbm>> -> memref<28x28xf32, #tpu.memory_space<hbm>>
    tpu.wait_dma2 semaphore(%arg6 : memref<!tpu.dma_semaphore, #tpu.memory_space<semaphore_mem>>) src(%dma_wait3A_1326 : memref<28x28xf32, #tpu.memory_space<hbm>>) dst(%dma_wait3A_1322 : memref<28x28xf32, #tpu.memory_space<hbm>>)
    %dma_wait3A_1327 = arith.constant 0 : i32
    %dma_wait3A_1328 = arith.constant 0 : i32
    %dma_wait3A_1329 = tpu.memref_slice %arg4[%add3A_147, %dma_wait3A_1327, %dma_wait3A_1328] : memref<1024x28x28xf32, #tpu.memory_space<hbm>> -> memref<1x28x28xf32, #tpu.memory_space<hbm>>
    %dma_wait3A_1330 = tpu.memref_squeeze %dma_wait3A_1329 : memref<1x28x28xf32, #tpu.memory_space<hbm>> -> memref<28x28xf32, #tpu.memory_space<hbm>>
    %dma_wait3A_1331 = arith.constant 0 : i32
    %dma_wait3A_1332 = arith.constant 0 : i32
    %dma_wait3A_1333 = tpu.memref_slice %arg2[%select_n3A_142, %sub3A_145, %dma_wait3A_1331, %dma_wait3A_1332] : memref<1000x81x28x28xf32, #tpu.memory_space<hbm>> -> memref<1x1x28x28xf32, #tpu.memory_space<hbm>>
    %dma_wait3A_1334 = tpu.memref_squeeze %dma_wait3A_1333 : memref<1x1x28x28xf32, #tpu.memory_space<hbm>> -> memref<28x28xf32, #tpu.memory_space<hbm>>
    tpu.wait_dma2 semaphore(%arg6 : memref<!tpu.dma_semaphore, #tpu.memory_space<semaphore_mem>>) src(%dma_wait3A_1334 : memref<28x28xf32, #tpu.memory_space<hbm>>) dst(%dma_wait3A_1330 : memref<28x28xf32, #tpu.memory_space<hbm>>)
    %dma_wait3A_1335 = arith.constant 0 : i32
    %dma_wait3A_1336 = arith.constant 0 : i32
    %dma_wait3A_1337 = tpu.memref_slice %arg4[%add3A_188, %dma_wait3A_1335, %dma_wait3A_1336] : memref<1024x28x28xf32, #tpu.memory_space<hbm>> -> memref<1x28x28xf32, #tpu.memory_space<hbm>>
    %dma_wait3A_1338 = tpu.memref_squeeze %dma_wait3A_1337 : memref<1x28x28xf32, #tpu.memory_space<hbm>> -> memref<28x28xf32, #tpu.memory_space<hbm>>
    %dma_wait3A_1339 = arith.constant 0 : i32
    %dma_wait3A_1340 = arith.constant 0 : i32
    %dma_wait3A_1341 = tpu.memref_slice %arg2[%select_n3A_183, %sub3A_186, %dma_wait3A_1339, %dma_wait3A_1340] : memref<1000x81x28x28xf32, #tpu.memory_space<hbm>> -> memref<1x1x28x28xf32, #tpu.memory_space<hbm>>
    %dma_wait3A_1342 = tpu.memref_squeeze %dma_wait3A_1341 : memref<1x1x28x28xf32, #tpu.memory_space<hbm>> -> memref<28x28xf32, #tpu.memory_space<hbm>>
    tpu.wait_dma2 semaphore(%arg6 : memref<!tpu.dma_semaphore, #tpu.memory_space<semaphore_mem>>) src(%dma_wait3A_1342 : memref<28x28xf32, #tpu.memory_space<hbm>>) dst(%dma_wait3A_1338 : memref<28x28xf32, #tpu.memory_space<hbm>>)
    %dma_wait3A_1343 = arith.constant 0 : i32
    %dma_wait3A_1344 = arith.constant 0 : i32
    %dma_wait3A_1345 = tpu.memref_slice %arg4[%add3A_229, %dma_wait3A_1343, %dma_wait3A_1344] : memref<1024x28x28xf32, #tpu.memory_space<hbm>> -> memref<1x28x28xf32, #tpu.memory_space<hbm>>
    %dma_wait3A_1346 = tpu.memref_squeeze %dma_wait3A_1345 : memref<1x28x28xf32, #tpu.memory_space<hbm>> -> memref<28x28xf32, #tpu.memory_space<hbm>>
    %dma_wait3A_1347 = arith.constant 0 : i32
    %dma_wait3A_1348 = arith.constant 0 : i32
    %dma_wait3A_1349 = tpu.memref_slice %arg2[%select_n3A_224, %sub3A_227, %dma_wait3A_1347, %dma_wait3A_1348] : memref<1000x81x28x28xf32, #tpu.memory_space<hbm>> -> memref<1x1x28x28xf32, #tpu.memory_space<hbm>>
    %dma_wait3A_1350 = tpu.memref_squeeze %dma_wait3A_1349 : memref<1x1x28x28xf32, #tpu.memory_space<hbm>> -> memref<28x28xf32, #tpu.memory_space<hbm>>
    tpu.wait_dma2 semaphore(%arg6 : memref<!tpu.dma_semaphore, #tpu.memory_space<semaphore_mem>>) src(%dma_wait3A_1350 : memref<28x28xf32, #tpu.memory_space<hbm>>) dst(%dma_wait3A_1346 : memref<28x28xf32, #tpu.memory_space<hbm>>)
    %dma_wait3A_1351 = arith.constant 0 : i32
    %dma_wait3A_1352 = arith.constant 0 : i32
    %dma_wait3A_1353 = tpu.memref_slice %arg4[%add3A_270, %dma_wait3A_1351, %dma_wait3A_1352] : memref<1024x28x28xf32, #tpu.memory_space<hbm>> -> memref<1x28x28xf32, #tpu.memory_space<hbm>>
    %dma_wait3A_1354 = tpu.memref_squeeze %dma_wait3A_1353 : memref<1x28x28xf32, #tpu.memory_space<hbm>> -> memref<28x28xf32, #tpu.memory_space<hbm>>
    %dma_wait3A_1355 = arith.constant 0 : i32
    %dma_wait3A_1356 = arith.constant 0 : i32
    %dma_wait3A_1357 = tpu.memref_slice %arg2[%select_n3A_265, %sub3A_268, %dma_wait3A_1355, %dma_wait3A_1356] : memref<1000x81x28x28xf32, #tpu.memory_space<hbm>> -> memref<1x1x28x28xf32, #tpu.memory_space<hbm>>
    %dma_wait3A_1358 = tpu.memref_squeeze %dma_wait3A_1357 : memref<1x1x28x28xf32, #tpu.memory_space<hbm>> -> memref<28x28xf32, #tpu.memory_space<hbm>>
    tpu.wait_dma2 semaphore(%arg6 : memref<!tpu.dma_semaphore, #tpu.memory_space<semaphore_mem>>) src(%dma_wait3A_1358 : memref<28x28xf32, #tpu.memory_space<hbm>>) dst(%dma_wait3A_1354 : memref<28x28xf32, #tpu.memory_space<hbm>>)
    %dma_wait3A_1359 = arith.constant 0 : i32
    %dma_wait3A_1360 = arith.constant 0 : i32
    %dma_wait3A_1361 = tpu.memref_slice %arg4[%add3A_311, %dma_wait3A_1359, %dma_wait3A_1360] : memref<1024x28x28xf32, #tpu.memory_space<hbm>> -> memref<1x28x28xf32, #tpu.memory_space<hbm>>
    %dma_wait3A_1362 = tpu.memref_squeeze %dma_wait3A_1361 : memref<1x28x28xf32, #tpu.memory_space<hbm>> -> memref<28x28xf32, #tpu.memory_space<hbm>>
    %dma_wait3A_1363 = arith.constant 0 : i32
    %dma_wait3A_1364 = arith.constant 0 : i32
    %dma_wait3A_1365 = tpu.memref_slice %arg2[%select_n3A_306, %sub3A_309, %dma_wait3A_1363, %dma_wait3A_1364] : memref<1000x81x28x28xf32, #tpu.memory_space<hbm>> -> memref<1x1x28x28xf32, #tpu.memory_space<hbm>>
    %dma_wait3A_1366 = tpu.memref_squeeze %dma_wait3A_1365 : memref<1x1x28x28xf32, #tpu.memory_space<hbm>> -> memref<28x28xf32, #tpu.memory_space<hbm>>
    tpu.wait_dma2 semaphore(%arg6 : memref<!tpu.dma_semaphore, #tpu.memory_space<semaphore_mem>>) src(%dma_wait3A_1366 : memref<28x28xf32, #tpu.memory_space<hbm>>) dst(%dma_wait3A_1362 : memref<28x28xf32, #tpu.memory_space<hbm>>)
    %dma_wait3A_1367 = arith.constant 0 : i32
    %dma_wait3A_1368 = arith.constant 0 : i32
    %dma_wait3A_1369 = tpu.memref_slice %arg4[%add3A_352, %dma_wait3A_1367, %dma_wait3A_1368] : memref<1024x28x28xf32, #tpu.memory_space<hbm>> -> memref<1x28x28xf32, #tpu.memory_space<hbm>>
    %dma_wait3A_1370 = tpu.memref_squeeze %dma_wait3A_1369 : memref<1x28x28xf32, #tpu.memory_space<hbm>> -> memref<28x28xf32, #tpu.memory_space<hbm>>
    %dma_wait3A_1371 = arith.constant 0 : i32
    %dma_wait3A_1372 = arith.constant 0 : i32
    %dma_wait3A_1373 = tpu.memref_slice %arg2[%select_n3A_347, %sub3A_350, %dma_wait3A_1371, %dma_wait3A_1372] : memref<1000x81x28x28xf32, #tpu.memory_space<hbm>> -> memref<1x1x28x28xf32, #tpu.memory_space<hbm>>
    %dma_wait3A_1374 = tpu.memref_squeeze %dma_wait3A_1373 : memref<1x1x28x28xf32, #tpu.memory_space<hbm>> -> memref<28x28xf32, #tpu.memory_space<hbm>>
    tpu.wait_dma2 semaphore(%arg6 : memref<!tpu.dma_semaphore, #tpu.memory_space<semaphore_mem>>) src(%dma_wait3A_1374 : memref<28x28xf32, #tpu.memory_space<hbm>>) dst(%dma_wait3A_1370 : memref<28x28xf32, #tpu.memory_space<hbm>>)
    %dma_wait3A_1375 = arith.constant 0 : i32
    %dma_wait3A_1376 = arith.constant 0 : i32
    %dma_wait3A_1377 = tpu.memref_slice %arg4[%add3A_393, %dma_wait3A_1375, %dma_wait3A_1376] : memref<1024x28x28xf32, #tpu.memory_space<hbm>> -> memref<1x28x28xf32, #tpu.memory_space<hbm>>
    %dma_wait3A_1378 = tpu.memref_squeeze %dma_wait3A_1377 : memref<1x28x28xf32, #tpu.memory_space<hbm>> -> memref<28x28xf32, #tpu.memory_space<hbm>>
    %dma_wait3A_1379 = arith.constant 0 : i32
    %dma_wait3A_1380 = arith.constant 0 : i32
    %dma_wait3A_1381 = tpu.memref_slice %arg2[%select_n3A_388, %sub3A_391, %dma_wait3A_1379, %dma_wait3A_1380] : memref<1000x81x28x28xf32, #tpu.memory_space<hbm>> -> memref<1x1x28x28xf32, #tpu.memory_space<hbm>>
    %dma_wait3A_1382 = tpu.memref_squeeze %dma_wait3A_1381 : memref<1x1x28x28xf32, #tpu.memory_space<hbm>> -> memref<28x28xf32, #tpu.memory_space<hbm>>
    tpu.wait_dma2 semaphore(%arg6 : memref<!tpu.dma_semaphore, #tpu.memory_space<semaphore_mem>>) src(%dma_wait3A_1382 : memref<28x28xf32, #tpu.memory_space<hbm>>) dst(%dma_wait3A_1378 : memref<28x28xf32, #tpu.memory_space<hbm>>)
    %dma_wait3A_1383 = arith.constant 0 : i32
    %dma_wait3A_1384 = arith.constant 0 : i32
    %dma_wait3A_1385 = tpu.memref_slice %arg4[%add3A_434, %dma_wait3A_1383, %dma_wait3A_1384] : memref<1024x28x28xf32, #tpu.memory_space<hbm>> -> memref<1x28x28xf32, #tpu.memory_space<hbm>>
    %dma_wait3A_1386 = tpu.memref_squeeze %dma_wait3A_1385 : memref<1x28x28xf32, #tpu.memory_space<hbm>> -> memref<28x28xf32, #tpu.memory_space<hbm>>
    %dma_wait3A_1387 = arith.constant 0 : i32
    %dma_wait3A_1388 = arith.constant 0 : i32
    %dma_wait3A_1389 = tpu.memref_slice %arg2[%select_n3A_429, %sub3A_432, %dma_wait3A_1387, %dma_wait3A_1388] : memref<1000x81x28x28xf32, #tpu.memory_space<hbm>> -> memref<1x1x28x28xf32, #tpu.memory_space<hbm>>
    %dma_wait3A_1390 = tpu.memref_squeeze %dma_wait3A_1389 : memref<1x1x28x28xf32, #tpu.memory_space<hbm>> -> memref<28x28xf32, #tpu.memory_space<hbm>>
    tpu.wait_dma2 semaphore(%arg6 : memref<!tpu.dma_semaphore, #tpu.memory_space<semaphore_mem>>) src(%dma_wait3A_1390 : memref<28x28xf32, #tpu.memory_space<hbm>>) dst(%dma_wait3A_1386 : memref<28x28xf32, #tpu.memory_space<hbm>>)
    %dma_wait3A_1391 = arith.constant 0 : i32
    %dma_wait3A_1392 = arith.constant 0 : i32
    %dma_wait3A_1393 = tpu.memref_slice %arg4[%add3A_475, %dma_wait3A_1391, %dma_wait3A_1392] : memref<1024x28x28xf32, #tpu.memory_space<hbm>> -> memref<1x28x28xf32, #tpu.memory_space<hbm>>
    %dma_wait3A_1394 = tpu.memref_squeeze %dma_wait3A_1393 : memref<1x28x28xf32, #tpu.memory_space<hbm>> -> memref<28x28xf32, #tpu.memory_space<hbm>>
    %dma_wait3A_1395 = arith.constant 0 : i32
    %dma_wait3A_1396 = arith.constant 0 : i32
    %dma_wait3A_1397 = tpu.memref_slice %arg2[%select_n3A_470, %sub3A_473, %dma_wait3A_1395, %dma_wait3A_1396] : memref<1000x81x28x28xf32, #tpu.memory_space<hbm>> -> memref<1x1x28x28xf32, #tpu.memory_space<hbm>>
    %dma_wait3A_1398 = tpu.memref_squeeze %dma_wait3A_1397 : memref<1x1x28x28xf32, #tpu.memory_space<hbm>> -> memref<28x28xf32, #tpu.memory_space<hbm>>
    tpu.wait_dma2 semaphore(%arg6 : memref<!tpu.dma_semaphore, #tpu.memory_space<semaphore_mem>>) src(%dma_wait3A_1398 : memref<28x28xf32, #tpu.memory_space<hbm>>) dst(%dma_wait3A_1394 : memref<28x28xf32, #tpu.memory_space<hbm>>)
    %dma_wait3A_1399 = arith.constant 0 : i32
    %dma_wait3A_1400 = arith.constant 0 : i32
    %dma_wait3A_1401 = tpu.memref_slice %arg4[%add3A_516, %dma_wait3A_1399, %dma_wait3A_1400] : memref<1024x28x28xf32, #tpu.memory_space<hbm>> -> memref<1x28x28xf32, #tpu.memory_space<hbm>>
    %dma_wait3A_1402 = tpu.memref_squeeze %dma_wait3A_1401 : memref<1x28x28xf32, #tpu.memory_space<hbm>> -> memref<28x28xf32, #tpu.memory_space<hbm>>
    %dma_wait3A_1403 = arith.constant 0 : i32
    %dma_wait3A_1404 = arith.constant 0 : i32
    %dma_wait3A_1405 = tpu.memref_slice %arg2[%select_n3A_511, %sub3A_514, %dma_wait3A_1403, %dma_wait3A_1404] : memref<1000x81x28x28xf32, #tpu.memory_space<hbm>> -> memref<1x1x28x28xf32, #tpu.memory_space<hbm>>
    %dma_wait3A_1406 = tpu.memref_squeeze %dma_wait3A_1405 : memref<1x1x28x28xf32, #tpu.memory_space<hbm>> -> memref<28x28xf32, #tpu.memory_space<hbm>>
    tpu.wait_dma2 semaphore(%arg6 : memref<!tpu.dma_semaphore, #tpu.memory_space<semaphore_mem>>) src(%dma_wait3A_1406 : memref<28x28xf32, #tpu.memory_space<hbm>>) dst(%dma_wait3A_1402 : memref<28x28xf32, #tpu.memory_space<hbm>>)
    %dma_wait3A_1407 = arith.constant 0 : i32
    %dma_wait3A_1408 = arith.constant 0 : i32
    %dma_wait3A_1409 = tpu.memref_slice %arg4[%add3A_557, %dma_wait3A_1407, %dma_wait3A_1408] : memref<1024x28x28xf32, #tpu.memory_space<hbm>> -> memref<1x28x28xf32, #tpu.memory_space<hbm>>
    %dma_wait3A_1410 = tpu.memref_squeeze %dma_wait3A_1409 : memref<1x28x28xf32, #tpu.memory_space<hbm>> -> memref<28x28xf32, #tpu.memory_space<hbm>>
    %dma_wait3A_1411 = arith.constant 0 : i32
    %dma_wait3A_1412 = arith.constant 0 : i32
    %dma_wait3A_1413 = tpu.memref_slice %arg2[%select_n3A_552, %sub3A_555, %dma_wait3A_1411, %dma_wait3A_1412] : memref<1000x81x28x28xf32, #tpu.memory_space<hbm>> -> memref<1x1x28x28xf32, #tpu.memory_space<hbm>>
    %dma_wait3A_1414 = tpu.memref_squeeze %dma_wait3A_1413 : memref<1x1x28x28xf32, #tpu.memory_space<hbm>> -> memref<28x28xf32, #tpu.memory_space<hbm>>
    tpu.wait_dma2 semaphore(%arg6 : memref<!tpu.dma_semaphore, #tpu.memory_space<semaphore_mem>>) src(%dma_wait3A_1414 : memref<28x28xf32, #tpu.memory_space<hbm>>) dst(%dma_wait3A_1410 : memref<28x28xf32, #tpu.memory_space<hbm>>)
    %dma_wait3A_1415 = arith.constant 0 : i32
    %dma_wait3A_1416 = arith.constant 0 : i32
    %dma_wait3A_1417 = tpu.memref_slice %arg4[%add3A_598, %dma_wait3A_1415, %dma_wait3A_1416] : memref<1024x28x28xf32, #tpu.memory_space<hbm>> -> memref<1x28x28xf32, #tpu.memory_space<hbm>>
    %dma_wait3A_1418 = tpu.memref_squeeze %dma_wait3A_1417 : memref<1x28x28xf32, #tpu.memory_space<hbm>> -> memref<28x28xf32, #tpu.memory_space<hbm>>
    %dma_wait3A_1419 = arith.constant 0 : i32
    %dma_wait3A_1420 = arith.constant 0 : i32
    %dma_wait3A_1421 = tpu.memref_slice %arg2[%select_n3A_593, %sub3A_596, %dma_wait3A_1419, %dma_wait3A_1420] : memref<1000x81x28x28xf32, #tpu.memory_space<hbm>> -> memref<1x1x28x28xf32, #tpu.memory_space<hbm>>
    %dma_wait3A_1422 = tpu.memref_squeeze %dma_wait3A_1421 : memref<1x1x28x28xf32, #tpu.memory_space<hbm>> -> memref<28x28xf32, #tpu.memory_space<hbm>>
    tpu.wait_dma2 semaphore(%arg6 : memref<!tpu.dma_semaphore, #tpu.memory_space<semaphore_mem>>) src(%dma_wait3A_1422 : memref<28x28xf32, #tpu.memory_space<hbm>>) dst(%dma_wait3A_1418 : memref<28x28xf32, #tpu.memory_space<hbm>>)
    %dma_wait3A_1423 = arith.constant 0 : i32
    %dma_wait3A_1424 = arith.constant 0 : i32
    %dma_wait3A_1425 = tpu.memref_slice %arg4[%add3A_639, %dma_wait3A_1423, %dma_wait3A_1424] : memref<1024x28x28xf32, #tpu.memory_space<hbm>> -> memref<1x28x28xf32, #tpu.memory_space<hbm>>
    %dma_wait3A_1426 = tpu.memref_squeeze %dma_wait3A_1425 : memref<1x28x28xf32, #tpu.memory_space<hbm>> -> memref<28x28xf32, #tpu.memory_space<hbm>>
    %dma_wait3A_1427 = arith.constant 0 : i32
    %dma_wait3A_1428 = arith.constant 0 : i32
    %dma_wait3A_1429 = tpu.memref_slice %arg2[%select_n3A_634, %sub3A_637, %dma_wait3A_1427, %dma_wait3A_1428] : memref<1000x81x28x28xf32, #tpu.memory_space<hbm>> -> memref<1x1x28x28xf32, #tpu.memory_space<hbm>>
    %dma_wait3A_1430 = tpu.memref_squeeze %dma_wait3A_1429 : memref<1x1x28x28xf32, #tpu.memory_space<hbm>> -> memref<28x28xf32, #tpu.memory_space<hbm>>
    tpu.wait_dma2 semaphore(%arg6 : memref<!tpu.dma_semaphore, #tpu.memory_space<semaphore_mem>>) src(%dma_wait3A_1430 : memref<28x28xf32, #tpu.memory_space<hbm>>) dst(%dma_wait3A_1426 : memref<28x28xf32, #tpu.memory_space<hbm>>)
    %dma_wait3A_1431 = arith.constant 0 : i32
    %dma_wait3A_1432 = arith.constant 0 : i32
    %dma_wait3A_1433 = tpu.memref_slice %arg4[%add3A_680, %dma_wait3A_1431, %dma_wait3A_1432] : memref<1024x28x28xf32, #tpu.memory_space<hbm>> -> memref<1x28x28xf32, #tpu.memory_space<hbm>>
    %dma_wait3A_1434 = tpu.memref_squeeze %dma_wait3A_1433 : memref<1x28x28xf32, #tpu.memory_space<hbm>> -> memref<28x28xf32, #tpu.memory_space<hbm>>
    %dma_wait3A_1435 = arith.constant 0 : i32
    %dma_wait3A_1436 = arith.constant 0 : i32
    %dma_wait3A_1437 = tpu.memref_slice %arg2[%select_n3A_675, %sub3A_678, %dma_wait3A_1435, %dma_wait3A_1436] : memref<1000x81x28x28xf32, #tpu.memory_space<hbm>> -> memref<1x1x28x28xf32, #tpu.memory_space<hbm>>
    %dma_wait3A_1438 = tpu.memref_squeeze %dma_wait3A_1437 : memref<1x1x28x28xf32, #tpu.memory_space<hbm>> -> memref<28x28xf32, #tpu.memory_space<hbm>>
    tpu.wait_dma2 semaphore(%arg6 : memref<!tpu.dma_semaphore, #tpu.memory_space<semaphore_mem>>) src(%dma_wait3A_1438 : memref<28x28xf32, #tpu.memory_space<hbm>>) dst(%dma_wait3A_1434 : memref<28x28xf32, #tpu.memory_space<hbm>>)
    %dma_wait3A_1439 = arith.constant 0 : i32
    %dma_wait3A_1440 = arith.constant 0 : i32
    %dma_wait3A_1441 = tpu.memref_slice %arg4[%add3A_721, %dma_wait3A_1439, %dma_wait3A_1440] : memref<1024x28x28xf32, #tpu.memory_space<hbm>> -> memref<1x28x28xf32, #tpu.memory_space<hbm>>
    %dma_wait3A_1442 = tpu.memref_squeeze %dma_wait3A_1441 : memref<1x28x28xf32, #tpu.memory_space<hbm>> -> memref<28x28xf32, #tpu.memory_space<hbm>>
    %dma_wait3A_1443 = arith.constant 0 : i32
    %dma_wait3A_1444 = arith.constant 0 : i32
    %dma_wait3A_1445 = tpu.memref_slice %arg2[%select_n3A_716, %sub3A_719, %dma_wait3A_1443, %dma_wait3A_1444] : memref<1000x81x28x28xf32, #tpu.memory_space<hbm>> -> memref<1x1x28x28xf32, #tpu.memory_space<hbm>>
    %dma_wait3A_1446 = tpu.memref_squeeze %dma_wait3A_1445 : memref<1x1x28x28xf32, #tpu.memory_space<hbm>> -> memref<28x28xf32, #tpu.memory_space<hbm>>
    tpu.wait_dma2 semaphore(%arg6 : memref<!tpu.dma_semaphore, #tpu.memory_space<semaphore_mem>>) src(%dma_wait3A_1446 : memref<28x28xf32, #tpu.memory_space<hbm>>) dst(%dma_wait3A_1442 : memref<28x28xf32, #tpu.memory_space<hbm>>)
    %dma_wait3A_1447 = arith.constant 0 : i32
    %dma_wait3A_1448 = arith.constant 0 : i32
    %dma_wait3A_1449 = tpu.memref_slice %arg4[%add3A_762, %dma_wait3A_1447, %dma_wait3A_1448] : memref<1024x28x28xf32, #tpu.memory_space<hbm>> -> memref<1x28x28xf32, #tpu.memory_space<hbm>>
    %dma_wait3A_1450 = tpu.memref_squeeze %dma_wait3A_1449 : memref<1x28x28xf32, #tpu.memory_space<hbm>> -> memref<28x28xf32, #tpu.memory_space<hbm>>
    %dma_wait3A_1451 = arith.constant 0 : i32
    %dma_wait3A_1452 = arith.constant 0 : i32
    %dma_wait3A_1453 = tpu.memref_slice %arg2[%select_n3A_757, %sub3A_760, %dma_wait3A_1451, %dma_wait3A_1452] : memref<1000x81x28x28xf32, #tpu.memory_space<hbm>> -> memref<1x1x28x28xf32, #tpu.memory_space<hbm>>
    %dma_wait3A_1454 = tpu.memref_squeeze %dma_wait3A_1453 : memref<1x1x28x28xf32, #tpu.memory_space<hbm>> -> memref<28x28xf32, #tpu.memory_space<hbm>>
    tpu.wait_dma2 semaphore(%arg6 : memref<!tpu.dma_semaphore, #tpu.memory_space<semaphore_mem>>) src(%dma_wait3A_1454 : memref<28x28xf32, #tpu.memory_space<hbm>>) dst(%dma_wait3A_1450 : memref<28x28xf32, #tpu.memory_space<hbm>>)
    %dma_wait3A_1455 = arith.constant 0 : i32
    %dma_wait3A_1456 = arith.constant 0 : i32
    %dma_wait3A_1457 = tpu.memref_slice %arg4[%add3A_803, %dma_wait3A_1455, %dma_wait3A_1456] : memref<1024x28x28xf32, #tpu.memory_space<hbm>> -> memref<1x28x28xf32, #tpu.memory_space<hbm>>
    %dma_wait3A_1458 = tpu.memref_squeeze %dma_wait3A_1457 : memref<1x28x28xf32, #tpu.memory_space<hbm>> -> memref<28x28xf32, #tpu.memory_space<hbm>>
    %dma_wait3A_1459 = arith.constant 0 : i32
    %dma_wait3A_1460 = arith.constant 0 : i32
    %dma_wait3A_1461 = tpu.memref_slice %arg2[%select_n3A_798, %sub3A_801, %dma_wait3A_1459, %dma_wait3A_1460] : memref<1000x81x28x28xf32, #tpu.memory_space<hbm>> -> memref<1x1x28x28xf32, #tpu.memory_space<hbm>>
    %dma_wait3A_1462 = tpu.memref_squeeze %dma_wait3A_1461 : memref<1x1x28x28xf32, #tpu.memory_space<hbm>> -> memref<28x28xf32, #tpu.memory_space<hbm>>
    tpu.wait_dma2 semaphore(%arg6 : memref<!tpu.dma_semaphore, #tpu.memory_space<semaphore_mem>>) src(%dma_wait3A_1462 : memref<28x28xf32, #tpu.memory_space<hbm>>) dst(%dma_wait3A_1458 : memref<28x28xf32, #tpu.memory_space<hbm>>)
    %dma_wait3A_1463 = arith.constant 0 : i32
    %dma_wait3A_1464 = arith.constant 0 : i32
    %dma_wait3A_1465 = tpu.memref_slice %arg4[%add3A_844, %dma_wait3A_1463, %dma_wait3A_1464] : memref<1024x28x28xf32, #tpu.memory_space<hbm>> -> memref<1x28x28xf32, #tpu.memory_space<hbm>>
    %dma_wait3A_1466 = tpu.memref_squeeze %dma_wait3A_1465 : memref<1x28x28xf32, #tpu.memory_space<hbm>> -> memref<28x28xf32, #tpu.memory_space<hbm>>
    %dma_wait3A_1467 = arith.constant 0 : i32
    %dma_wait3A_1468 = arith.constant 0 : i32
    %dma_wait3A_1469 = tpu.memref_slice %arg2[%select_n3A_839, %sub3A_842, %dma_wait3A_1467, %dma_wait3A_1468] : memref<1000x81x28x28xf32, #tpu.memory_space<hbm>> -> memref<1x1x28x28xf32, #tpu.memory_space<hbm>>
    %dma_wait3A_1470 = tpu.memref_squeeze %dma_wait3A_1469 : memref<1x1x28x28xf32, #tpu.memory_space<hbm>> -> memref<28x28xf32, #tpu.memory_space<hbm>>
    tpu.wait_dma2 semaphore(%arg6 : memref<!tpu.dma_semaphore, #tpu.memory_space<semaphore_mem>>) src(%dma_wait3A_1470 : memref<28x28xf32, #tpu.memory_space<hbm>>) dst(%dma_wait3A_1466 : memref<28x28xf32, #tpu.memory_space<hbm>>)
    %dma_wait3A_1471 = arith.constant 0 : i32
    %dma_wait3A_1472 = arith.constant 0 : i32
    %dma_wait3A_1473 = tpu.memref_slice %arg4[%add3A_885, %dma_wait3A_1471, %dma_wait3A_1472] : memref<1024x28x28xf32, #tpu.memory_space<hbm>> -> memref<1x28x28xf32, #tpu.memory_space<hbm>>
    %dma_wait3A_1474 = tpu.memref_squeeze %dma_wait3A_1473 : memref<1x28x28xf32, #tpu.memory_space<hbm>> -> memref<28x28xf32, #tpu.memory_space<hbm>>
    %dma_wait3A_1475 = arith.constant 0 : i32
    %dma_wait3A_1476 = arith.constant 0 : i32
    %dma_wait3A_1477 = tpu.memref_slice %arg2[%select_n3A_880, %sub3A_883, %dma_wait3A_1475, %dma_wait3A_1476] : memref<1000x81x28x28xf32, #tpu.memory_space<hbm>> -> memref<1x1x28x28xf32, #tpu.memory_space<hbm>>
    %dma_wait3A_1478 = tpu.memref_squeeze %dma_wait3A_1477 : memref<1x1x28x28xf32, #tpu.memory_space<hbm>> -> memref<28x28xf32, #tpu.memory_space<hbm>>
    tpu.wait_dma2 semaphore(%arg6 : memref<!tpu.dma_semaphore, #tpu.memory_space<semaphore_mem>>) src(%dma_wait3A_1478 : memref<28x28xf32, #tpu.memory_space<hbm>>) dst(%dma_wait3A_1474 : memref<28x28xf32, #tpu.memory_space<hbm>>)
    %dma_wait3A_1479 = arith.constant 0 : i32
    %dma_wait3A_1480 = arith.constant 0 : i32
    %dma_wait3A_1481 = tpu.memref_slice %arg4[%add3A_926, %dma_wait3A_1479, %dma_wait3A_1480] : memref<1024x28x28xf32, #tpu.memory_space<hbm>> -> memref<1x28x28xf32, #tpu.memory_space<hbm>>
    %dma_wait3A_1482 = tpu.memref_squeeze %dma_wait3A_1481 : memref<1x28x28xf32, #tpu.memory_space<hbm>> -> memref<28x28xf32, #tpu.memory_space<hbm>>
    %dma_wait3A_1483 = arith.constant 0 : i32
    %dma_wait3A_1484 = arith.constant 0 : i32
    %dma_wait3A_1485 = tpu.memref_slice %arg2[%select_n3A_921, %sub3A_924, %dma_wait3A_1483, %dma_wait3A_1484] : memref<1000x81x28x28xf32, #tpu.memory_space<hbm>> -> memref<1x1x28x28xf32, #tpu.memory_space<hbm>>
    %dma_wait3A_1486 = tpu.memref_squeeze %dma_wait3A_1485 : memref<1x1x28x28xf32, #tpu.memory_space<hbm>> -> memref<28x28xf32, #tpu.memory_space<hbm>>
    tpu.wait_dma2 semaphore(%arg6 : memref<!tpu.dma_semaphore, #tpu.memory_space<semaphore_mem>>) src(%dma_wait3A_1486 : memref<28x28xf32, #tpu.memory_space<hbm>>) dst(%dma_wait3A_1482 : memref<28x28xf32, #tpu.memory_space<hbm>>)
    %dma_wait3A_1487 = arith.constant 0 : i32
    %dma_wait3A_1488 = arith.constant 0 : i32
    %dma_wait3A_1489 = tpu.memref_slice %arg4[%add3A_967, %dma_wait3A_1487, %dma_wait3A_1488] : memref<1024x28x28xf32, #tpu.memory_space<hbm>> -> memref<1x28x28xf32, #tpu.memory_space<hbm>>
    %dma_wait3A_1490 = tpu.memref_squeeze %dma_wait3A_1489 : memref<1x28x28xf32, #tpu.memory_space<hbm>> -> memref<28x28xf32, #tpu.memory_space<hbm>>
    %dma_wait3A_1491 = arith.constant 0 : i32
    %dma_wait3A_1492 = arith.constant 0 : i32
    %dma_wait3A_1493 = tpu.memref_slice %arg2[%select_n3A_962, %sub3A_965, %dma_wait3A_1491, %dma_wait3A_1492] : memref<1000x81x28x28xf32, #tpu.memory_space<hbm>> -> memref<1x1x28x28xf32, #tpu.memory_space<hbm>>
    %dma_wait3A_1494 = tpu.memref_squeeze %dma_wait3A_1493 : memref<1x1x28x28xf32, #tpu.memory_space<hbm>> -> memref<28x28xf32, #tpu.memory_space<hbm>>
    tpu.wait_dma2 semaphore(%arg6 : memref<!tpu.dma_semaphore, #tpu.memory_space<semaphore_mem>>) src(%dma_wait3A_1494 : memref<28x28xf32, #tpu.memory_space<hbm>>) dst(%dma_wait3A_1490 : memref<28x28xf32, #tpu.memory_space<hbm>>)
    %dma_wait3A_1495 = arith.constant 0 : i32
    %dma_wait3A_1496 = arith.constant 0 : i32
    %dma_wait3A_1497 = tpu.memref_slice %arg4[%add3A_1008, %dma_wait3A_1495, %dma_wait3A_1496] : memref<1024x28x28xf32, #tpu.memory_space<hbm>> -> memref<1x28x28xf32, #tpu.memory_space<hbm>>
    %dma_wait3A_1498 = tpu.memref_squeeze %dma_wait3A_1497 : memref<1x28x28xf32, #tpu.memory_space<hbm>> -> memref<28x28xf32, #tpu.memory_space<hbm>>
    %dma_wait3A_1499 = arith.constant 0 : i32
    %dma_wait3A_1500 = arith.constant 0 : i32
    %dma_wait3A_1501 = tpu.memref_slice %arg2[%select_n3A_1003, %sub3A_1006, %dma_wait3A_1499, %dma_wait3A_1500] : memref<1000x81x28x28xf32, #tpu.memory_space<hbm>> -> memref<1x1x28x28xf32, #tpu.memory_space<hbm>>
    %dma_wait3A_1502 = tpu.memref_squeeze %dma_wait3A_1501 : memref<1x1x28x28xf32, #tpu.memory_space<hbm>> -> memref<28x28xf32, #tpu.memory_space<hbm>>
    tpu.wait_dma2 semaphore(%arg6 : memref<!tpu.dma_semaphore, #tpu.memory_space<semaphore_mem>>) src(%dma_wait3A_1502 : memref<28x28xf32, #tpu.memory_space<hbm>>) dst(%dma_wait3A_1498 : memref<28x28xf32, #tpu.memory_space<hbm>>)
    %dma_wait3A_1503 = arith.constant 0 : i32
    %dma_wait3A_1504 = arith.constant 0 : i32
    %dma_wait3A_1505 = tpu.memref_slice %arg4[%add3A_1049, %dma_wait3A_1503, %dma_wait3A_1504] : memref<1024x28x28xf32, #tpu.memory_space<hbm>> -> memref<1x28x28xf32, #tpu.memory_space<hbm>>
    %dma_wait3A_1506 = tpu.memref_squeeze %dma_wait3A_1505 : memref<1x28x28xf32, #tpu.memory_space<hbm>> -> memref<28x28xf32, #tpu.memory_space<hbm>>
    %dma_wait3A_1507 = arith.constant 0 : i32
    %dma_wait3A_1508 = arith.constant 0 : i32
    %dma_wait3A_1509 = tpu.memref_slice %arg2[%select_n3A_1044, %sub3A_1047, %dma_wait3A_1507, %dma_wait3A_1508] : memref<1000x81x28x28xf32, #tpu.memory_space<hbm>> -> memref<1x1x28x28xf32, #tpu.memory_space<hbm>>
    %dma_wait3A_1510 = tpu.memref_squeeze %dma_wait3A_1509 : memref<1x1x28x28xf32, #tpu.memory_space<hbm>> -> memref<28x28xf32, #tpu.memory_space<hbm>>
    tpu.wait_dma2 semaphore(%arg6 : memref<!tpu.dma_semaphore, #tpu.memory_space<semaphore_mem>>) src(%dma_wait3A_1510 : memref<28x28xf32, #tpu.memory_space<hbm>>) dst(%dma_wait3A_1506 : memref<28x28xf32, #tpu.memory_space<hbm>>)
    %dma_wait3A_1511 = arith.constant 0 : i32
    %dma_wait3A_1512 = arith.constant 0 : i32
    %dma_wait3A_1513 = tpu.memref_slice %arg4[%add3A_1090, %dma_wait3A_1511, %dma_wait3A_1512] : memref<1024x28x28xf32, #tpu.memory_space<hbm>> -> memref<1x28x28xf32, #tpu.memory_space<hbm>>
    %dma_wait3A_1514 = tpu.memref_squeeze %dma_wait3A_1513 : memref<1x28x28xf32, #tpu.memory_space<hbm>> -> memref<28x28xf32, #tpu.memory_space<hbm>>
    %dma_wait3A_1515 = arith.constant 0 : i32
    %dma_wait3A_1516 = arith.constant 0 : i32
    %dma_wait3A_1517 = tpu.memref_slice %arg2[%select_n3A_1085, %sub3A_1088, %dma_wait3A_1515, %dma_wait3A_1516] : memref<1000x81x28x28xf32, #tpu.memory_space<hbm>> -> memref<1x1x28x28xf32, #tpu.memory_space<hbm>>
    %dma_wait3A_1518 = tpu.memref_squeeze %dma_wait3A_1517 : memref<1x1x28x28xf32, #tpu.memory_space<hbm>> -> memref<28x28xf32, #tpu.memory_space<hbm>>
    tpu.wait_dma2 semaphore(%arg6 : memref<!tpu.dma_semaphore, #tpu.memory_space<semaphore_mem>>) src(%dma_wait3A_1518 : memref<28x28xf32, #tpu.memory_space<hbm>>) dst(%dma_wait3A_1514 : memref<28x28xf32, #tpu.memory_space<hbm>>)
    %dma_wait3A_1519 = arith.constant 0 : i32
    %dma_wait3A_1520 = arith.constant 0 : i32
    %dma_wait3A_1521 = tpu.memref_slice %arg4[%add3A_1131, %dma_wait3A_1519, %dma_wait3A_1520] : memref<1024x28x28xf32, #tpu.memory_space<hbm>> -> memref<1x28x28xf32, #tpu.memory_space<hbm>>
    %dma_wait3A_1522 = tpu.memref_squeeze %dma_wait3A_1521 : memref<1x28x28xf32, #tpu.memory_space<hbm>> -> memref<28x28xf32, #tpu.memory_space<hbm>>
    %dma_wait3A_1523 = arith.constant 0 : i32
    %dma_wait3A_1524 = arith.constant 0 : i32
    %dma_wait3A_1525 = tpu.memref_slice %arg2[%select_n3A_1126, %sub3A_1129, %dma_wait3A_1523, %dma_wait3A_1524] : memref<1000x81x28x28xf32, #tpu.memory_space<hbm>> -> memref<1x1x28x28xf32, #tpu.memory_space<hbm>>
    %dma_wait3A_1526 = tpu.memref_squeeze %dma_wait3A_1525 : memref<1x1x28x28xf32, #tpu.memory_space<hbm>> -> memref<28x28xf32, #tpu.memory_space<hbm>>
    tpu.wait_dma2 semaphore(%arg6 : memref<!tpu.dma_semaphore, #tpu.memory_space<semaphore_mem>>) src(%dma_wait3A_1526 : memref<28x28xf32, #tpu.memory_space<hbm>>) dst(%dma_wait3A_1522 : memref<28x28xf32, #tpu.memory_space<hbm>>)
    %dma_wait3A_1527 = arith.constant 0 : i32
    %dma_wait3A_1528 = arith.constant 0 : i32
    %dma_wait3A_1529 = tpu.memref_slice %arg4[%add3A_1172, %dma_wait3A_1527, %dma_wait3A_1528] : memref<1024x28x28xf32, #tpu.memory_space<hbm>> -> memref<1x28x28xf32, #tpu.memory_space<hbm>>
    %dma_wait3A_1530 = tpu.memref_squeeze %dma_wait3A_1529 : memref<1x28x28xf32, #tpu.memory_space<hbm>> -> memref<28x28xf32, #tpu.memory_space<hbm>>
    %dma_wait3A_1531 = arith.constant 0 : i32
    %dma_wait3A_1532 = arith.constant 0 : i32
    %dma_wait3A_1533 = tpu.memref_slice %arg2[%select_n3A_1167, %sub3A_1170, %dma_wait3A_1531, %dma_wait3A_1532] : memref<1000x81x28x28xf32, #tpu.memory_space<hbm>> -> memref<1x1x28x28xf32, #tpu.memory_space<hbm>>
    %dma_wait3A_1534 = tpu.memref_squeeze %dma_wait3A_1533 : memref<1x1x28x28xf32, #tpu.memory_space<hbm>> -> memref<28x28xf32, #tpu.memory_space<hbm>>
    tpu.wait_dma2 semaphore(%arg6 : memref<!tpu.dma_semaphore, #tpu.memory_space<semaphore_mem>>) src(%dma_wait3A_1534 : memref<28x28xf32, #tpu.memory_space<hbm>>) dst(%dma_wait3A_1530 : memref<28x28xf32, #tpu.memory_space<hbm>>)
    %dma_wait3A_1535 = arith.constant 0 : i32
    %dma_wait3A_1536 = arith.constant 0 : i32
    %dma_wait3A_1537 = tpu.memref_slice %arg4[%add3A_1213, %dma_wait3A_1535, %dma_wait3A_1536] : memref<1024x28x28xf32, #tpu.memory_space<hbm>> -> memref<1x28x28xf32, #tpu.memory_space<hbm>>
    %dma_wait3A_1538 = tpu.memref_squeeze %dma_wait3A_1537 : memref<1x28x28xf32, #tpu.memory_space<hbm>> -> memref<28x28xf32, #tpu.memory_space<hbm>>
    %dma_wait3A_1539 = arith.constant 0 : i32
    %dma_wait3A_1540 = arith.constant 0 : i32
    %dma_wait3A_1541 = tpu.memref_slice %arg2[%select_n3A_1208, %sub3A_1211, %dma_wait3A_1539, %dma_wait3A_1540] : memref<1000x81x28x28xf32, #tpu.memory_space<hbm>> -> memref<1x1x28x28xf32, #tpu.memory_space<hbm>>
    %dma_wait3A_1542 = tpu.memref_squeeze %dma_wait3A_1541 : memref<1x1x28x28xf32, #tpu.memory_space<hbm>> -> memref<28x28xf32, #tpu.memory_space<hbm>>
    tpu.wait_dma2 semaphore(%arg6 : memref<!tpu.dma_semaphore, #tpu.memory_space<semaphore_mem>>) src(%dma_wait3A_1542 : memref<28x28xf32, #tpu.memory_space<hbm>>) dst(%dma_wait3A_1538 : memref<28x28xf32, #tpu.memory_space<hbm>>)
    %dma_wait3A_1543 = arith.constant 0 : i32
    %dma_wait3A_1544 = arith.constant 0 : i32
    %dma_wait3A_1545 = tpu.memref_slice %arg4[%add3A_1254, %dma_wait3A_1543, %dma_wait3A_1544] : memref<1024x28x28xf32, #tpu.memory_space<hbm>> -> memref<1x28x28xf32, #tpu.memory_space<hbm>>
    %dma_wait3A_1546 = tpu.memref_squeeze %dma_wait3A_1545 : memref<1x28x28xf32, #tpu.memory_space<hbm>> -> memref<28x28xf32, #tpu.memory_space<hbm>>
    %dma_wait3A_1547 = arith.constant 0 : i32
    %dma_wait3A_1548 = arith.constant 0 : i32
    %dma_wait3A_1549 = tpu.memref_slice %arg2[%select_n3A_1249, %sub3A_1252, %dma_wait3A_1547, %dma_wait3A_1548] : memref<1000x81x28x28xf32, #tpu.memory_space<hbm>> -> memref<1x1x28x28xf32, #tpu.memory_space<hbm>>
    %dma_wait3A_1550 = tpu.memref_squeeze %dma_wait3A_1549 : memref<1x1x28x28xf32, #tpu.memory_space<hbm>> -> memref<28x28xf32, #tpu.memory_space<hbm>>
    tpu.wait_dma2 semaphore(%arg6 : memref<!tpu.dma_semaphore, #tpu.memory_space<semaphore_mem>>) src(%dma_wait3A_1550 : memref<28x28xf32, #tpu.memory_space<hbm>>) dst(%dma_wait3A_1546 : memref<28x28xf32, #tpu.memory_space<hbm>>)
    %dma_wait3A_1551 = arith.constant 0 : i32
    %dma_wait3A_1552 = arith.constant 0 : i32
    %dma_wait3A_1553 = tpu.memref_slice %arg4[%add3A_1295, %dma_wait3A_1551, %dma_wait3A_1552] : memref<1024x28x28xf32, #tpu.memory_space<hbm>> -> memref<1x28x28xf32, #tpu.memory_space<hbm>>
    %dma_wait3A_1554 = tpu.memref_squeeze %dma_wait3A_1553 : memref<1x28x28xf32, #tpu.memory_space<hbm>> -> memref<28x28xf32, #tpu.memory_space<hbm>>
    %dma_wait3A_1555 = arith.constant 0 : i32
    %dma_wait3A_1556 = arith.constant 0 : i32
    %dma_wait3A_1557 = tpu.memref_slice %arg2[%select_n3A_1290, %sub3A_1293, %dma_wait3A_1555, %dma_wait3A_1556] : memref<1000x81x28x28xf32, #tpu.memory_space<hbm>> -> memref<1x1x28x28xf32, #tpu.memory_space<hbm>>
    %dma_wait3A_1558 = tpu.memref_squeeze %dma_wait3A_1557 : memref<1x1x28x28xf32, #tpu.memory_space<hbm>> -> memref<28x28xf32, #tpu.memory_space<hbm>>
    tpu.wait_dma2 semaphore(%arg6 : memref<!tpu.dma_semaphore, #tpu.memory_space<semaphore_mem>>) src(%dma_wait3A_1558 : memref<28x28xf32, #tpu.memory_space<hbm>>) dst(%dma_wait3A_1554 : memref<28x28xf32, #tpu.memory_space<hbm>>)
    return
  }
}

module attributes {stable_mosaic.version = 14 : i64} {
  func.func @_tc_body(%arg0: memref<1024x784xf32, #tpu.memory_space<vmem>>, %arg1: memref<1x1024xf32, #tpu.memory_space<vmem>>, %arg2: memref<1024x1xf32, #tpu.memory_space<vmem>>, %arg3: memref<1024x784xf32, #tpu.memory_space<vmem>>, %arg4: memref<1024x1024xf32, #tpu.memory_space<vmem>>) attributes {dimension_semantics = [], scalar_prefetch = 0 : i64, scratch_operands = 1 : i64, tpu.core_type = #tpu.core_type<tc>} {
    %get3A = arith.constant 0 : index
    %get3A_0 = arith.constant 0 : index
    %get3A_1 = vector.load %arg0[%get3A, %get3A_0] : memref<1024x784xf32, #tpu.memory_space<vmem>>, vector<1024x784xf32>
    %logistic3A = arith.negf %get3A_1 : vector<1024x784xf32>
    %logistic3A_2 = math.exp %logistic3A : vector<1024x784xf32>
    %logistic3A_3 = arith.constant 1.000000e+00 : f32
    %logistic3A_4 = vector.broadcast %logistic3A_3 : f32 to vector<1024x784xf32>
    %logistic3A_5 = arith.addf %logistic3A_4, %logistic3A_2 : vector<1024x784xf32>
    %logistic3A_6 = arith.divf %logistic3A_4, %logistic3A_5 : vector<1024x784xf32>
    %get3A_7 = arith.constant 0 : index
    %get3A_8 = arith.constant 0 : index
    %get3A_9 = vector.load %arg1[%get3A_7, %get3A_8] : memref<1x1024xf32, #tpu.memory_space<vmem>>, vector<1x1024xf32>
    %get3A_10 = arith.constant 0 : index
    %get3A_11 = arith.constant 0 : index
    %get3A_12 = vector.load %arg2[%get3A_10, %get3A_11] : memref<1024x1xf32, #tpu.memory_space<vmem>>, vector<1024x1xf32>
    %iota3A = tpu.iota {dimensions = array<i32: 0>} : vector<1024x1024xi32>
    %iota3A_13 = tpu.iota {dimensions = array<i32: 1>} : vector<1024x1024xi32>
    %gt3A = vector.broadcast %get3A_12 : vector<1024x1xf32> to vector<1024x1024xf32>
    %gt3A_14 = vector.broadcast %get3A_9 : vector<1x1024xf32> to vector<1024x1024xf32>
    %gt3A_15 = arith.cmpf ogt, %gt3A, %gt3A_14 : vector<1024x1024xf32>
    %eq3A = vector.broadcast %get3A_12 : vector<1024x1xf32> to vector<1024x1024xf32>
    %eq3A_16 = vector.broadcast %get3A_9 : vector<1x1024xf32> to vector<1024x1024xf32>
    %eq3A_17 = arith.cmpf oeq, %eq3A, %eq3A_16 : vector<1024x1024xf32>
    %lt3A = arith.cmpi slt, %iota3A, %iota3A_13 : vector<1024x1024xi32>
    %and3A = arith.andi %eq3A_17, %lt3A : vector<1024x1024xi1>
    %or3A = arith.ori %gt3A_15, %and3A : vector<1024x1024xi1>
    %convert_element_type3A = arith.extui %or3A : vector<1024x1024xi1> to vector<1024x1024xi32>
    %convert_element_type3A_18 = arith.sitofp %convert_element_type3A : vector<1024x1024xi32> to vector<1024x1024xf32>
    %reduce_sum3A = arith.constant dense<0.000000e+00> : vector<1024xf32>
    %reduce_sum3A_19 = vector.multi_reduction <add>, %convert_element_type3A_18, %reduce_sum3A [0] : vector<1024x1024xf32> to vector<1024xf32>
    %broadcast_in_dim3A = vector.shape_cast %reduce_sum3A_19 : vector<1024xf32> to vector<1x1024xf32>
    %convert_element_type3A_20 = arith.fptosi %broadcast_in_dim3A : vector<1x1024xf32> to vector<1x1024xi32>
    %broadcast_in_dim3A_21 = vector.shape_cast %convert_element_type3A_20 : vector<1x1024xi32> to vector<1x1024xi32>
    %broadcast_in_dim3A_22 = vector.broadcast %broadcast_in_dim3A_21 : vector<1x1024xi32> to vector<1024x1024xi32>
    %eq3A_23 = arith.cmpi eq, %broadcast_in_dim3A_22, %iota3A : vector<1024x1024xi32>
    %convert_element_type3A_24 = arith.extui %eq3A_23 : vector<1024x1024xi1> to vector<1024x1024xi32>
    %convert_element_type3A_25 = arith.sitofp %convert_element_type3A_24 : vector<1024x1024xi32> to vector<1024x1024xf32>
    %dot_general3A = arith.constant dense<0.000000e+00> : vector<1024x784xf32>
    %dot_general3A_26 = tpu.matmul %convert_element_type3A_25, %logistic3A_6, %dot_general3A {dimension_numbers = #tpu.dot_dimension_numbers<[1], [0], [0], [1], [0, 0, 1, 1], [], []>, precision = #tpu.contract_precision<fp32>, transpose_lhs_hint = false} : vector<1024x1024xf32>, vector<1024x784xf32>, vector<1024x784xf32> -> vector<1024x784xf32>
    %reduce_sum3A_27 = arith.constant dense<0.000000e+00> : vector<1024xf32>
    %reduce_sum3A_28 = vector.multi_reduction <add>, %dot_general3A_26, %reduce_sum3A_27 [1] : vector<1024x784xf32> to vector<1024xf32>
    %broadcast_in_dim3A_29 = vector.shape_cast %reduce_sum3A_28 : vector<1024xf32> to vector<1024x1xf32>
    %dot_general3A_30 = arith.constant dense<0.000000e+00> : vector<1024x1024xf32>
    %dot_general3A_31 = tpu.matmul %dot_general3A_26, %dot_general3A_26, %dot_general3A_30 {dimension_numbers = #tpu.dot_dimension_numbers<[1], [1], [0], [0], [0, 0, 1, 0], [], []>, precision = #tpu.contract_precision<fp32>, transpose_lhs_hint = false} : vector<1024x784xf32>, vector<1024x784xf32>, vector<1024x1024xf32> -> vector<1024x1024xf32>
    %add3A = arith.constant 9.99999974E-5 : f32
    %add3A_32 = vector.broadcast %add3A : f32 to vector<1024x1xf32>
    %add3A_33 = arith.addf %broadcast_in_dim3A_29, %add3A_32 : vector<1024x1xf32>
    %div3A = vector.broadcast %add3A_33 : vector<1024x1xf32> to vector<1024x1024xf32>
    %div3A_34 = arith.divf %dot_general3A_31, %div3A : vector<1024x1024xf32>
    %ge3A = arith.constant 5.000000e-01 : f32
    %ge3A_35 = vector.broadcast %ge3A : f32 to vector<1024x1024xf32>
    %ge3A_36 = arith.cmpf oge, %div3A_34, %ge3A_35 : vector<1024x1024xf32>
    %gt3A_37 = arith.cmpi sgt, %iota3A_13, %iota3A : vector<1024x1024xi32>
    %and3A_38 = arith.andi %ge3A_36, %gt3A_37 : vector<1024x1024xi1>
    %convert_element_type3A_39 = arith.extui %and3A_38 : vector<1024x1024xi1> to vector<1024x1024xi32>
    %convert_element_type3A_40 = arith.sitofp %convert_element_type3A_39 : vector<1024x1024xi32> to vector<1024x1024xf32>
    %swap3A = arith.constant 0 : index
    %swap3A_41 = arith.constant 0 : index
    %swap3A_42 = vector.load %arg4[%swap3A, %swap3A_41] : memref<1024x1024xf32, #tpu.memory_space<vmem>>, vector<1024x1024xf32>
    tpu.vector_store %arg4[%swap3A, %swap3A_41], %convert_element_type3A_40 {strides = array<i32>} : memref<1024x1024xf32, #tpu.memory_space<vmem>>, vector<1024x1024xf32>,
    %broadcast_in_dim3A_43 = arith.constant 1.000000e+00 : f32
    %broadcast_in_dim3A_44 = vector.broadcast %broadcast_in_dim3A_43 : f32 to vector<1x1024xf32>
    %while3A = arith.constant true
    %while3A_45:2 = scf.while (%while3A_59 = %broadcast_in_dim3A_44, %while3A_60 = %while3A) : (vector<1x1024xf32>, i1) -> (vector<1x1024xf32>, i1) {
      scf.condition(%while3A_60) %while3A_59, %while3A_60 : vector<1x1024xf32>, i1
    } do {
    ^bb0(%while3A_59: vector<1x1024xf32>, %while3A_60: i1):
      %get3A_61 = arith.constant 0 : index
      %get3A_62 = arith.constant 0 : index
      %get3A_63 = vector.load %arg4[%get3A_61, %get3A_62] : memref<1024x1024xf32, #tpu.memory_space<vmem>>, vector<1024x1024xf32>
      %dot_general3A_64 = arith.constant dense<0.000000e+00> : vector<1x1024xf32>
      %dot_general3A_65 = tpu.matmul %while3A_59, %get3A_63, %dot_general3A_64 {dimension_numbers = #tpu.dot_dimension_numbers<[1], [0], [0], [1], [0, 0, 1, 1], [], []>, transpose_lhs_hint = false} : vector<1x1024xf32>, vector<1024x1024xf32>, vector<1x1024xf32> -> vector<1x1024xf32>
      %gt3A_66 = arith.constant 0.000000e+00 : f32
      %gt3A_67 = vector.broadcast %gt3A_66 : f32 to vector<1x1024xf32>
      %gt3A_68 = arith.cmpf ogt, %dot_general3A_65, %gt3A_67 : vector<1x1024xf32>
      %jit3A = arith.constant 0.000000e+00 : f32
      %jit3A_69 = arith.constant 1.000000e+00 : f32
      %broadcast_in_dim3A_70 = vector.broadcast %jit3A : f32 to vector<1x1024xf32>
      %broadcast_in_dim3A_71 = vector.broadcast %jit3A_69 : f32 to vector<1x1024xf32>
      %select_n3A = arith.select %gt3A_68, %broadcast_in_dim3A_70, %broadcast_in_dim3A_71 : vector<1x1024xi1>, vector<1x1024xf32>
      %sub3A = arith.subf %select_n3A, %while3A_59 : vector<1x1024xf32>
      %abs3A = math.absf %sub3A : vector<1x1024xf32>
      %reduce_sum3A_72 = vector.shape_cast %abs3A : vector<1x1024xf32> to vector<1x1x1024xf32>
      %reduce_sum3A_73 = arith.constant dense<0.000000e+00> : vector<1xf32>
      %reduce_sum3A_74 = vector.multi_reduction <add>, %reduce_sum3A_72, %reduce_sum3A_73 [1, 2] : vector<1x1x1024xf32> to vector<1xf32>
      %reduce_sum3A_75 = vector.shape_cast %reduce_sum3A_74 : vector<1xf32> to vector<1x1x1xf32>
      %reduce_sum3A_76 = vector.extract %reduce_sum3A_75[0, 0, 0] : f32 from vector<1x1x1xf32>
      %gt3A_77 = arith.constant 0.000000e+00 : f32
      %gt3A_78 = arith.cmpf ogt, %reduce_sum3A_76, %gt3A_77 : f32
      scf.yield %select_n3A, %gt3A_78 : vector<1x1024xf32>, i1
    }
    %eq3A_46 = arith.cmpi eq, %iota3A, %iota3A_13 : vector<1024x1024xi32>
    %convert_element_type3A_47 = arith.extui %eq3A_46 : vector<1024x1024xi1> to vector<1024x1024xi32>
    %convert_element_type3A_48 = arith.sitofp %convert_element_type3A_47 : vector<1024x1024xi32> to vector<1024x1024xf32>
    %broadcast_in_dim3A_49 = vector.shape_cast %while3A_45#0 : vector<1x1024xf32> to vector<1x1024xf32>
    %broadcast_in_dim3A_50 = vector.broadcast %broadcast_in_dim3A_49 : vector<1x1024xf32> to vector<1024x1024xf32>
    %mul3A = arith.mulf %broadcast_in_dim3A_50, %convert_element_type3A_48 : vector<1024x1024xf32>
    %reduce_sum3A_51 = arith.constant dense<0.000000e+00> : vector<1024xf32>
    %reduce_sum3A_52 = vector.multi_reduction <add>, %mul3A, %reduce_sum3A_51 [1] : vector<1024x1024xf32> to vector<1024xf32>
    %broadcast_in_dim3A_53 = vector.shape_cast %reduce_sum3A_52 : vector<1024xf32> to vector<1024x1xf32>
    %mul3A_54 = vector.broadcast %broadcast_in_dim3A_53 : vector<1024x1xf32> to vector<1024x784xf32>
    %mul3A_55 = arith.mulf %dot_general3A_26, %mul3A_54 : vector<1024x784xf32>
    %swap3A_56 = arith.constant 0 : index
    %swap3A_57 = arith.constant 0 : index
    %swap3A_58 = vector.load %arg3[%swap3A_56, %swap3A_57] : memref<1024x784xf32, #tpu.memory_space<vmem>>, vector<1024x784xf32>
    tpu.vector_store %arg3[%swap3A_56, %swap3A_57], %mul3A_55 {strides = array<i32>} : memref<1024x784xf32, #tpu.memory_space<vmem>>, vector<1024x784xf32>,
    return
  }
}

</mosaic_0001>

<sc_bundles>
// kernel: kernel.4.cloned.1.call-start
scs
__scs_entry_jumppad:
0x0: {  	(pc) =	sbr.rel $0x88, $3  }
0x1: {  	(tag) =	ssettag $0x0;
	lr =	simm.s32 $0x1  }
0x2: {  	[smem:$0x3F9E] =	sst lr;
	_ =	strace $0xD0000000  }
0x3: {  	_ = 	snop  }
0x4: {  	_ = 	snop  }
0x5: {  	_ = 	snop  }
0x6: {  	_ = 	snop  }
0x7: {  	_ = 	snop  }
__scs_overlays_trampoline_lowered:
0x8: {  	[smem:$0x3FAD] =	sst s0  }
0x9: {  	[smem:$0x3FAE] =	sst s1  }
0xa: {  	[smem:$0x3FAF] =	sst s2  }
0xb: {  	[smem:$0x3FB0] =	sst s3  }
0xc: {  	[smem:$0x3FB1] =	sst s4  }
0xd: {  	[smem:$0x3FB2] =	sst s5  }
0xe: {  	[smem:$0x3FB3] =	sst s6  }
0xf: {  	[smem:$0x3FB4] =	sst s7  }
0x10: {  	[smem:$0x3FB5] =	sst s8  }
0x11: {  	[smem:$0x3FB6] =	sst s9;
	s0 =	simm.s32 @!p0 $0x0  }
0x12: {  	s1 =	sld [smem:$0x3F9C];
	s0 =	simm.s32 @p0 $0x1  }
0x13: {  	[smem:$0x3FB7] =	sst s0;
	s0 =	simm.s32 @!p1 $0x0  }
0x14: {  	s2 =	sld [smem:$0x3F9B];
	s0 =	simm.s32 @p1 $0x1  }
0x15: {  	[smem:$0x3FB8] =	sst s0;
	s0 =	simm.s32 @!p2 $0x0  }
0x16: {  	s3 =	sld [smem:$0x3FDB];
	s0 =	simm.s32 @p2 $0x1  }
0x17: {  	s4 =	simm.s32 $0x1BF5;
	[smem:$0x3FBA] =	sst s0  }
0x18: {  	s0 =	sld [smem:$0x3F9D];
	_ =	swait.ge [sflag:s4], $0x0  }
0x19: {  	s7 =	sld [smem:$0x3F9E]  }
0x1a: {  	s8 =	sadd.s32 $0xFFFFE003, lr  }
0x1b: {  	s9 =	sadd.s32 $0xFFFFFEF7, lr;
	s5 =	simm.s32 $0xFFFFFFFF;
	p2 =	slt.u32 s8, $0xFFFFF086  }
0x1c: {  	p1 =	slt.u32 s9, $0xF7A;
	s5 =	simm.s32 @!p2 $0x0  }
0x1d: {  	s5 =	simm.s32 @p1 $0x1;
	p0 =	seq.s32 s7, s2  }
0x1e: {  	s7 =	smul.u32 @!p0 $0xF7A, s2;
	p2 =	seq.s32 @!p0 s5, $0x0  }
0x1f: {  	s9 =	smul.u32 $0xF7A, s1;
	s8 =	simm.s32 @!p0 $0x1BF5;
	p2 =	por !p2, p0  }
0x20: {  	[sflag:s8] =	ssyncset.s32 @!p0 $0xFFFFF086;
	s6 =	sadd.s32 @!p0 s3, s7;
	s7 =	simm.s32 @!p0 $0x108  }
0x21: {  	s3 =	sadd.s32 s3, s9;
	s6 =	sadd.s32 @!p0 $0x88, s6;
	s7 =	simm.s32 @p2 $0x1082  }
0x22: {  	[simem:s7], [sflag:s8] =	dma.local @!p0 [hbm:s6], $0xF7A  }
0x23: {  	s9 =	sor.u32 $0xD0000000, s2;
	s6 =	simm.s32 $0x108;
	_ =	swait.ge @!p0 [sflag:s8], $0x0  }
0x24: {  	s3 =	sadd.s32 $0x88, s3;
	s6 =	simm.s32 @!p1 $0x1082;
	[sflag:s4] =	ssyncset.s32 $0xFFFFF086  }
0x25: {  	[simem:s6], [sflag:s4] =	dma.local [hbm:s3], $0xF7A  }
0x26: {  	[smem:$0x3F9E] =	sst s1;
	(tag) =	ssettag s2;
	_ =	strace s9  }
0x27: {  	s1 =	sld [smem:$0x3FAE]  }
0x28: {  	s2 =	sld [smem:$0x3FAF]  }
0x29: {  	s4 =	sld [smem:$0x3FB1]  }
0x2a: {  	p0 =	seq.s32 s5, $0x0;
	s5 =	sld [smem:$0x3FB2]  }
0x2b: {  	s6 =	sld [smem:$0x3FB3]  }
0x2c: {  	s7 =	sld [smem:$0x3FB4]  }
0x2d: {  	s3 =	simm.s32 $0x108;
	s8 =	sld [smem:$0x3FB5]  }
0x2e: {  	s3 =	simm.s32 @!p0 $0x1082;
	s9 =	sld [smem:$0x3FB6]  }
0x2f: {  	lr =	sadd.s32 s0, s3;
	s0 =	sld [smem:$0x3FAD]  }
0x30: {  	s3 =	sld [smem:$0x3FB0]  }
0x31: {  	[smem:$0x3FB9] =	sst s10  }
0x32: {  	s10 =	sld [smem:$0x3FB7];
	_ =	sdelay $0x3  }
0x33: {  	p0 =	seq.s32 s10, $0x1;
	s10 =	sld [smem:$0x3FB9];
	_ =	sdelay $0x3  }
0x34: {  	[smem:$0x3FB9] =	sst s10  }
0x35: {  	s10 =	sld [smem:$0x3FB8];
	_ =	sdelay $0x3  }
0x36: {  	p1 =	seq.s32 s10, $0x1;
	s10 =	sld [smem:$0x3FB9];
	_ =	sdelay $0x3  }
0x37: {  	[smem:$0x3FB9] =	sst s10  }
0x38: {  	s10 =	sld [smem:$0x3FBA]  }
0x39: {  	_ = 	snop;
	(pc) =	sbr.ind lr, $3  }
0x3a: {  	_ = 	snop  }
0x3b: {  	_ = 	snop  }
0x3c: {  	p2 =	seq.s32 s10, $0x1;
	s10 =	sld [smem:$0x3FB9]  }
0x3d: {  	_ =	shalt  }
0x3e: {  	_ =	shalt  }
0x3f: {  	_ =	shalt  }
0x40: {  	_ =	shalt  }
0x41: {  	_ =	shalt  }
0x42: {  	_ =	shalt  }
0x43: {  	_ =	shalt  }
0x44: {  	_ =	shalt  }
0x45: {  	_ =	shalt  }
0x46: {  	_ =	shalt  }
0x47: {  	_ =	shalt  }
0x48: {  	_ =	shalt  }
0x49: {  	_ =	shalt  }
0x4a: {  	_ =	shalt  }
0x4b: {  	_ =	shalt  }
0x4c: {  	_ =	shalt  }
0x4d: {  	_ =	shalt  }
0x4e: {  	_ =	shalt  }
0x4f: {  	_ =	shalt  }
0x50: {  	_ =	shalt  }
0x51: {  	_ =	shalt  }
0x52: {  	_ =	shalt  }
0x53: {  	_ =	shalt  }
0x54: {  	_ =	shalt  }
0x55: {  	_ =	shalt  }
0x56: {  	_ =	shalt  }
0x57: {  	_ =	shalt  }
0x58: {  	_ =	shalt  }
0x59: {  	_ =	shalt  }
0x5a: {  	_ =	shalt  }
0x5b: {  	_ =	shalt  }
0x5c: {  	_ =	shalt  }
0x5d: {  	_ =	shalt  }
0x5e: {  	_ =	shalt  }
0x5f: {  	_ =	shalt  }
0x60: {  	_ =	shalt  }
0x61: {  	_ =	shalt  }
0x62: {  	_ =	shalt  }
0x63: {  	_ =	shalt  }
0x64: {  	_ =	shalt  }
0x65: {  	_ =	shalt  }
0x66: {  	_ =	shalt  }
0x67: {  	_ =	shalt  }
0x68: {  	_ =	shalt  }
0x69: {  	_ =	shalt  }
0x6a: {  	_ =	shalt  }
0x6b: {  	_ =	shalt  }
0x6c: {  	_ =	shalt  }
0x6d: {  	_ =	shalt  }
0x6e: {  	_ =	shalt  }
0x6f: {  	_ =	shalt  }
0x70: {  	_ =	shalt  }
0x71: {  	_ =	shalt  }
0x72: {  	_ =	shalt  }
0x73: {  	_ =	shalt  }
0x74: {  	_ =	shalt  }
0x75: {  	_ =	shalt  }
0x76: {  	_ =	shalt  }
0x77: {  	_ =	shalt  }
0x78: {  	_ =	shalt  }
0x79: {  	_ =	shalt  }
0x7a: {  	_ =	shalt  }
0x7b: {  	_ =	shalt  }
0x7c: {  	_ =	shalt  }
0x7d: {  	_ =	shalt  }
0x7e: {  	_ =	shalt  }
0x7f: {  	_ =	shalt  }
0x80: {  	_ =	shalt  }
0x81: {  	_ =	shalt  }
0x82: {  	_ =	shalt  }
0x83: {  	_ =	shalt  }
0x84: {  	_ =	shalt  }
0x85: {  	_ =	shalt  }
0x86: {  	_ =	shalt  }
0x87: {  	_ =	shalt  }
.Lfunc_end0:
.L_simem_size_0:
called_computation_lowered:
.L_overlay_start_0:
0x88: {  	s2 =	sld [smem:$0x3FD9]  }
0x89: {  	s3 =	sld [smem:$0x3FFE];
	_ =	sdelay $0x1  }
0x8a: {  	s1 =	srdreg.scid  }
0x8b: {  	s0 =	sand.u32 $0x1, s1  }
0x8c: {  	s17 =	sshll.u32 s0, $0xA;
	s2 =	sadd.s32 s3, s2  }
0x8d: {  	s2 =	sadd.s32 s2, s17  }
0x8e: {  	[smem:$0x3FC5] =	sst s2  }
0x8f: {  	_ = 	snop  }
0x90: {  	s2 =	sld [smem:$0x3FD0];
	(tm) =	ssettm $0x1  }
0x91: {  	s18 =	sld [smem:$0x3FFB];
	_ =	sdelay $0x3  }
0x92: {  	_ =	strace s18  }
0x93: {  	s3 =	sld [smem:$0x3FFC];
	_ =	sdelay $0x3  }
0x94: {  	_ =	strace s3  }
0x95: {  	s3 =	sld [smem:$0x3FFD];
	_ =	sdelay $0x3  }
0x96: {  	_ =	strace s3  }
0x97: {  	_ =	strace $0x8FFFFFFF  }
0x98: {  	s19 =	sld [smem:$0x3FDB];
	_ =	sdelay $0x1  }
0x99: {  	s4 =	simm.s32 $_scs_section_size  }
0x9a: {  	s5 =	simm.s32 $_size__tile_overlayer_lowered;
	s6 =	simm.s32 $_tile_overlayer_lowered  }
0x9b: {  	s22 =	simm.s32 $0x1BFF;
	s21 =	sshll.u32 s6, $0x1;
	s3 =	sadd.s32 s4, s19  }
0x9c: {  	s7 =	simm.s32 $0x0;
	s20 =	sshll.u32 s5, $0x1;
	s5 =	sadd.s32 s21, s3  }
0x9d: {  	[timem:s7], [sflag:s22] =	dma.local [hbm:s5], s20  }
0x9e: {  	_ =	swait.ge [sflag:s22], s20  }
0x9f: {  	s4 =	ssub.s32 $0x0, s20;
	[sflag:s22] =	ssyncset.done $0x0  }
0xa0: {  	[sflag:s22] =	ssyncadd.s32 s4;
	_ =	sdelay $0x1  }
0xa1: {  	s23 =	simm.s32 $0x1B8B  }
0xa2: {  	_ =	swait.ge [sflag:s23], $0x1  }
0xa3: {  	[sflag:s23] =	ssyncset.done $0x0  }
0xa4: {  	s25 =	simm.s32 $0x1B8E;
	s24 =	sld [smem:$0x3FFE];
	[sflag:s23] =	ssyncadd.s32 $0xFFFFFFFF  }
0xa5: {  	s26 =	simm.s32 $execute0_lowered;
	[smem:$0x3FD2] =	sst s25  }
0xa6: {  	s5 =	sshll.u32 s26, $0x1;
	_ =	strace $0x80000046;
	[dreg:$0x1] =	wrdreg $0xFFFFFFFF  }
0xa7: {  	s28 =	simm.s32 $_size_execute0_lowered;
	s3 =	sadd.s32 s3, s5;
	[dreg:$0x0] =	wrdreg $0x0  }
0xa8: {  	s5 =	sshll.u32 s28, $0x1;
	[dreg:$0x2] =	wrdreg s3  }
0xa9: {  	[dreg:$0x3] =	wrdreg s5  }
0xaa: {  	[dreg:$0x4] =	wrdreg $0xC0  }
0xab: {  	_ =	task [dreg:s7], $0x5FFFF  }
0xac: {  	[dreg:$0x1] =	wrdreg $0xFFFFFFFF  }
0xad: {  	[dreg:$0x0] =	wrdreg $0x60  }
0xae: {  	[dreg:$0x2] =	wrdreg s24  }
0xaf: {  	[dreg:$0x3] =	wrdreg s2  }
0xb0: {  	[dreg:$0x4] =	wrdreg $0x9  }
0xb1: {  	_ =	task.clear_ibuf [dreg:s7], $0x5FFFF;
	_ =	strace $0x90000046  }
0xb2: {  	s29 =	simm.s32 $0x9;
	_ =	strace $0x80000048  }
0xb3: {  	_ =	swait.ge [sflag:s29], $0x1  }
0xb4: {  	[sflag:s29] =	ssyncadd.s32 $0xFFFFFFFF  }
0xb5: {  	_ =	strace $0x90000048  }
0xb6: {  	_ =	sfence  }
0xb7: {  	s30 =	sld [smem:$0x0];
	_ =	sdelay $0x2  }
0xb8: {  	s31 =	sshll.u32 s1, $0xD;
	s1 =	sshrl.u32 s1, $0x2  }
0xb9: {  	s3 =	sand.u32 $0x4000, s31;
	s1 =	sadd.s32 s1, s30  }
0xba: {  	s0 =	sor.u32 s3, s0;
	s1 =	sshll.u32 s1, $0x11  }
0xbb: {  	s0 =	sor.u32 s1, s0  }
0xbc: {  	s0 =	sadd.s32 $0x8F2B, s0  }
0xbd: {  	[sflag:s0] =	ssyncadd.remote.s32 $0x1  }
0xbe: {  	_ =	sfence.sel $0xFFFF  }
0xbf: {  	[dreg:$0x0] =	wrdreg $0xFFFFFFFF;
	(pc) =	sbr.abs _section_cstart, $3  }
0xc0: {  	[dreg:$0x1] =	wrdreg $0xFFFFFFFF  }
0xc1: {  	_ =	task.clear_ibuf [dreg:s7], $0x2FFFF;
	_ =	strace $0x9FFFFFFF  }
0xc2: {  	(tm) =	ssettm $0x7FFFFFFF  }
0xc3: {  	_ =	shalt  }
tec
execute0_lowered:
.L_overlay_start_1:
0x0: {  	(tag) =	ssettag $0x1  }
0x1: {  	s1 =	srdreg.scid  }
0x2: {  	s0 =	stileid.u32;
	s5 =	sand.u32 $0x1, s1  }
0x3: {  	s4 =	rddreg [dreg:$0x0];
	s2 =	sshll.u32 s0, $0x6;
	s6 =	sshll.u32 s5, $0x5  }
0x4: {  	s7 =	rddreg [dreg:$0x1];
	s3 =	simm.s32 $0x0;
	s6 =	sor.u32 s6, s2  }
0x5: {  	s1 =	rddreg [dreg:$0x2];
	s8 =	sshll.u32 s6, $0x9;
	s9 =	sshrl.u32 s6, $0x3  }
0x6: {  	[smem:$0x7FF] =	sst s3;
	s6 =	sadd.s32 s8, s4;
	s7 =	sadd.s32 s7, s9  }
0x7: {  	_ =	strace $0x80000047;
	[dreg:$0x3] =	wrdreg s7;
	s22 =	sadd.s32 $0x278D800, s6  }
0x8: {  	s23 =	sadd.s32 $0x278DA00, s6;
	[dreg:$0x4] =	wrdreg s22  }
0x9: {  	s24 =	sadd.s32 $0x278DC00, s6;
	[dreg:$0x5] =	wrdreg s23  }
0xa: {  	s25 =	sadd.s32 $0x278DE00, s6;
	[dreg:$0x6] =	wrdreg s24  }
0xb: {  	s26 =	sadd.s32 $0x278E000, s6;
	[dreg:$0x7] =	wrdreg s25  }
0xc: {  	s28 =	sadd.s32 $0x278E200, s6;
	[dreg:$0x8] =	wrdreg s26  }
0xd: {  	s29 =	sadd.s32 $0x278E400, s6;
	[dreg:$0x9] =	wrdreg s28  }
0xe: {  	s30 =	sadd.s32 $0x278E600, s6;
	[dreg:$0xa] =	wrdreg s29  }
0xf: {  	s31 =	sadd.s32 $0x278E800, s6;
	[dreg:$0xb] =	wrdreg s30  }
0x10: {  	s8 =	sadd.s32 $0x278EA00, s6;
	[dreg:$0xc] =	wrdreg s31  }
0x11: {  	s9 =	sadd.s32 $0x278EC00, s6;
	[dreg:$0xd] =	wrdreg s8  }
0x12: {  	s10 =	sadd.s32 $0x278EE00, s6;
	[dreg:$0xe] =	wrdreg s9  }
0x13: {  	s11 =	sadd.s32 $0x278F000, s6;
	[dreg:$0xf] =	wrdreg s10  }
0x14: {  	s12 =	sadd.s32 $0x278F200, s6;
	[dreg:$0x10] =	wrdreg s11  }
0x15: {  	s13 =	sadd.s32 $0x278F400, s6;
	[dreg:$0x11] =	wrdreg s12  }
0x16: {  	s14 =	sadd.s32 $0x278F600, s6;
	[dreg:$0x12] =	wrdreg s13  }
0x17: {  	s15 =	sadd.s32 $0x278F800, s6;
	[dreg:$0x13] =	wrdreg s14  }
0x18: {  	s16 =	sadd.s32 $0x278FA00, s6;
	[dreg:$0x14] =	wrdreg s15  }
0x19: {  	s17 =	sadd.s32 $0x278FC00, s6;
	[dreg:$0x15] =	wrdreg s16  }
0x1a: {  	s18 =	sadd.s32 $0x278FE00, s6;
	[dreg:$0x16] =	wrdreg s17  }
0x1b: {  	s19 =	sadd.s32 $0x2790000, s6;
	[dreg:$0x17] =	wrdreg s18  }
0x1c: {  	s20 =	sadd.s32 $0x2790200, s6;
	[dreg:$0x18] =	wrdreg s19  }
0x1d: {  	s21 =	sadd.s32 $0x2790400, s6;
	[dreg:$0x19] =	wrdreg s20  }
0x1e: {  	[dreg:$0x1a] =	wrdreg s21;
	s22 =	sadd.s32 $0x2790600, s6  }
0x1f: {  	s23 =	sadd.s32 $0x2790800, s6;
	[dreg:$0x1b] =	wrdreg s22  }
0x20: {  	s24 =	sadd.s32 $0x2790A00, s6;
	[dreg:$0x1c] =	wrdreg s23  }
0x21: {  	s25 =	sadd.s32 $0x2790C00, s6;
	[dreg:$0x1d] =	wrdreg s24  }
0x22: {  	s5 =	ssub.s32 $0x2, s5;
	s26 =	sadd.s32 $0x2790E00, s6;
	[dreg:$0x1e] =	wrdreg s25  }
0x23: {  	s4 =	sadd.s32 $0x800, s4;
	s28 =	sadd.s32 $0x2791000, s6;
	[dreg:$0x1f] =	wrdreg s26  }
0x24: {  	s7 =	simm.s32 $0x1;
	s29 =	sadd.s32 $0x2791200, s6;
	[smem:$0x7FA] =	sst s28  }
0x25: {  	s30 =	sadd.s32 $0x2791400, s6;
	s31 =	sshrl.u32 s5, $0x1;
	[smem:$0x7FB] =	sst s29  }
0x26: {  	s6 =	sadd.s32 $0x2791600, s6;
	[smem:$0x7FC] =	sst s30;
	s5 =	ssub.s32 s5, s31  }
0x27: {  	[smem:$0x7FD] =	sst s6;
	s6 =	simm.s32 $0x2;
	s5 =	smax.u32 s5, $0x1  }
.LBB2_1:
0x28: {  	s8 =	rddreg [dreg:$0x3]  }
0x29: {  	[tilespmem:s3], [sflag:$0x2] =	stream.linear.gather [hbm4b:s8+s3], $0x20, $0x38;
	[tilespmem:$0x80] =	vst v63  }
0x2a: {  	_ =	swait.ge [sflag:s6], $0x20  }
0x2b: {  	[sflag:s6] =	ssyncset.done $0x0  }
0x2c: {  	[sflag:s6] =	ssyncadd.s32 $0xFFFFFFE0  }
0x2d: {  	v0 =	vld.msk [tilespmem:$0x0], $0x1;
	_ =	sdelay $0x4  }
0x2e: {  	(v2sf) =	vpush v0, $0x0;
	_ =	sdelay $0xe  }
0x2f: {  	s22 =	spop (v2sf)  }
0x30: {  	s9 =	smulhi.u32 $0x1948B0FD, s22;
	s10 =	sshra.s32 s22, $0x1F  }
0x31: {  	s10 =	smul.u32 $0x1948B0FD, s10;
	_ =	sdelay $0x1  }
0x32: {  	s9 =	sadd.s32 s10, s9  }
0x33: {  	s10 =	sshrl.u32 s9, $0x1F;
	s9 =	sshra.s32 s9, $0x3  }
0x34: {  	s9 =	sadd.s32 s10, s9  }
0x35: {  	s10 =	smul.u32 $0xFFFFFFAF, s9  }
0x36: {  	s11 =	ssub.s32 $0x0, s22  }
0x37: {  	p0 =	slt.s32 s22, $0x1;
	p1 =	sne.s32 s10, s11  }
0x38: {  	p0 =	por !p0, !p1  }
0x39: {  	s10 =	simm.s32 $0x1;
	p0 =	por !p0, !p0  }
0x3a: {  	s10 =	simm.s32 @!p0 $0x0  }
0x3b: {  	s9 =	ssub.s32 s9, s10  }
0x3c: {  	s10 =	smul.u32 $0xFFFFFFAF, s9;
	_ =	sdelay $0x1  }
0x3d: {  	s9 =	smul.u32 $0x51000, s9;
	s8 =	sadd.s32 s22, s10  }
0x3e: {  	s8 =	sshll.u32 s8, $0xC  }
0x3f: {  	s8 =	sadd.s32 s9, s8  }
0x40: {  	s8 =	sshrl.u32 s8, $0x3  }
0x41: {  	s23 =	rddreg [dreg:$0x4];
	s24 =	sadd.s32 s4, s8;
	s8 =	sor.u32 $0x1C01, s2  }
0x42: {  	[hbm:s23], [sflag:s8] =	dma.local [hbm:s24], $0x200  }
0x43: {  	v33 =	vld.msk [tilespmem:$0x1], $0x1;
	_ =	sdelay $0x4  }
0x44: {  	(v2sf) =	vpush v33, $0x0;
	_ =	sdelay $0xe  }
0x45: {  	s9 =	spop (v2sf)  }
0x46: {  	s25 =	smulhi.u32 $0x1948B0FD, s9;
	s26 =	sshra.s32 s9, $0x1F  }
0x47: {  	s11 =	smul.u32 $0x1948B0FD, s26;
	_ =	sdelay $0x1  }
0x48: {  	s10 =	sadd.s32 s11, s25  }
0x49: {  	s11 =	sshrl.u32 s10, $0x1F;
	s10 =	sshra.s32 s10, $0x3  }
0x4a: {  	s10 =	sadd.s32 s11, s10  }
0x4b: {  	s11 =	smul.u32 $0xFFFFFFAF, s10  }
0x4c: {  	s12 =	ssub.s32 $0x0, s9  }
0x4d: {  	p5 =	slt.s32 s9, $0x1;
	p6 =	sne.s32 s11, s12  }
0x4e: {  	p0 =	por !p5, !p6  }
0x4f: {  	s11 =	simm.s32 $0x1;
	p0 =	por !p0, !p0  }
0x50: {  	s11 =	simm.s32 @!p0 $0x0  }
0x51: {  	s10 =	ssub.s32 s10, s11  }
0x52: {  	s11 =	smul.u32 $0xFFFFFFAF, s10;
	_ =	sdelay $0x1  }
0x53: {  	s10 =	smul.u32 $0x51000, s10;
	s9 =	sadd.s32 s9, s11  }
0x54: {  	s9 =	sshll.u32 s9, $0xC  }
0x55: {  	s9 =	sadd.s32 s10, s9  }
0x56: {  	s9 =	sshrl.u32 s9, $0x3  }
0x57: {  	s28 =	rddreg [dreg:$0x5];
	s9 =	sadd.s32 s4, s9  }
0x58: {  	[hbm:s28], [sflag:s8] =	dma.local [hbm:s9], $0x200  }
0x59: {  	v34 =	vld.msk [tilespmem:$0x2], $0x1;
	_ =	sdelay $0x4  }
0x5a: {  	(v2sf) =	vpush v34, $0x0;
	_ =	sdelay $0xe  }
0x5b: {  	s9 =	spop (v2sf)  }
0x5c: {  	s29 =	smulhi.u32 $0x1948B0FD, s9;
	s30 =	sshra.s32 s9, $0x1F  }
0x5d: {  	s11 =	smul.u32 $0x1948B0FD, s30;
	_ =	sdelay $0x1  }
0x5e: {  	s10 =	sadd.s32 s11, s29  }
0x5f: {  	s11 =	sshrl.u32 s10, $0x1F;
	s10 =	sshra.s32 s10, $0x3  }
0x60: {  	s10 =	sadd.s32 s11, s10  }
0x61: {  	s11 =	smul.u32 $0xFFFFFFAF, s10  }
0x62: {  	s31 =	ssub.s32 $0x0, s9  }
0x63: {  	p1 =	slt.s32 s9, $0x1;
	p2 =	sne.s32 s11, s31  }
0x64: {  	p0 =	por !p1, !p2  }
0x65: {  	s11 =	simm.s32 $0x1;
	p0 =	por !p0, !p0  }
0x66: {  	s11 =	simm.s32 @!p0 $0x0  }
0x67: {  	s10 =	ssub.s32 s10, s11  }
0x68: {  	s11 =	smul.u32 $0xFFFFFFAF, s10;
	_ =	sdelay $0x1  }
0x69: {  	s10 =	smul.u32 $0x51000, s10;
	s9 =	sadd.s32 s9, s11  }
0x6a: {  	s9 =	sshll.u32 s9, $0xC  }
0x6b: {  	s9 =	sadd.s32 s10, s9  }
0x6c: {  	s9 =	sshrl.u32 s9, $0x3  }
0x6d: {  	s11 =	rddreg [dreg:$0x6];
	s9 =	sadd.s32 s4, s9  }
0x6e: {  	[hbm:s11], [sflag:s8] =	dma.local [hbm:s9], $0x200  }
0x6f: {  	v35 =	vld.msk [tilespmem:$0x3], $0x1;
	_ =	sdelay $0x4  }
0x70: {  	(v2sf) =	vpush v35, $0x0;
	_ =	sdelay $0xe  }
0x71: {  	s9 =	spop (v2sf)  }
0x72: {  	s12 =	smulhi.u32 $0x1948B0FD, s9;
	s13 =	sshra.s32 s9, $0x1F  }
0x73: {  	s11 =	smul.u32 $0x1948B0FD, s13;
	_ =	sdelay $0x1  }
0x74: {  	s10 =	sadd.s32 s11, s12  }
0x75: {  	s11 =	sshrl.u32 s10, $0x1F;
	s10 =	sshra.s32 s10, $0x3  }
0x76: {  	s10 =	sadd.s32 s11, s10  }
0x77: {  	s11 =	smul.u32 $0xFFFFFFAF, s10  }
0x78: {  	s14 =	ssub.s32 $0x0, s9  }
0x79: {  	p3 =	slt.s32 s9, $0x1;
	p4 =	sne.s32 s11, s14  }
0x7a: {  	p0 =	por !p3, !p4  }
0x7b: {  	s11 =	simm.s32 $0x1;
	p0 =	por !p0, !p0  }
0x7c: {  	s11 =	simm.s32 @!p0 $0x0  }
0x7d: {  	s10 =	ssub.s32 s10, s11  }
0x7e: {  	s11 =	smul.u32 $0xFFFFFFAF, s10;
	_ =	sdelay $0x1  }
0x7f: {  	s10 =	smul.u32 $0x51000, s10;
	s9 =	sadd.s32 s9, s11  }
0x80: {  	s9 =	sshll.u32 s9, $0xC  }
0x81: {  	s9 =	sadd.s32 s10, s9  }
0x82: {  	s9 =	sshrl.u32 s9, $0x3  }
0x83: {  	s15 =	rddreg [dreg:$0x7];
	s9 =	sadd.s32 s4, s9  }
0x84: {  	[hbm:s15], [sflag:s8] =	dma.local [hbm:s9], $0x200  }
0x85: {  	v36 =	vld.msk [tilespmem:$0x4], $0x1;
	_ =	sdelay $0x4  }
0x86: {  	(v2sf) =	vpush v36, $0x0;
	_ =	sdelay $0xe  }
0x87: {  	s9 =	spop (v2sf)  }
0x88: {  	s16 =	smulhi.u32 $0x1948B0FD, s9;
	s17 =	sshra.s32 s9, $0x1F  }
0x89: {  	s11 =	smul.u32 $0x1948B0FD, s17;
	_ =	sdelay $0x1  }
0x8a: {  	s10 =	sadd.s32 s11, s16  }
0x8b: {  	s11 =	sshrl.u32 s10, $0x1F;
	s10 =	sshra.s32 s10, $0x3  }
0x8c: {  	s10 =	sadd.s32 s11, s10  }
0x8d: {  	s11 =	smul.u32 $0xFFFFFFAF, s10  }
0x8e: {  	s18 =	ssub.s32 $0x0, s9  }
0x8f: {  	p5 =	slt.s32 s9, $0x1;
	p6 =	sne.s32 s11, s18  }
0x90: {  	p0 =	por !p5, !p6  }
0x91: {  	s11 =	simm.s32 $0x1;
	p0 =	por !p0, !p0  }
0x92: {  	s11 =	simm.s32 @!p0 $0x0  }
0x93: {  	s10 =	ssub.s32 s10, s11  }
0x94: {  	s11 =	smul.u32 $0xFFFFFFAF, s10;
	_ =	sdelay $0x1  }
0x95: {  	s10 =	smul.u32 $0x51000, s10;
	s9 =	sadd.s32 s9, s11  }
0x96: {  	s9 =	sshll.u32 s9, $0xC  }
0x97: {  	s9 =	sadd.s32 s10, s9  }
0x98: {  	s9 =	sshrl.u32 s9, $0x3  }
0x99: {  	s19 =	rddreg [dreg:$0x8];
	s9 =	sadd.s32 s4, s9  }
0x9a: {  	[hbm:s19], [sflag:s8] =	dma.local [hbm:s9], $0x200  }
0x9b: {  	v37 =	vld.msk [tilespmem:$0x5], $0x1;
	_ =	sdelay $0x4  }
0x9c: {  	(v2sf) =	vpush v37, $0x0;
	_ =	sdelay $0xe  }
0x9d: {  	s9 =	spop (v2sf)  }
0x9e: {  	s20 =	smulhi.u32 $0x1948B0FD, s9;
	s21 =	sshra.s32 s9, $0x1F  }
0x9f: {  	s11 =	smul.u32 $0x1948B0FD, s21;
	_ =	sdelay $0x1  }
0xa0: {  	s10 =	sadd.s32 s11, s20  }
0xa1: {  	s11 =	sshrl.u32 s10, $0x1F;
	s10 =	sshra.s32 s10, $0x3  }
0xa2: {  	s10 =	sadd.s32 s11, s10  }
0xa3: {  	s11 =	smul.u32 $0xFFFFFFAF, s10  }
0xa4: {  	s22 =	ssub.s32 $0x0, s9  }
0xa5: {  	p1 =	slt.s32 s9, $0x1;
	p2 =	sne.s32 s11, s22  }
0xa6: {  	p0 =	por !p1, !p2  }
0xa7: {  	s11 =	simm.s32 $0x1;
	p0 =	por !p0, !p0  }
0xa8: {  	s11 =	simm.s32 @!p0 $0x0  }
0xa9: {  	s10 =	ssub.s32 s10, s11  }
0xaa: {  	s11 =	smul.u32 $0xFFFFFFAF, s10;
	_ =	sdelay $0x1  }
0xab: {  	s10 =	smul.u32 $0x51000, s10;
	s9 =	sadd.s32 s9, s11  }
0xac: {  	s9 =	sshll.u32 s9, $0xC  }
0xad: {  	s9 =	sadd.s32 s10, s9  }
0xae: {  	s9 =	sshrl.u32 s9, $0x3  }
0xaf: {  	s23 =	rddreg [dreg:$0x9];
	s9 =	sadd.s32 s4, s9  }
0xb0: {  	[hbm:s23], [sflag:s8] =	dma.local [hbm:s9], $0x200  }
0xb1: {  	v38 =	vld.msk [tilespmem:$0x6], $0x1;
	_ =	sdelay $0x4  }
0xb2: {  	(v2sf) =	vpush v38, $0x0;
	_ =	sdelay $0xe  }
0xb3: {  	s9 =	spop (v2sf)  }
0xb4: {  	s24 =	smulhi.u32 $0x1948B0FD, s9;
	s25 =	sshra.s32 s9, $0x1F  }
0xb5: {  	s11 =	smul.u32 $0x1948B0FD, s25;
	_ =	sdelay $0x1  }
0xb6: {  	s10 =	sadd.s32 s11, s24  }
0xb7: {  	s11 =	sshrl.u32 s10, $0x1F;
	s10 =	sshra.s32 s10, $0x3  }
0xb8: {  	s10 =	sadd.s32 s11, s10  }
0xb9: {  	s11 =	smul.u32 $0xFFFFFFAF, s10  }
0xba: {  	s26 =	ssub.s32 $0x0, s9  }
0xbb: {  	p3 =	slt.s32 s9, $0x1;
	p4 =	sne.s32 s11, s26  }
0xbc: {  	p0 =	por !p3, !p4  }
0xbd: {  	s11 =	simm.s32 $0x1;
	p0 =	por !p0, !p0  }
0xbe: {  	s11 =	simm.s32 @!p0 $0x0  }
0xbf: {  	s10 =	ssub.s32 s10, s11  }
0xc0: {  	s11 =	smul.u32 $0xFFFFFFAF, s10;
	_ =	sdelay $0x1  }
0xc1: {  	s10 =	smul.u32 $0x51000, s10;
	s9 =	sadd.s32 s9, s11  }
0xc2: {  	s9 =	sshll.u32 s9, $0xC  }
0xc3: {  	s9 =	sadd.s32 s10, s9  }
0xc4: {  	s9 =	sshrl.u32 s9, $0x3  }
0xc5: {  	s28 =	rddreg [dreg:$0xa];
	s9 =	sadd.s32 s4, s9  }
0xc6: {  	[hbm:s28], [sflag:s8] =	dma.local [hbm:s9], $0x200  }
0xc7: {  	v39 =	vld.msk [tilespmem:$0x7], $0x1;
	_ =	sdelay $0x4  }
0xc8: {  	(v2sf) =	vpush v39, $0x0;
	_ =	sdelay $0xe  }
0xc9: {  	s9 =	spop (v2sf)  }
0xca: {  	s29 =	smulhi.u32 $0x1948B0FD, s9;
	s30 =	sshra.s32 s9, $0x1F  }
0xcb: {  	s11 =	smul.u32 $0x1948B0FD, s30;
	_ =	sdelay $0x1  }
0xcc: {  	s10 =	sadd.s32 s11, s29  }
0xcd: {  	s11 =	sshrl.u32 s10, $0x1F;
	s10 =	sshra.s32 s10, $0x3  }
0xce: {  	s10 =	sadd.s32 s11, s10  }
0xcf: {  	s11 =	smul.u32 $0xFFFFFFAF, s10  }
0xd0: {  	s31 =	ssub.s32 $0x0, s9  }
0xd1: {  	p5 =	slt.s32 s9, $0x1;
	p6 =	sne.s32 s11, s31  }
0xd2: {  	p0 =	por !p5, !p6  }
0xd3: {  	s11 =	simm.s32 $0x1;
	p0 =	por !p0, !p0  }
0xd4: {  	s11 =	simm.s32 @!p0 $0x0  }
0xd5: {  	s10 =	ssub.s32 s10, s11  }
0xd6: {  	s11 =	smul.u32 $0xFFFFFFAF, s10;
	_ =	sdelay $0x1  }
0xd7: {  	s10 =	smul.u32 $0x51000, s10;
	s9 =	sadd.s32 s9, s11  }
0xd8: {  	s9 =	sshll.u32 s9, $0xC  }
0xd9: {  	s9 =	sadd.s32 s10, s9  }
0xda: {  	s9 =	sshrl.u32 s9, $0x3  }
0xdb: {  	s11 =	rddreg [dreg:$0xb];
	s9 =	sadd.s32 s4, s9  }
0xdc: {  	[hbm:s11], [sflag:s8] =	dma.local [hbm:s9], $0x200  }
0xdd: {  	v40 =	vld.msk [tilespmem:$0x8], $0x1;
	_ =	sdelay $0x4  }
0xde: {  	(v2sf) =	vpush v40, $0x0;
	_ =	sdelay $0xe  }
0xdf: {  	s9 =	spop (v2sf)  }
0xe0: {  	s12 =	smulhi.u32 $0x1948B0FD, s9;
	s13 =	sshra.s32 s9, $0x1F  }
0xe1: {  	s11 =	smul.u32 $0x1948B0FD, s13;
	_ =	sdelay $0x1  }
0xe2: {  	s10 =	sadd.s32 s11, s12  }
0xe3: {  	s11 =	sshrl.u32 s10, $0x1F;
	s10 =	sshra.s32 s10, $0x3  }
0xe4: {  	s10 =	sadd.s32 s11, s10  }
0xe5: {  	s11 =	smul.u32 $0xFFFFFFAF, s10  }
0xe6: {  	s14 =	ssub.s32 $0x0, s9  }
0xe7: {  	p1 =	slt.s32 s9, $0x1;
	p2 =	sne.s32 s11, s14  }
0xe8: {  	p0 =	por !p1, !p2  }
0xe9: {  	s11 =	simm.s32 $0x1;
	p0 =	por !p0, !p0  }
0xea: {  	s11 =	simm.s32 @!p0 $0x0  }
0xeb: {  	s10 =	ssub.s32 s10, s11  }
0xec: {  	s11 =	smul.u32 $0xFFFFFFAF, s10;
	_ =	sdelay $0x1  }
0xed: {  	s10 =	smul.u32 $0x51000, s10;
	s9 =	sadd.s32 s9, s11  }
0xee: {  	s9 =	sshll.u32 s9, $0xC  }
0xef: {  	s9 =	sadd.s32 s10, s9  }
0xf0: {  	s9 =	sshrl.u32 s9, $0x3  }
0xf1: {  	s15 =	rddreg [dreg:$0xc];
	s9 =	sadd.s32 s4, s9  }
0xf2: {  	[hbm:s15], [sflag:s8] =	dma.local [hbm:s9], $0x200  }
0xf3: {  	v41 =	vld.msk [tilespmem:$0x9], $0x1;
	_ =	sdelay $0x4  }
0xf4: {  	(v2sf) =	vpush v41, $0x0;
	_ =	sdelay $0xe  }
0xf5: {  	s9 =	spop (v2sf)  }
0xf6: {  	s16 =	smulhi.u32 $0x1948B0FD, s9;
	s17 =	sshra.s32 s9, $0x1F  }
0xf7: {  	s11 =	smul.u32 $0x1948B0FD, s17;
	_ =	sdelay $0x1  }
0xf8: {  	s10 =	sadd.s32 s11, s16  }
0xf9: {  	s11 =	sshrl.u32 s10, $0x1F;
	s10 =	sshra.s32 s10, $0x3  }
0xfa: {  	s10 =	sadd.s32 s11, s10  }
0xfb: {  	s11 =	smul.u32 $0xFFFFFFAF, s10  }
0xfc: {  	s18 =	ssub.s32 $0x0, s9  }
0xfd: {  	p3 =	slt.s32 s9, $0x1;
	p4 =	sne.s32 s11, s18  }
0xfe: {  	p0 =	por !p3, !p4  }
0xff: {  	s11 =	simm.s32 $0x1;
	p0 =	por !p0, !p0  }
0x100: {  	s11 =	simm.s32 @!p0 $0x0  }
0x101: {  	s10 =	ssub.s32 s10, s11  }
0x102: {  	s11 =	smul.u32 $0xFFFFFFAF, s10;
	_ =	sdelay $0x1  }
0x103: {  	s10 =	smul.u32 $0x51000, s10;
	s9 =	sadd.s32 s9, s11  }
0x104: {  	s9 =	sshll.u32 s9, $0xC  }
0x105: {  	s9 =	sadd.s32 s10, s9  }
0x106: {  	s9 =	sshrl.u32 s9, $0x3  }
0x107: {  	s19 =	rddreg [dreg:$0xd];
	s9 =	sadd.s32 s4, s9  }
0x108: {  	[hbm:s19], [sflag:s8] =	dma.local [hbm:s9], $0x200  }
0x109: {  	v42 =	vld.msk [tilespmem:$0xA], $0x1;
	_ =	sdelay $0x4  }
0x10a: {  	(v2sf) =	vpush v42, $0x0;
	_ =	sdelay $0xe  }
0x10b: {  	s9 =	spop (v2sf)  }
0x10c: {  	s20 =	smulhi.u32 $0x1948B0FD, s9;
	s21 =	sshra.s32 s9, $0x1F  }
0x10d: {  	s11 =	smul.u32 $0x1948B0FD, s21;
	_ =	sdelay $0x1  }
0x10e: {  	s10 =	sadd.s32 s11, s20  }
0x10f: {  	s11 =	sshrl.u32 s10, $0x1F;
	s10 =	sshra.s32 s10, $0x3  }
0x110: {  	s10 =	sadd.s32 s11, s10  }
0x111: {  	s11 =	smul.u32 $0xFFFFFFAF, s10  }
0x112: {  	s22 =	ssub.s32 $0x0, s9  }
0x113: {  	p5 =	slt.s32 s9, $0x1;
	p6 =	sne.s32 s11, s22  }
0x114: {  	p0 =	por !p5, !p6  }
0x115: {  	s11 =	simm.s32 $0x1;
	p0 =	por !p0, !p0  }
0x116: {  	s11 =	simm.s32 @!p0 $0x0  }
0x117: {  	s10 =	ssub.s32 s10, s11  }
0x118: {  	s11 =	smul.u32 $0xFFFFFFAF, s10;
	_ =	sdelay $0x1  }
0x119: {  	s10 =	smul.u32 $0x51000, s10;
	s9 =	sadd.s32 s9, s11  }
0x11a: {  	s9 =	sshll.u32 s9, $0xC  }
0x11b: {  	s9 =	sadd.s32 s10, s9  }
0x11c: {  	s9 =	sshrl.u32 s9, $0x3  }
0x11d: {  	s23 =	rddreg [dreg:$0xe];
	s9 =	sadd.s32 s4, s9  }
0x11e: {  	[hbm:s23], [sflag:s8] =	dma.local [hbm:s9], $0x200  }
0x11f: {  	v43 =	vld.msk [tilespmem:$0xB], $0x1;
	_ =	sdelay $0x4  }
0x120: {  	(v2sf) =	vpush v43, $0x0;
	_ =	sdelay $0xe  }
0x121: {  	s9 =	spop (v2sf)  }
0x122: {  	s24 =	smulhi.u32 $0x1948B0FD, s9;
	s25 =	sshra.s32 s9, $0x1F  }
0x123: {  	s11 =	smul.u32 $0x1948B0FD, s25;
	_ =	sdelay $0x1  }
0x124: {  	s10 =	sadd.s32 s11, s24  }
0x125: {  	s11 =	sshrl.u32 s10, $0x1F;
	s10 =	sshra.s32 s10, $0x3  }
0x126: {  	s10 =	sadd.s32 s11, s10  }
0x127: {  	s11 =	smul.u32 $0xFFFFFFAF, s10  }
0x128: {  	s26 =	ssub.s32 $0x0, s9  }
0x129: {  	p1 =	slt.s32 s9, $0x1;
	p2 =	sne.s32 s11, s26  }
0x12a: {  	p0 =	por !p1, !p2  }
0x12b: {  	s11 =	simm.s32 $0x1;
	p0 =	por !p0, !p0  }
0x12c: {  	s11 =	simm.s32 @!p0 $0x0  }
0x12d: {  	s10 =	ssub.s32 s10, s11  }
0x12e: {  	s11 =	smul.u32 $0xFFFFFFAF, s10;
	_ =	sdelay $0x1  }
0x12f: {  	s10 =	smul.u32 $0x51000, s10;
	s9 =	sadd.s32 s9, s11  }
0x130: {  	s9 =	sshll.u32 s9, $0xC  }
0x131: {  	s9 =	sadd.s32 s10, s9  }
0x132: {  	s9 =	sshrl.u32 s9, $0x3  }
0x133: {  	s28 =	rddreg [dreg:$0xf];
	s9 =	sadd.s32 s4, s9  }
0x134: {  	[hbm:s28], [sflag:s8] =	dma.local [hbm:s9], $0x200  }
0x135: {  	v44 =	vld.msk [tilespmem:$0xC], $0x1;
	_ =	sdelay $0x4  }
0x136: {  	(v2sf) =	vpush v44, $0x0;
	_ =	sdelay $0xe  }
0x137: {  	s9 =	spop (v2sf)  }
0x138: {  	s29 =	smulhi.u32 $0x1948B0FD, s9;
	s30 =	sshra.s32 s9, $0x1F  }
0x139: {  	s11 =	smul.u32 $0x1948B0FD, s30;
	_ =	sdelay $0x1  }
0x13a: {  	s10 =	sadd.s32 s11, s29  }
0x13b: {  	s11 =	sshrl.u32 s10, $0x1F;
	s10 =	sshra.s32 s10, $0x3  }
0x13c: {  	s10 =	sadd.s32 s11, s10  }
0x13d: {  	s11 =	smul.u32 $0xFFFFFFAF, s10  }
0x13e: {  	s31 =	ssub.s32 $0x0, s9  }
0x13f: {  	p3 =	slt.s32 s9, $0x1;
	p4 =	sne.s32 s11, s31  }
0x140: {  	p0 =	por !p3, !p4  }
0x141: {  	s11 =	simm.s32 $0x1;
	p0 =	por !p0, !p0  }
0x142: {  	s11 =	simm.s32 @!p0 $0x0  }
0x143: {  	s10 =	ssub.s32 s10, s11  }
0x144: {  	s11 =	smul.u32 $0xFFFFFFAF, s10;
	_ =	sdelay $0x1  }
0x145: {  	s10 =	smul.u32 $0x51000, s10;
	s9 =	sadd.s32 s9, s11  }
0x146: {  	s9 =	sshll.u32 s9, $0xC  }
0x147: {  	s9 =	sadd.s32 s10, s9  }
0x148: {  	s9 =	sshrl.u32 s9, $0x3  }
0x149: {  	s11 =	rddreg [dreg:$0x10];
	s9 =	sadd.s32 s4, s9  }
0x14a: {  	[hbm:s11], [sflag:s8] =	dma.local [hbm:s9], $0x200  }
0x14b: {  	v45 =	vld.msk [tilespmem:$0xD], $0x1;
	_ =	sdelay $0x4  }
0x14c: {  	(v2sf) =	vpush v45, $0x0;
	_ =	sdelay $0xe  }
0x14d: {  	s9 =	spop (v2sf)  }
0x14e: {  	s12 =	smulhi.u32 $0x1948B0FD, s9;
	s13 =	sshra.s32 s9, $0x1F  }
0x14f: {  	s11 =	smul.u32 $0x1948B0FD, s13;
	_ =	sdelay $0x1  }
0x150: {  	s10 =	sadd.s32 s11, s12  }
0x151: {  	s11 =	sshrl.u32 s10, $0x1F;
	s10 =	sshra.s32 s10, $0x3  }
0x152: {  	s10 =	sadd.s32 s11, s10  }
0x153: {  	s11 =	smul.u32 $0xFFFFFFAF, s10  }
0x154: {  	s14 =	ssub.s32 $0x0, s9  }
0x155: {  	p5 =	slt.s32 s9, $0x1;
	p6 =	sne.s32 s11, s14  }
0x156: {  	p0 =	por !p5, !p6  }
0x157: {  	s11 =	simm.s32 $0x1;
	p0 =	por !p0, !p0  }
0x158: {  	s11 =	simm.s32 @!p0 $0x0  }
0x159: {  	s10 =	ssub.s32 s10, s11  }
0x15a: {  	s11 =	smul.u32 $0xFFFFFFAF, s10;
	_ =	sdelay $0x1  }
0x15b: {  	s10 =	smul.u32 $0x51000, s10;
	s9 =	sadd.s32 s9, s11  }
0x15c: {  	s9 =	sshll.u32 s9, $0xC  }
0x15d: {  	s9 =	sadd.s32 s10, s9  }
0x15e: {  	s9 =	sshrl.u32 s9, $0x3  }
0x15f: {  	s15 =	rddreg [dreg:$0x11];
	s9 =	sadd.s32 s4, s9  }
0x160: {  	[hbm:s15], [sflag:s8] =	dma.local [hbm:s9], $0x200  }
0x161: {  	v46 =	vld.msk [tilespmem:$0xE], $0x1;
	_ =	sdelay $0x4  }
0x162: {  	(v2sf) =	vpush v46, $0x0;
	_ =	sdelay $0xe  }
0x163: {  	s9 =	spop (v2sf)  }
0x164: {  	s16 =	smulhi.u32 $0x1948B0FD, s9;
	s17 =	sshra.s32 s9, $0x1F  }
0x165: {  	s11 =	smul.u32 $0x1948B0FD, s17;
	_ =	sdelay $0x1  }
0x166: {  	s10 =	sadd.s32 s11, s16  }
0x167: {  	s11 =	sshrl.u32 s10, $0x1F;
	s10 =	sshra.s32 s10, $0x3  }
0x168: {  	s10 =	sadd.s32 s11, s10  }
0x169: {  	s11 =	smul.u32 $0xFFFFFFAF, s10  }
0x16a: {  	s18 =	ssub.s32 $0x0, s9  }
0x16b: {  	p1 =	slt.s32 s9, $0x1;
	p2 =	sne.s32 s11, s18  }
0x16c: {  	p0 =	por !p1, !p2  }
0x16d: {  	s11 =	simm.s32 $0x1;
	p0 =	por !p0, !p0  }
0x16e: {  	s11 =	simm.s32 @!p0 $0x0  }
0x16f: {  	s10 =	ssub.s32 s10, s11  }
0x170: {  	s11 =	smul.u32 $0xFFFFFFAF, s10;
	_ =	sdelay $0x1  }
0x171: {  	s10 =	smul.u32 $0x51000, s10;
	s9 =	sadd.s32 s9, s11  }
0x172: {  	s9 =	sshll.u32 s9, $0xC  }
0x173: {  	s9 =	sadd.s32 s10, s9  }
0x174: {  	s9 =	sshrl.u32 s9, $0x3  }
0x175: {  	s19 =	rddreg [dreg:$0x12];
	s9 =	sadd.s32 s4, s9  }
0x176: {  	[hbm:s19], [sflag:s8] =	dma.local [hbm:s9], $0x200  }
0x177: {  	v47 =	vld.msk [tilespmem:$0xF], $0x1;
	_ =	sdelay $0x4  }
0x178: {  	(v2sf) =	vpush v47, $0x0;
	_ =	sdelay $0xe  }
0x179: {  	s9 =	spop (v2sf)  }
0x17a: {  	s20 =	smulhi.u32 $0x1948B0FD, s9;
	s21 =	sshra.s32 s9, $0x1F  }
0x17b: {  	s11 =	smul.u32 $0x1948B0FD, s21;
	_ =	sdelay $0x1  }
0x17c: {  	s10 =	sadd.s32 s11, s20  }
0x17d: {  	s11 =	sshrl.u32 s10, $0x1F;
	s10 =	sshra.s32 s10, $0x3  }
0x17e: {  	s10 =	sadd.s32 s11, s10  }
0x17f: {  	s11 =	smul.u32 $0xFFFFFFAF, s10  }
0x180: {  	s22 =	ssub.s32 $0x0, s9  }
0x181: {  	p3 =	slt.s32 s9, $0x1;
	p4 =	sne.s32 s11, s22  }
0x182: {  	p0 =	por !p3, !p4  }
0x183: {  	s11 =	simm.s32 $0x1;
	p0 =	por !p0, !p0  }
0x184: {  	s11 =	simm.s32 @!p0 $0x0  }
0x185: {  	s10 =	ssub.s32 s10, s11  }
0x186: {  	s11 =	smul.u32 $0xFFFFFFAF, s10;
	_ =	sdelay $0x1  }
0x187: {  	s10 =	smul.u32 $0x51000, s10;
	s9 =	sadd.s32 s9, s11  }
0x188: {  	s9 =	sshll.u32 s9, $0xC  }
0x189: {  	s9 =	sadd.s32 s10, s9  }
0x18a: {  	s9 =	sshrl.u32 s9, $0x3  }
0x18b: {  	s23 =	rddreg [dreg:$0x13];
	s9 =	sadd.s32 s4, s9  }
0x18c: {  	[hbm:s23], [sflag:s8] =	dma.local [hbm:s9], $0x200  }
0x18d: {  	v48 =	vld.msk [tilespmem:$0x10], $0x1;
	_ =	sdelay $0x4  }
0x18e: {  	(v2sf) =	vpush v48, $0x0;
	_ =	sdelay $0xe  }
0x18f: {  	s9 =	spop (v2sf)  }
0x190: {  	s24 =	smulhi.u32 $0x1948B0FD, s9;
	s25 =	sshra.s32 s9, $0x1F  }
0x191: {  	s11 =	smul.u32 $0x1948B0FD, s25;
	_ =	sdelay $0x1  }
0x192: {  	s10 =	sadd.s32 s11, s24  }
0x193: {  	s11 =	sshrl.u32 s10, $0x1F;
	s10 =	sshra.s32 s10, $0x3  }
0x194: {  	s10 =	sadd.s32 s11, s10  }
0x195: {  	s11 =	smul.u32 $0xFFFFFFAF, s10  }
0x196: {  	s26 =	ssub.s32 $0x0, s9  }
0x197: {  	p5 =	slt.s32 s9, $0x1;
	p6 =	sne.s32 s11, s26  }
0x198: {  	p0 =	por !p5, !p6  }
0x199: {  	s11 =	simm.s32 $0x1;
	p0 =	por !p0, !p0  }
0x19a: {  	s11 =	simm.s32 @!p0 $0x0  }
0x19b: {  	s10 =	ssub.s32 s10, s11  }
0x19c: {  	s11 =	smul.u32 $0xFFFFFFAF, s10;
	_ =	sdelay $0x1  }
0x19d: {  	s10 =	smul.u32 $0x51000, s10;
	s9 =	sadd.s32 s9, s11  }
0x19e: {  	s9 =	sshll.u32 s9, $0xC  }
0x19f: {  	s9 =	sadd.s32 s10, s9  }
0x1a0: {  	s9 =	sshrl.u32 s9, $0x3  }
0x1a1: {  	s28 =	rddreg [dreg:$0x14];
	s9 =	sadd.s32 s4, s9  }
0x1a2: {  	[hbm:s28], [sflag:s8] =	dma.local [hbm:s9], $0x200  }
0x1a3: {  	v49 =	vld.msk [tilespmem:$0x11], $0x1;
	_ =	sdelay $0x4  }
0x1a4: {  	(v2sf) =	vpush v49, $0x0;
	_ =	sdelay $0xe  }
0x1a5: {  	s9 =	spop (v2sf)  }
0x1a6: {  	s29 =	smulhi.u32 $0x1948B0FD, s9;
	s30 =	sshra.s32 s9, $0x1F  }
0x1a7: {  	s11 =	smul.u32 $0x1948B0FD, s30;
	_ =	sdelay $0x1  }
0x1a8: {  	s10 =	sadd.s32 s11, s29  }
0x1a9: {  	s11 =	sshrl.u32 s10, $0x1F;
	s10 =	sshra.s32 s10, $0x3  }
0x1aa: {  	s10 =	sadd.s32 s11, s10  }
0x1ab: {  	s11 =	smul.u32 $0xFFFFFFAF, s10  }
0x1ac: {  	s31 =	ssub.s32 $0x0, s9  }
0x1ad: {  	p1 =	slt.s32 s9, $0x1;
	p2 =	sne.s32 s11, s31  }
0x1ae: {  	p0 =	por !p1, !p2  }
0x1af: {  	s11 =	simm.s32 $0x1;
	p0 =	por !p0, !p0  }
0x1b0: {  	s11 =	simm.s32 @!p0 $0x0  }
0x1b1: {  	s10 =	ssub.s32 s10, s11  }
0x1b2: {  	s11 =	smul.u32 $0xFFFFFFAF, s10;
	_ =	sdelay $0x1  }
0x1b3: {  	s10 =	smul.u32 $0x51000, s10;
	s9 =	sadd.s32 s9, s11  }
0x1b4: {  	s9 =	sshll.u32 s9, $0xC  }
0x1b5: {  	s9 =	sadd.s32 s10, s9  }
0x1b6: {  	s9 =	sshrl.u32 s9, $0x3  }
0x1b7: {  	s11 =	rddreg [dreg:$0x15];
	s9 =	sadd.s32 s4, s9  }
0x1b8: {  	[hbm:s11], [sflag:s8] =	dma.local [hbm:s9], $0x200  }
0x1b9: {  	v50 =	vld.msk [tilespmem:$0x12], $0x1;
	_ =	sdelay $0x4  }
0x1ba: {  	(v2sf) =	vpush v50, $0x0;
	_ =	sdelay $0xe  }
0x1bb: {  	s9 =	spop (v2sf)  }
0x1bc: {  	s12 =	smulhi.u32 $0x1948B0FD, s9;
	s13 =	sshra.s32 s9, $0x1F  }
0x1bd: {  	s11 =	smul.u32 $0x1948B0FD, s13;
	_ =	sdelay $0x1  }
0x1be: {  	s10 =	sadd.s32 s11, s12  }
0x1bf: {  	s11 =	sshrl.u32 s10, $0x1F;
	s10 =	sshra.s32 s10, $0x3  }
0x1c0: {  	s10 =	sadd.s32 s11, s10  }
0x1c1: {  	s11 =	smul.u32 $0xFFFFFFAF, s10  }
0x1c2: {  	s14 =	ssub.s32 $0x0, s9  }
0x1c3: {  	p3 =	slt.s32 s9, $0x1;
	p4 =	sne.s32 s11, s14  }
0x1c4: {  	p0 =	por !p3, !p4  }
0x1c5: {  	s11 =	simm.s32 $0x1;
	p0 =	por !p0, !p0  }
0x1c6: {  	s11 =	simm.s32 @!p0 $0x0  }
0x1c7: {  	s10 =	ssub.s32 s10, s11  }
0x1c8: {  	s11 =	smul.u32 $0xFFFFFFAF, s10;
	_ =	sdelay $0x1  }
0x1c9: {  	s10 =	smul.u32 $0x51000, s10;
	s9 =	sadd.s32 s9, s11  }
0x1ca: {  	s9 =	sshll.u32 s9, $0xC  }
0x1cb: {  	s9 =	sadd.s32 s10, s9  }
0x1cc: {  	s9 =	sshrl.u32 s9, $0x3  }
0x1cd: {  	s15 =	rddreg [dreg:$0x16];
	s9 =	sadd.s32 s4, s9  }
0x1ce: {  	[hbm:s15], [sflag:s8] =	dma.local [hbm:s9], $0x200  }
0x1cf: {  	v51 =	vld.msk [tilespmem:$0x13], $0x1;
	_ =	sdelay $0x4  }
0x1d0: {  	(v2sf) =	vpush v51, $0x0;
	_ =	sdelay $0xe  }
0x1d1: {  	s9 =	spop (v2sf)  }
0x1d2: {  	s16 =	smulhi.u32 $0x1948B0FD, s9;
	s17 =	sshra.s32 s9, $0x1F  }
0x1d3: {  	s11 =	smul.u32 $0x1948B0FD, s17;
	_ =	sdelay $0x1  }
0x1d4: {  	s10 =	sadd.s32 s11, s16  }
0x1d5: {  	s11 =	sshrl.u32 s10, $0x1F;
	s10 =	sshra.s32 s10, $0x3  }
0x1d6: {  	s10 =	sadd.s32 s11, s10  }
0x1d7: {  	s11 =	smul.u32 $0xFFFFFFAF, s10  }
0x1d8: {  	s18 =	ssub.s32 $0x0, s9  }
0x1d9: {  	p5 =	slt.s32 s9, $0x1;
	p6 =	sne.s32 s11, s18  }
0x1da: {  	p0 =	por !p5, !p6  }
0x1db: {  	s11 =	simm.s32 $0x1;
	p0 =	por !p0, !p0  }
0x1dc: {  	s11 =	simm.s32 @!p0 $0x0  }
0x1dd: {  	s10 =	ssub.s32 s10, s11  }
0x1de: {  	s11 =	smul.u32 $0xFFFFFFAF, s10;
	_ =	sdelay $0x1  }
0x1df: {  	s10 =	smul.u32 $0x51000, s10;
	s9 =	sadd.s32 s9, s11  }
0x1e0: {  	s9 =	sshll.u32 s9, $0xC  }
0x1e1: {  	s9 =	sadd.s32 s10, s9  }
0x1e2: {  	s9 =	sshrl.u32 s9, $0x3  }
0x1e3: {  	s19 =	rddreg [dreg:$0x17];
	s9 =	sadd.s32 s4, s9  }
0x1e4: {  	[hbm:s19], [sflag:s8] =	dma.local [hbm:s9], $0x200  }
0x1e5: {  	v52 =	vld.msk [tilespmem:$0x14], $0x1;
	_ =	sdelay $0x4  }
0x1e6: {  	(v2sf) =	vpush v52, $0x0;
	_ =	sdelay $0xe  }
0x1e7: {  	s9 =	spop (v2sf)  }
0x1e8: {  	s20 =	smulhi.u32 $0x1948B0FD, s9;
	s21 =	sshra.s32 s9, $0x1F  }
0x1e9: {  	s11 =	smul.u32 $0x1948B0FD, s21;
	_ =	sdelay $0x1  }
0x1ea: {  	s10 =	sadd.s32 s11, s20  }
0x1eb: {  	s11 =	sshrl.u32 s10, $0x1F;
	s10 =	sshra.s32 s10, $0x3  }
0x1ec: {  	s10 =	sadd.s32 s11, s10  }
0x1ed: {  	s11 =	smul.u32 $0xFFFFFFAF, s10  }
0x1ee: {  	s22 =	ssub.s32 $0x0, s9  }
0x1ef: {  	p1 =	slt.s32 s9, $0x1;
	p2 =	sne.s32 s11, s22  }
0x1f0: {  	p0 =	por !p1, !p2  }
0x1f1: {  	s11 =	simm.s32 $0x1;
	p0 =	por !p0, !p0  }
0x1f2: {  	s11 =	simm.s32 @!p0 $0x0  }
0x1f3: {  	s10 =	ssub.s32 s10, s11  }
0x1f4: {  	s11 =	smul.u32 $0xFFFFFFAF, s10;
	_ =	sdelay $0x1  }
0x1f5: {  	s10 =	smul.u32 $0x51000, s10;
	s9 =	sadd.s32 s9, s11  }
0x1f6: {  	s9 =	sshll.u32 s9, $0xC  }
0x1f7: {  	s9 =	sadd.s32 s10, s9  }
0x1f8: {  	s9 =	sshrl.u32 s9, $0x3  }
0x1f9: {  	s23 =	rddreg [dreg:$0x18];
	s9 =	sadd.s32 s4, s9  }
0x1fa: {  	[hbm:s23], [sflag:s8] =	dma.local [hbm:s9], $0x200  }
0x1fb: {  	v53 =	vld.msk [tilespmem:$0x15], $0x1;
	_ =	sdelay $0x4  }
0x1fc: {  	(v2sf) =	vpush v53, $0x0;
	_ =	sdelay $0xe  }
0x1fd: {  	s9 =	spop (v2sf)  }
0x1fe: {  	s24 =	smulhi.u32 $0x1948B0FD, s9;
	s25 =	sshra.s32 s9, $0x1F  }
0x1ff: {  	s11 =	smul.u32 $0x1948B0FD, s25;
	_ =	sdelay $0x1  }
0x200: {  	s10 =	sadd.s32 s11, s24  }
0x201: {  	s11 =	sshrl.u32 s10, $0x1F;
	s10 =	sshra.s32 s10, $0x3  }
0x202: {  	s10 =	sadd.s32 s11, s10  }
0x203: {  	s11 =	smul.u32 $0xFFFFFFAF, s10  }
0x204: {  	s26 =	ssub.s32 $0x0, s9  }
0x205: {  	p3 =	slt.s32 s9, $0x1;
	p4 =	sne.s32 s11, s26  }
0x206: {  	p0 =	por !p3, !p4  }
0x207: {  	s11 =	simm.s32 $0x1;
	p0 =	por !p0, !p0  }
0x208: {  	s11 =	simm.s32 @!p0 $0x0  }
0x209: {  	s10 =	ssub.s32 s10, s11  }
0x20a: {  	s11 =	smul.u32 $0xFFFFFFAF, s10;
	_ =	sdelay $0x1  }
0x20b: {  	s10 =	smul.u32 $0x51000, s10;
	s9 =	sadd.s32 s9, s11  }
0x20c: {  	s9 =	sshll.u32 s9, $0xC  }
0x20d: {  	s9 =	sadd.s32 s10, s9  }
0x20e: {  	s9 =	sshrl.u32 s9, $0x3  }
0x20f: {  	s28 =	rddreg [dreg:$0x19];
	s9 =	sadd.s32 s4, s9  }
0x210: {  	[hbm:s28], [sflag:s8] =	dma.local [hbm:s9], $0x200  }
0x211: {  	v54 =	vld.msk [tilespmem:$0x16], $0x1;
	_ =	sdelay $0x4  }
0x212: {  	(v2sf) =	vpush v54, $0x0;
	_ =	sdelay $0xe  }
0x213: {  	s9 =	spop (v2sf)  }
0x214: {  	s29 =	smulhi.u32 $0x1948B0FD, s9;
	s30 =	sshra.s32 s9, $0x1F  }
0x215: {  	s11 =	smul.u32 $0x1948B0FD, s30;
	_ =	sdelay $0x1  }
0x216: {  	s10 =	sadd.s32 s11, s29  }
0x217: {  	s11 =	sshrl.u32 s10, $0x1F;
	s10 =	sshra.s32 s10, $0x3  }
0x218: {  	s10 =	sadd.s32 s11, s10  }
0x219: {  	s11 =	smul.u32 $0xFFFFFFAF, s10  }
0x21a: {  	s31 =	ssub.s32 $0x0, s9  }
0x21b: {  	p5 =	slt.s32 s9, $0x1;
	p6 =	sne.s32 s11, s31  }
0x21c: {  	p0 =	por !p5, !p6  }
0x21d: {  	s11 =	simm.s32 $0x1;
	p0 =	por !p0, !p0  }
0x21e: {  	s11 =	simm.s32 @!p0 $0x0  }
0x21f: {  	s10 =	ssub.s32 s10, s11  }
0x220: {  	s11 =	smul.u32 $0xFFFFFFAF, s10;
	_ =	sdelay $0x1  }
0x221: {  	s10 =	smul.u32 $0x51000, s10;
	s9 =	sadd.s32 s9, s11  }
0x222: {  	s9 =	sshll.u32 s9, $0xC  }
0x223: {  	s9 =	sadd.s32 s10, s9  }
0x224: {  	s9 =	sshrl.u32 s9, $0x3  }
0x225: {  	s13 =	rddreg [dreg:$0x1a];
	s9 =	sadd.s32 s4, s9  }
0x226: {  	[hbm:s13], [sflag:s8] =	dma.local [hbm:s9], $0x200  }
0x227: {  	v55 =	vld.msk [tilespmem:$0x17], $0x1;
	_ =	sdelay $0x4  }
0x228: {  	(v2sf) =	vpush v55, $0x0;
	_ =	sdelay $0xe  }
0x229: {  	s9 =	spop (v2sf)  }
0x22a: {  	s14 =	smulhi.u32 $0x1948B0FD, s9;
	s15 =	sshra.s32 s9, $0x1F  }
0x22b: {  	s11 =	smul.u32 $0x1948B0FD, s15;
	_ =	sdelay $0x1  }
0x22c: {  	s10 =	sadd.s32 s11, s14  }
0x22d: {  	s11 =	sshrl.u32 s10, $0x1F;
	s10 =	sshra.s32 s10, $0x3  }
0x22e: {  	s10 =	sadd.s32 s11, s10  }
0x22f: {  	s11 =	smul.u32 $0xFFFFFFAF, s10  }
0x230: {  	s16 =	ssub.s32 $0x0, s9  }
0x231: {  	p1 =	slt.s32 s9, $0x1;
	p2 =	sne.s32 s11, s16  }
0x232: {  	p0 =	por !p1, !p2  }
0x233: {  	s11 =	simm.s32 $0x1;
	p0 =	por !p0, !p0  }
0x234: {  	s11 =	simm.s32 @!p0 $0x0  }
0x235: {  	s10 =	ssub.s32 s10, s11  }
0x236: {  	s11 =	smul.u32 $0xFFFFFFAF, s10;
	_ =	sdelay $0x1  }
0x237: {  	s10 =	smul.u32 $0x51000, s10;
	s9 =	sadd.s32 s9, s11  }
0x238: {  	s9 =	sshll.u32 s9, $0xC  }
0x239: {  	s9 =	sadd.s32 s10, s9  }
0x23a: {  	s9 =	sshrl.u32 s9, $0x3  }
0x23b: {  	s17 =	rddreg [dreg:$0x1b];
	s9 =	sadd.s32 s4, s9  }
0x23c: {  	[hbm:s17], [sflag:s8] =	dma.local [hbm:s9], $0x200  }
0x23d: {  	v56 =	vld.msk [tilespmem:$0x18], $0x1;
	_ =	sdelay $0x4  }
0x23e: {  	(v2sf) =	vpush v56, $0x0;
	_ =	sdelay $0xe  }
0x23f: {  	s9 =	spop (v2sf)  }
0x240: {  	s18 =	smulhi.u32 $0x1948B0FD, s9;
	s19 =	sshra.s32 s9, $0x1F  }
0x241: {  	s11 =	smul.u32 $0x1948B0FD, s19;
	_ =	sdelay $0x1  }
0x242: {  	s10 =	sadd.s32 s11, s18  }
0x243: {  	s11 =	sshrl.u32 s10, $0x1F;
	s10 =	sshra.s32 s10, $0x3  }
0x244: {  	s10 =	sadd.s32 s11, s10  }
0x245: {  	s11 =	smul.u32 $0xFFFFFFAF, s10  }
0x246: {  	s20 =	ssub.s32 $0x0, s9  }
0x247: {  	p3 =	slt.s32 s9, $0x1;
	p4 =	sne.s32 s11, s20  }
0x248: {  	p0 =	por !p3, !p4  }
0x249: {  	s11 =	simm.s32 $0x1;
	p0 =	por !p0, !p0  }
0x24a: {  	s11 =	simm.s32 @!p0 $0x0  }
0x24b: {  	s10 =	ssub.s32 s10, s11  }
0x24c: {  	s11 =	smul.u32 $0xFFFFFFAF, s10;
	_ =	sdelay $0x1  }
0x24d: {  	s10 =	smul.u32 $0x51000, s10;
	s9 =	sadd.s32 s9, s11  }
0x24e: {  	s9 =	sshll.u32 s9, $0xC  }
0x24f: {  	s9 =	sadd.s32 s10, s9  }
0x250: {  	s9 =	sshrl.u32 s9, $0x3  }
0x251: {  	s21 =	rddreg [dreg:$0x1c];
	s9 =	sadd.s32 s4, s9  }
0x252: {  	[hbm:s21], [sflag:s8] =	dma.local [hbm:s9], $0x200  }
0x253: {  	v57 =	vld.msk [tilespmem:$0x19], $0x1;
	_ =	sdelay $0x4  }
0x254: {  	(v2sf) =	vpush v57, $0x0;
	_ =	sdelay $0xe  }
0x255: {  	s9 =	spop (v2sf)  }
0x256: {  	s22 =	smulhi.u32 $0x1948B0FD, s9;
	s23 =	sshra.s32 s9, $0x1F  }
0x257: {  	s11 =	smul.u32 $0x1948B0FD, s23;
	_ =	sdelay $0x1  }
0x258: {  	s10 =	sadd.s32 s11, s22  }
0x259: {  	s11 =	sshrl.u32 s10, $0x1F;
	s10 =	sshra.s32 s10, $0x3  }
0x25a: {  	s10 =	sadd.s32 s11, s10  }
0x25b: {  	s11 =	smul.u32 $0xFFFFFFAF, s10  }
0x25c: {  	s24 =	ssub.s32 $0x0, s9  }
0x25d: {  	p5 =	slt.s32 s9, $0x1;
	p6 =	sne.s32 s11, s24  }
0x25e: {  	p0 =	por !p5, !p6  }
0x25f: {  	s11 =	simm.s32 $0x1;
	p0 =	por !p0, !p0  }
0x260: {  	s11 =	simm.s32 @!p0 $0x0  }
0x261: {  	s10 =	ssub.s32 s10, s11  }
0x262: {  	s11 =	smul.u32 $0xFFFFFFAF, s10;
	_ =	sdelay $0x1  }
0x263: {  	s10 =	smul.u32 $0x51000, s10;
	s9 =	sadd.s32 s9, s11  }
0x264: {  	s9 =	sshll.u32 s9, $0xC  }
0x265: {  	s9 =	sadd.s32 s10, s9  }
0x266: {  	s9 =	sshrl.u32 s9, $0x3  }
0x267: {  	s25 =	rddreg [dreg:$0x1d];
	s9 =	sadd.s32 s4, s9  }
0x268: {  	[hbm:s25], [sflag:s8] =	dma.local [hbm:s9], $0x200  }
0x269: {  	v58 =	vld.msk [tilespmem:$0x1A], $0x1;
	_ =	sdelay $0x4  }
0x26a: {  	(v2sf) =	vpush v58, $0x0;
	_ =	sdelay $0xe  }
0x26b: {  	s9 =	spop (v2sf)  }
0x26c: {  	s26 =	smulhi.u32 $0x1948B0FD, s9;
	s28 =	sshra.s32 s9, $0x1F  }
0x26d: {  	s11 =	smul.u32 $0x1948B0FD, s28;
	_ =	sdelay $0x1  }
0x26e: {  	s10 =	sadd.s32 s11, s26  }
0x26f: {  	s11 =	sshrl.u32 s10, $0x1F;
	s10 =	sshra.s32 s10, $0x3  }
0x270: {  	s10 =	sadd.s32 s11, s10  }
0x271: {  	s11 =	smul.u32 $0xFFFFFFAF, s10  }
0x272: {  	s29 =	ssub.s32 $0x0, s9  }
0x273: {  	p1 =	slt.s32 s9, $0x1;
	p2 =	sne.s32 s11, s29  }
0x274: {  	p0 =	por !p1, !p2  }
0x275: {  	s11 =	simm.s32 $0x1;
	p0 =	por !p0, !p0  }
0x276: {  	s11 =	simm.s32 @!p0 $0x0  }
0x277: {  	s10 =	ssub.s32 s10, s11  }
0x278: {  	s11 =	smul.u32 $0xFFFFFFAF, s10;
	_ =	sdelay $0x1  }
0x279: {  	s10 =	smul.u32 $0x51000, s10;
	s9 =	sadd.s32 s9, s11  }
0x27a: {  	s9 =	sshll.u32 s9, $0xC  }
0x27b: {  	s9 =	sadd.s32 s10, s9  }
0x27c: {  	s9 =	sshrl.u32 s9, $0x3  }
0x27d: {  	s30 =	rddreg [dreg:$0x1e];
	s9 =	sadd.s32 s4, s9  }
0x27e: {  	[hbm:s30], [sflag:s8] =	dma.local [hbm:s9], $0x200  }
0x27f: {  	v59 =	vld.msk [tilespmem:$0x1B], $0x1;
	_ =	sdelay $0x4  }
0x280: {  	(v2sf) =	vpush v59, $0x0;
	_ =	sdelay $0xe  }
0x281: {  	s9 =	spop (v2sf)  }
0x282: {  	s31 =	smulhi.u32 $0x1948B0FD, s9;
	s12 =	sshra.s32 s9, $0x1F  }
0x283: {  	s11 =	smul.u32 $0x1948B0FD, s12;
	_ =	sdelay $0x1  }
0x284: {  	s10 =	sadd.s32 s11, s31  }
0x285: {  	s11 =	sshrl.u32 s10, $0x1F;
	s10 =	sshra.s32 s10, $0x3  }
0x286: {  	s10 =	sadd.s32 s11, s10  }
0x287: {  	s11 =	smul.u32 $0xFFFFFFAF, s10  }
0x288: {  	s13 =	ssub.s32 $0x0, s9  }
0x289: {  	p3 =	slt.s32 s9, $0x1;
	p4 =	sne.s32 s11, s13  }
0x28a: {  	p0 =	por !p3, !p4  }
0x28b: {  	s11 =	simm.s32 $0x1;
	p0 =	por !p0, !p0  }
0x28c: {  	s11 =	simm.s32 @!p0 $0x0  }
0x28d: {  	s10 =	ssub.s32 s10, s11  }
0x28e: {  	s11 =	smul.u32 $0xFFFFFFAF, s10;
	_ =	sdelay $0x1  }
0x28f: {  	s10 =	smul.u32 $0x51000, s10;
	s9 =	sadd.s32 s9, s11  }
0x290: {  	s9 =	sshll.u32 s9, $0xC  }
0x291: {  	s9 =	sadd.s32 s10, s9  }
0x292: {  	s9 =	sshrl.u32 s9, $0x3  }
0x293: {  	s14 =	rddreg [dreg:$0x1f];
	s9 =	sadd.s32 s4, s9  }
0x294: {  	[hbm:s14], [sflag:s8] =	dma.local [hbm:s9], $0x200  }
0x295: {  	v60 =	vld.msk [tilespmem:$0x1C], $0x1;
	_ =	sdelay $0x4  }
0x296: {  	(v2sf) =	vpush v60, $0x0;
	_ =	sdelay $0xe  }
0x297: {  	s9 =	spop (v2sf)  }
0x298: {  	s15 =	smulhi.u32 $0x1948B0FD, s9;
	s16 =	sshra.s32 s9, $0x1F  }
0x299: {  	s11 =	smul.u32 $0x1948B0FD, s16;
	_ =	sdelay $0x1  }
0x29a: {  	s10 =	sadd.s32 s11, s15  }
0x29b: {  	s11 =	sshrl.u32 s10, $0x1F;
	s10 =	sshra.s32 s10, $0x3  }
0x29c: {  	s10 =	sadd.s32 s11, s10  }
0x29d: {  	s11 =	smul.u32 $0xFFFFFFAF, s10  }
0x29e: {  	s17 =	ssub.s32 $0x0, s9  }
0x29f: {  	p5 =	slt.s32 s9, $0x1;
	p6 =	sne.s32 s11, s17  }
0x2a0: {  	p0 =	por !p5, !p6  }
0x2a1: {  	s11 =	simm.s32 $0x1;
	p0 =	por !p0, !p0  }
0x2a2: {  	s11 =	simm.s32 @!p0 $0x0  }
0x2a3: {  	s10 =	ssub.s32 s10, s11  }
0x2a4: {  	s11 =	smul.u32 $0xFFFFFFAF, s10;
	_ =	sdelay $0x1  }
0x2a5: {  	s10 =	smul.u32 $0x51000, s10;
	s9 =	sadd.s32 s9, s11  }
0x2a6: {  	s9 =	sshll.u32 s9, $0xC  }
0x2a7: {  	s18 =	sld [smem:$0x7FA];
	s9 =	sadd.s32 s10, s9  }
0x2a8: {  	s9 =	sshrl.u32 s9, $0x3  }
0x2a9: {  	s9 =	sadd.s32 s4, s9  }
0x2aa: {  	[hbm:s18], [sflag:s8] =	dma.local [hbm:s9], $0x200  }
0x2ab: {  	v61 =	vld.msk [tilespmem:$0x1D], $0x1;
	_ =	sdelay $0x4  }
0x2ac: {  	(v2sf) =	vpush v61, $0x0;
	_ =	sdelay $0xe  }
0x2ad: {  	s9 =	spop (v2sf)  }
0x2ae: {  	s19 =	smulhi.u32 $0x1948B0FD, s9;
	s20 =	sshra.s32 s9, $0x1F  }
0x2af: {  	s11 =	smul.u32 $0x1948B0FD, s20;
	_ =	sdelay $0x1  }
0x2b0: {  	s10 =	sadd.s32 s11, s19  }
0x2b1: {  	s11 =	sshrl.u32 s10, $0x1F;
	s10 =	sshra.s32 s10, $0x3  }
0x2b2: {  	s10 =	sadd.s32 s11, s10  }
0x2b3: {  	s11 =	smul.u32 $0xFFFFFFAF, s10  }
0x2b4: {  	s21 =	ssub.s32 $0x0, s9  }
0x2b5: {  	p1 =	slt.s32 s9, $0x1;
	p2 =	sne.s32 s11, s21  }
0x2b6: {  	p0 =	por !p1, !p2  }
0x2b7: {  	s11 =	simm.s32 $0x1;
	p0 =	por !p0, !p0  }
0x2b8: {  	s11 =	simm.s32 @!p0 $0x0  }
0x2b9: {  	s10 =	ssub.s32 s10, s11  }
0x2ba: {  	s11 =	smul.u32 $0xFFFFFFAF, s10;
	_ =	sdelay $0x1  }
0x2bb: {  	s10 =	smul.u32 $0x51000, s10;
	s9 =	sadd.s32 s9, s11  }
0x2bc: {  	s9 =	sshll.u32 s9, $0xC  }
0x2bd: {  	s22 =	sld [smem:$0x7FB];
	s9 =	sadd.s32 s10, s9  }
0x2be: {  	s9 =	sshrl.u32 s9, $0x3  }
0x2bf: {  	s9 =	sadd.s32 s4, s9  }
0x2c0: {  	[hbm:s22], [sflag:s8] =	dma.local [hbm:s9], $0x200  }
0x2c1: {  	v62 =	vld.msk [tilespmem:$0x1E], $0x1;
	_ =	sdelay $0x4  }
0x2c2: {  	(v2sf) =	vpush v62, $0x0;
	_ =	sdelay $0xe  }
0x2c3: {  	s9 =	spop (v2sf)  }
0x2c4: {  	s23 =	smulhi.u32 $0x1948B0FD, s9;
	s24 =	sshra.s32 s9, $0x1F  }
0x2c5: {  	s11 =	smul.u32 $0x1948B0FD, s24;
	_ =	sdelay $0x1  }
0x2c6: {  	s10 =	sadd.s32 s11, s23  }
0x2c7: {  	s11 =	sshrl.u32 s10, $0x1F;
	s10 =	sshra.s32 s10, $0x3  }
0x2c8: {  	s10 =	sadd.s32 s11, s10  }
0x2c9: {  	s11 =	smul.u32 $0xFFFFFFAF, s10  }
0x2ca: {  	s25 =	ssub.s32 $0x0, s9  }
0x2cb: {  	p3 =	slt.s32 s9, $0x1;
	p4 =	sne.s32 s11, s25  }
0x2cc: {  	p0 =	por !p3, !p4  }
0x2cd: {  	s11 =	simm.s32 $0x1;
	p0 =	por !p0, !p0  }
0x2ce: {  	s11 =	simm.s32 @!p0 $0x0  }
0x2cf: {  	s10 =	ssub.s32 s10, s11  }
0x2d0: {  	s11 =	smul.u32 $0xFFFFFFAF, s10;
	_ =	sdelay $0x1  }
0x2d1: {  	s10 =	smul.u32 $0x51000, s10;
	s9 =	sadd.s32 s9, s11  }
0x2d2: {  	s9 =	sshll.u32 s9, $0xC  }
0x2d3: {  	s26 =	sld [smem:$0x7FC];
	s9 =	sadd.s32 s10, s9  }
0x2d4: {  	s9 =	sshrl.u32 s9, $0x3  }
0x2d5: {  	s9 =	sadd.s32 s4, s9  }
0x2d6: {  	[hbm:s26], [sflag:s8] =	dma.local [hbm:s9], $0x200  }
0x2d7: {  	v63 =	vld.msk [tilespmem:$0x1F], $0x1;
	_ =	sdelay $0x4  }
0x2d8: {  	(v2sf) =	vpush v63, $0x0;
	_ =	sdelay $0xe  }
0x2d9: {  	s9 =	spop (v2sf)  }
0x2da: {  	s28 =	smulhi.u32 $0x1948B0FD, s9;
	s29 =	sshra.s32 s9, $0x1F  }
0x2db: {  	s11 =	smul.u32 $0x1948B0FD, s29;
	_ =	sdelay $0x1  }
0x2dc: {  	s10 =	sadd.s32 s11, s28  }
0x2dd: {  	s11 =	sshrl.u32 s10, $0x1F;
	s10 =	sshra.s32 s10, $0x3  }
0x2de: {  	s10 =	sadd.s32 s11, s10  }
0x2df: {  	s11 =	smul.u32 $0xFFFFFFAF, s10  }
0x2e0: {  	s30 =	ssub.s32 $0x0, s9  }
0x2e1: {  	p5 =	slt.s32 s9, $0x1;
	p6 =	sne.s32 s11, s30  }
0x2e2: {  	p0 =	por !p5, !p6  }
0x2e3: {  	s11 =	simm.s32 $0x1;
	p0 =	por !p0, !p0  }
0x2e4: {  	s11 =	simm.s32 @!p0 $0x0  }
0x2e5: {  	s10 =	ssub.s32 s10, s11  }
0x2e6: {  	s11 =	smul.u32 $0xFFFFFFAF, s10;
	_ =	sdelay $0x1  }
0x2e7: {  	s10 =	smul.u32 $0x51000, s10;
	s9 =	sadd.s32 s9, s11  }
0x2e8: {  	s9 =	sshll.u32 s9, $0xC  }
0x2e9: {  	s31 =	sld [smem:$0x7FD];
	s9 =	sadd.s32 s10, s9  }
0x2ea: {  	s9 =	sshrl.u32 s9, $0x3  }
0x2eb: {  	s9 =	sadd.s32 s4, s9  }
0x2ec: {  	[hbm:s31], [sflag:s8] =	dma.local [hbm:s9], $0x200  }
0x2ed: {  	_ =	swait.ge [sflag:s7], $0x200  }
0x2ee: {  	[sflag:s7] =	ssyncset.done $0x0  }
0x2ef: {  	[sflag:s7] =	ssyncadd.s32 $0xFFFFFE00  }
0x2f0: {  	_ =	swait.ge [sflag:s7], $0x200  }
0x2f1: {  	[sflag:s7] =	ssyncset.done $0x0  }
0x2f2: {  	[sflag:s7] =	ssyncadd.s32 $0xFFFFFE00  }
0x2f3: {  	_ =	swait.ge [sflag:s7], $0x200  }
0x2f4: {  	[sflag:s7] =	ssyncset.done $0x0  }
0x2f5: {  	[sflag:s7] =	ssyncadd.s32 $0xFFFFFE00  }
0x2f6: {  	_ =	swait.ge [sflag:s7], $0x200  }
0x2f7: {  	[sflag:s7] =	ssyncset.done $0x0  }
0x2f8: {  	[sflag:s7] =	ssyncadd.s32 $0xFFFFFE00  }
0x2f9: {  	_ =	swait.ge [sflag:s7], $0x200  }
0x2fa: {  	[sflag:s7] =	ssyncset.done $0x0  }
0x2fb: {  	[sflag:s7] =	ssyncadd.s32 $0xFFFFFE00  }
0x2fc: {  	_ =	swait.ge [sflag:s7], $0x200  }
0x2fd: {  	[sflag:s7] =	ssyncset.done $0x0  }
0x2fe: {  	[sflag:s7] =	ssyncadd.s32 $0xFFFFFE00  }
0x2ff: {  	_ =	swait.ge [sflag:s7], $0x200  }
0x300: {  	[sflag:s7] =	ssyncset.done $0x0  }
0x301: {  	[sflag:s7] =	ssyncadd.s32 $0xFFFFFE00  }
0x302: {  	_ =	swait.ge [sflag:s7], $0x200  }
0x303: {  	[sflag:s7] =	ssyncset.done $0x0  }
0x304: {  	[sflag:s7] =	ssyncadd.s32 $0xFFFFFE00  }
0x305: {  	_ =	swait.ge [sflag:s7], $0x200  }
0x306: {  	[sflag:s7] =	ssyncset.done $0x0  }
0x307: {  	[sflag:s7] =	ssyncadd.s32 $0xFFFFFE00  }
0x308: {  	_ =	swait.ge [sflag:s7], $0x200  }
0x309: {  	[sflag:s7] =	ssyncset.done $0x0  }
0x30a: {  	[sflag:s7] =	ssyncadd.s32 $0xFFFFFE00  }
0x30b: {  	_ =	swait.ge [sflag:s7], $0x200  }
0x30c: {  	[sflag:s7] =	ssyncset.done $0x0  }
0x30d: {  	[sflag:s7] =	ssyncadd.s32 $0xFFFFFE00  }
0x30e: {  	_ =	swait.ge [sflag:s7], $0x200  }
0x30f: {  	[sflag:s7] =	ssyncset.done $0x0  }
0x310: {  	[sflag:s7] =	ssyncadd.s32 $0xFFFFFE00  }
0x311: {  	_ =	swait.ge [sflag:s7], $0x200  }
0x312: {  	[sflag:s7] =	ssyncset.done $0x0  }
0x313: {  	[sflag:s7] =	ssyncadd.s32 $0xFFFFFE00  }
0x314: {  	_ =	swait.ge [sflag:s7], $0x200  }
0x315: {  	[sflag:s7] =	ssyncset.done $0x0  }
0x316: {  	[sflag:s7] =	ssyncadd.s32 $0xFFFFFE00  }
0x317: {  	_ =	swait.ge [sflag:s7], $0x200  }
0x318: {  	[sflag:s7] =	ssyncset.done $0x0  }
0x319: {  	[sflag:s7] =	ssyncadd.s32 $0xFFFFFE00  }
0x31a: {  	_ =	swait.ge [sflag:s7], $0x200  }
0x31b: {  	[sflag:s7] =	ssyncset.done $0x0  }
0x31c: {  	[sflag:s7] =	ssyncadd.s32 $0xFFFFFE00  }
0x31d: {  	_ =	swait.ge [sflag:s7], $0x200  }
0x31e: {  	[sflag:s7] =	ssyncset.done $0x0  }
0x31f: {  	[sflag:s7] =	ssyncadd.s32 $0xFFFFFE00  }
0x320: {  	_ =	swait.ge [sflag:s7], $0x200  }
0x321: {  	[sflag:s7] =	ssyncset.done $0x0  }
0x322: {  	[sflag:s7] =	ssyncadd.s32 $0xFFFFFE00  }
0x323: {  	_ =	swait.ge [sflag:s7], $0x200  }
0x324: {  	[sflag:s7] =	ssyncset.done $0x0  }
0x325: {  	[sflag:s7] =	ssyncadd.s32 $0xFFFFFE00  }
0x326: {  	_ =	swait.ge [sflag:s7], $0x200  }
0x327: {  	[sflag:s7] =	ssyncset.done $0x0  }
0x328: {  	[sflag:s7] =	ssyncadd.s32 $0xFFFFFE00  }
0x329: {  	_ =	swait.ge [sflag:s7], $0x200  }
0x32a: {  	[sflag:s7] =	ssyncset.done $0x0  }
0x32b: {  	[sflag:s7] =	ssyncadd.s32 $0xFFFFFE00  }
0x32c: {  	_ =	swait.ge [sflag:s7], $0x200  }
0x32d: {  	[sflag:s7] =	ssyncset.done $0x0  }
0x32e: {  	[sflag:s7] =	ssyncadd.s32 $0xFFFFFE00  }
0x32f: {  	_ =	swait.ge [sflag:s7], $0x200  }
0x330: {  	[sflag:s7] =	ssyncset.done $0x0  }
0x331: {  	[sflag:s7] =	ssyncadd.s32 $0xFFFFFE00  }
0x332: {  	_ =	swait.ge [sflag:s7], $0x200  }
0x333: {  	[sflag:s7] =	ssyncset.done $0x0  }
0x334: {  	[sflag:s7] =	ssyncadd.s32 $0xFFFFFE00  }
0x335: {  	_ =	swait.ge [sflag:s7], $0x200  }
0x336: {  	[sflag:s7] =	ssyncset.done $0x0  }
0x337: {  	[sflag:s7] =	ssyncadd.s32 $0xFFFFFE00  }
0x338: {  	_ =	swait.ge [sflag:s7], $0x200  }
0x339: {  	[sflag:s7] =	ssyncset.done $0x0  }
0x33a: {  	[sflag:s7] =	ssyncadd.s32 $0xFFFFFE00  }
0x33b: {  	_ =	swait.ge [sflag:s7], $0x200  }
0x33c: {  	[sflag:s7] =	ssyncset.done $0x0  }
0x33d: {  	[sflag:s7] =	ssyncadd.s32 $0xFFFFFE00  }
0x33e: {  	_ =	swait.ge [sflag:s7], $0x200  }
0x33f: {  	[sflag:s7] =	ssyncset.done $0x0  }
0x340: {  	[sflag:s7] =	ssyncadd.s32 $0xFFFFFE00  }
0x341: {  	_ =	swait.ge [sflag:s7], $0x200  }
0x342: {  	[sflag:s7] =	ssyncset.done $0x0  }
0x343: {  	[sflag:s7] =	ssyncadd.s32 $0xFFFFFE00  }
0x344: {  	_ =	swait.ge [sflag:s7], $0x200  }
0x345: {  	[sflag:s7] =	ssyncset.done $0x0  }
0x346: {  	[sflag:s7] =	ssyncadd.s32 $0xFFFFFE00  }
0x347: {  	p0 =	sne.s32 s5, $0x1;
	_ =	swait.ge [sflag:s7], $0x200  }
.Ltmp0:
0x348: {  	[sflag:s7] =	ssyncset.done $0x0;
	(pc) =	sbr.rel @p0 .LBB2_1-.Ltmp0, $4  }
0x349: {  	[sflag:s7] =	ssyncadd.s32 $0xFFFFFE00  }
0x34a: {  	_ =	swait.ge [sflag:s7], $0x200  }
0x34b: {  	[sflag:s7] =	ssyncset.done $0x0  }
0x34c: {  	s5 =	sadd.s32 $0xFFFFFFFF, s5;
	[sflag:s7] =	ssyncadd.s32 $0xFFFFFE00  }
0x34d: {  	_ =	sfence.sel $0x180000  }
0x34e: {  	[bflag:$0x0] =	sbarrier.arrive $0xFFFF  }
0x34f: {  	p0 =	sne.s32 s0, $0x0;
	_ =	strace $0x90000047  }
0x350: {  	s0 =	sadd.s32 @!p0 $0x100000, s1;
	[bflag:$0x2] =	sbarrier.arrive $0xFFFF  }
0x351: {  	[sflag:s0] =	ssyncadd.tile.s32 @!p0 $0x1;
	_ =	shalt  }
.Lfunc_end2:
_tile_overlayer_lowered:
.L_overlay_start_2:
0x352: {  	(tag) =	ssettag $0x2  }
0x353: {  	s0 =	rddreg [dreg:$0x0];
	s2 =	stileid.u32  }
0x354: {  	s1 =	rddreg [dreg:$0x1];
	p0 =	sne.s32 s2, $0x0  }
0x355: {  	s3 =	rddreg [dreg:$0x2];
	[bflag:$0x3] =	sbarrier.arrive $0xFFFF;
	s2 =	simm.s32 @!p0 $0x1C02  }
0x356: {  	[timem:s3], [sflag:s2] =	dma.local @!p0 [hbm:s0], s1  }
0x357: {  	s0 =	simm.s32 @!p0 $0x2  }
0x358: {  	_ =	swait.ge @!p0 [sflag:s0], s1  }
0x359: {  	s1 =	ssub.s32 @!p0 $0x0, s1;
	[sflag:s0] =	ssyncset.done @!p0 $0x0  }
0x35a: {  	[sflag:s0] =	ssyncadd.s32 @!p0 s1  }
0x35b: {  	[bflag:$0x3] =	sbarrier.arrive $0xFFFF  }
0x35c: {  	_ =	shalt  }

</sc_bundles>
